<compile_context>
chip_gen: v7x
topology: tpu7x:2x2x1
jax: 0.10.2.dev20260603
libtpu: 0.0.44.dev20260713+nightly
codegen_flags: <defaults>
</compile_context>

<pallas_src>
import dataclasses
import functools

import jax
import jax.numpy as jnp
from jax import lax
from jax.experimental import pallas as pl
from jax.experimental.pallas import tpu as pltpu
from jax.experimental.pallas import tpu_sc as plsc

N = 10000
E = 320000
K = 128

NC = 2
NS = 16
NW = NC * NS
EPW = E // NW
C = 40
NCHUNK = EPW // C
DEPTH = 5
LANES = 16
KP = K // 2
RPT = N // NS
ST = 25
NST = RPT // ST


def _sc_compiler_params():
    cp = pltpu.CompilerParams()
    if "needs_layout_passes" in pltpu.CompilerParams.__dataclass_fields__:
        cp = dataclasses.replace(cp, needs_layout_passes=False)
    if "use_tc_tiling_on_sc" in pltpu.CompilerParams.__dataclass_fields__:
        cp = dataclasses.replace(cp, use_tc_tiling_on_sc=False)
    return cp


_UNROLL = 5


def _rne16(b):
    odd = jnp.bitwise_and(lax.shift_right_logical(b, 16), 1)
    return lax.shift_right_logical(b + 0x7FFF + odd, 16)


def _sc_term1(edge_index, a_vals, packed):
    mesh = plsc.VectorSubcoreMesh(core_axis_name="c", subcore_axis_name="s")

    @functools.partial(
        pl.kernel,
        mesh=mesh,
        compiler_params=_sc_compiler_params(),
        out_type=jax.ShapeDtypeStruct((8, 128), jnp.float32),
        scratch_types=[
            pltpu.VMEM((EPW,), jnp.int32),
            pltpu.VMEM((EPW,), jnp.int32),
            pltpu.VMEM((EPW,), jnp.float32),
            [pltpu.VMEM((C, KP), jnp.int32) for _ in range(2 * DEPTH)],
            pltpu.VMEM((LANES,), jnp.float32),
            pltpu.VMEM_SHARED((N, KP), jnp.int32),
            [pltpu.SemaphoreType.DMA for _ in range(2 * DEPTH)],
        ],
    )
    def k(ei_hbm, a_hbm, packed_hbm, out_hbm,
          sidx, didx, av, rowbufs, accv, table, sems):
        sid = lax.axis_index("s")
        wid = sid * NC + lax.axis_index("c")
        base = wid * EPW
        row0 = sid * RPT

        pltpu.sync_copy(packed_hbm.at[pl.ds(row0, RPT), pl.ds(0, KP)],
                        table.at[pl.ds(row0, RPT)])
        pltpu.sync_copy(ei_hbm.at[0, pl.ds(base, EPW)], sidx)
        pltpu.sync_copy(ei_hbm.at[1, pl.ds(base, EPW)], didx)
        pltpu.sync_copy(a_hbm.at[pl.ds(base, EPW)], av)
        accv[...] = jnp.zeros((LANES,), jnp.float32)
        plsc.subcore_barrier()

        bufs = tuple((rowbufs[2 * b], rowbufs[2 * b + 1],
                      sems[2 * b], sems[2 * b + 1]) for b in range(DEPTH))

        def issue(ci, sbuf, dbuf, ssem, dsem):
            pltpu.async_copy(table.at[sidx.at[pl.ds(ci * C, C)]], sbuf, ssem)
            pltpu.async_copy(table.at[didx.at[pl.ds(ci * C, C)]], dbuf, dsem)

        def wait(ci, sbuf, dbuf, ssem, dsem):
            pltpu.make_async_copy(
                table.at[sidx.at[pl.ds(ci * C, C)]], sbuf, ssem).wait()
            pltpu.make_async_copy(
                table.at[didx.at[pl.ds(ci * C, C)]], dbuf, dsem).wait()

        def compute(ci, sbuf, dbuf):
            def edge_group(g, acc):
                e0 = g * _UNROLL
                for u in range(_UNROLL):
                    e = e0 + u
                    t = jnp.zeros((LANES,), jnp.float32)
                    for j in range(KP // LANES):
                        sv = plsc.bitcast(
                            sbuf[e, pl.ds(j * LANES, LANES)], jnp.bfloat16)
                        dv = plsc.bitcast(
                            dbuf[e, pl.ds(j * LANES, LANES)], jnp.bfloat16)
                        p0, p1 = plsc.unpack(
                            sv * dv, format=plsc.PackFormat.INTERLEAVED)
                        t = t + p0 + p1
                    ab = plsc.load_gather(
                        av, [jnp.full((LANES,), ci * C + e, jnp.int32)])
                    acc = acc + ab * t
                return acc

            acc = lax.fori_loop(0, C // _UNROLL, edge_group,
                                jnp.zeros((LANES,), jnp.float32))
            accv[...] = accv[...] + acc

        for b in range(DEPTH):
            issue(b, *bufs[b])

        @pl.loop(0, NCHUNK, step=DEPTH)
        def _chunk(ci):
            for b in range(DEPTH):
                sbuf, dbuf, ssem, dsem = bufs[b]
                wait(ci + b, sbuf, dbuf, ssem, dsem)
                compute(ci + b, sbuf, dbuf)

                @pl.when(ci + b + DEPTH < NCHUNK)
                def _():
                    issue(ci + b + DEPTH, sbuf, dbuf, ssem, dsem)

        pltpu.sync_copy(accv,
                        out_hbm.at[wid % 8, pl.ds((wid // 8) * LANES, LANES)])

    return k(edge_index, a_vals, packed)


def _pack_body(e_ref, pk_ref):
    b = lax.bitcast_convert_type(e_ref[...], jnp.int32)
    r = _rne16(b)
    pk_ref[:, :KP] = jnp.bitwise_or(lax.shift_left(r[:, KP:], 16), r[:, :KP])


def _tc_pack(emb):
    return pl.pallas_call(
        _pack_body,
        grid=(N // _BR,),
        in_specs=[pl.BlockSpec((_BR, K), lambda i: (i, 0))],
        out_specs=pl.BlockSpec((_BR, K), lambda i: (i, 0)),
        out_shape=jax.ShapeDtypeStruct((N, K), jnp.int32),
    )(emb)


_BR = 1000


def _gram_body(e_ref, d_ref, ptp_ref, t2_ref):
    @pl.when(pl.program_id(0) == 0)
    def _():
        ptp_ref[...] = jnp.zeros((K, K), jnp.float32)
        t2_ref[0, 0] = 0.0

    blk = e_ref[...]
    ptp_ref[...] += lax.dot_general(blk, blk, (((0,), (0,)), ((), ())),
                                    preferred_element_type=jnp.float32)
    rs = jnp.sum(blk * blk, axis=1)
    drow = d_ref[pl.ds(pl.program_id(0), 1), :]
    t2_ref[0, 0] += jnp.sum(drow[0, :] * rs)


def _tc_gram(emb, d2):
    return pl.pallas_call(
        _gram_body,
        grid=(N // _BR,),
        in_specs=[
            pl.BlockSpec((_BR, K), lambda i: (i, 0)),
            pl.BlockSpec((N // _BR, _BR), lambda i: (0, 0)),
        ],
        out_specs=[
            pl.BlockSpec((K, K), lambda i: (0, 0)),
            pl.BlockSpec(memory_space=pltpu.SMEM),
        ],
        out_shape=[
            jax.ShapeDtypeStruct((K, K), jnp.float32),
            jax.ShapeDtypeStruct((1, 1), jnp.float32),
        ],
    )(emb, d2)


def _combine_body(ptp_ref, part_ref, t2_ref, out_ref):
    ptp = ptp_ref[...]
    term1 = jnp.sum(part_ref[...][:, :NW // 8 * LANES])
    term2 = t2_ref[0, 0]
    n = jnp.sqrt(jnp.sum(ptp * ptp))
    row = lax.broadcasted_iota(jnp.int32, (K, K), 0)
    col = lax.broadcasted_iota(jnp.int32, (K, K), 1)
    eye = jnp.where(row == col, jnp.float32(1.0), jnp.float32(0.0))
    m = ptp / n - eye / jnp.sqrt(jnp.float32(K))
    penalty = jnp.sqrt(jnp.sum(m * m))
    out_ref[0, 0] = -(term1 / term2) + penalty


def _tc_combine(ptp, partials, t2):
    return pl.pallas_call(
        _combine_body,
        in_specs=[
            pl.BlockSpec((K, K), lambda: (0, 0)),
            pl.BlockSpec((8, 128), lambda: (0, 0)),
            pl.BlockSpec(memory_space=pltpu.SMEM),
        ],
        out_specs=pl.BlockSpec(memory_space=pltpu.SMEM),
        out_shape=jax.ShapeDtypeStruct((1, 1), jnp.float32),
    )(ptp, partials, t2)


def kernel(embeddings, edge_index, edge_weight, normalized_A_values, D_values):
    del edge_weight
    packed = _tc_pack(embeddings)
    partials = _sc_term1(edge_index.astype(jnp.int32), normalized_A_values,
                         packed)
    ptp, t2 = _tc_gram(embeddings, D_values.reshape(N // _BR, _BR))
    out = _tc_combine(ptp, partials, t2)
    return out[0, 0]

# --- scband reference (transcript-rebuilt; emitter-appended) ---
"""Pipeline reference for scband-costume-loss-74629351735531 (READ-ONLY COPY).

The authoritative reference and input builder live on the scoring server;
editing this copy changes nothing except your own understanding.
"""

import jax, jax.numpy as jnp
import numpy as np

N = 10000
E = 320000
K = 128


def setup_inputs(seed: int = 0) -> dict:
    key = jax.random.key(seed)
    k1, k2, k3, k4, k5 = jax.random.split(key, 5)
    embeddings = jax.random.uniform(k1, (N, K), dtype=jnp.float32)
    edge_index = jax.random.randint(k2, (2, E), 0, N)
    edge_weight = jax.random.uniform(k3, (E,), dtype=jnp.float32)
    normalized_A_values = jax.random.uniform(k4, (E,), dtype=jnp.float32)
    D_values = jax.random.uniform(k5, (N,), dtype=jnp.float32)
    return {
        'embeddings': embeddings,
        'edge_index': edge_index,
        'edge_weight': edge_weight,
        'normalized_A_values': normalized_A_values,
        'D_values': D_values,
    }


def reference(embeddings, edge_index, edge_weight, normalized_A_values, D_values):
    # normalized_A_sparse is a COO sparse NxN matrix with indices=edge_index,
    # values=normalized_A_values. D_sparse is diagonal with entries D_values.
    src = edge_index[0]
    dst = edge_index[1]
    # trace(E^T A E) = sum_{(i,j) in nnz} A_ij * dot(E_i, E_j)
    e_src = jnp.take(embeddings, src, axis=0)
    e_dst = jnp.take(embeddings, dst, axis=0)
    term1 = jnp.sum(normalized_A_values * jnp.sum(e_src * e_dst, axis=1))
    # trace(E^T D E) = sum_i d_i * ||E_i||^2
    term2 = jnp.sum(D_values * jnp.sum(embeddings * embeddings, axis=1))
    loss = -(term1 / term2)
    k = embeddings.shape[1]
    ptp = jnp.matmul(embeddings.T, embeddings)
    norm_ptp = jnp.linalg.norm(ptp)
    normalized_ptp = ptp / norm_ptp
    identity = jnp.eye(k, dtype=jnp.float32)
    penalty = jnp.linalg.norm(normalized_ptp - identity / jnp.sqrt(jnp.float32(k)))
    return loss + penalty

if __name__ == "__main__":
    import jax
    _d = setup_inputs()
    print(jax.jit(kernel)(*tuple(_d.values())))

</pallas_src>

<mosaic_0001>
#map = affine_map<(d0, d1) -> (0, 0)>
#map1 = affine_map<(d0, d1) -> (0)>
module attributes {stable_mosaic.version = 14 : i64} {
  func.func @k(%arg0: i32, %arg1: i32, %arg2: memref<2x320000xi32, #tpu.memory_space<hbm>>, %arg3: memref<320000xf32, #tpu.memory_space<hbm>>, %arg4: memref<10000x128xi32, #tpu.memory_space<hbm>>, %arg5: memref<8x128xf32, #tpu.memory_space<hbm>>, %arg6: memref<10000xi32, #tpu.memory_space<vmem>>, %arg7: memref<10000xi32, #tpu.memory_space<vmem>>, %arg8: memref<10000xf32, #tpu.memory_space<vmem>>, %arg9: memref<40x64xi32, #tpu.memory_space<vmem>>, %arg10: memref<40x64xi32, #tpu.memory_space<vmem>>, %arg11: memref<40x64xi32, #tpu.memory_space<vmem>>, %arg12: memref<40x64xi32, #tpu.memory_space<vmem>>, %arg13: memref<40x64xi32, #tpu.memory_space<vmem>>, %arg14: memref<40x64xi32, #tpu.memory_space<vmem>>, %arg15: memref<40x64xi32, #tpu.memory_space<vmem>>, %arg16: memref<40x64xi32, #tpu.memory_space<vmem>>, %arg17: memref<40x64xi32, #tpu.memory_space<vmem>>, %arg18: memref<40x64xi32, #tpu.memory_space<vmem>>, %arg19: memref<16xf32, #tpu.memory_space<vmem>>, %arg20: memref<10000x64xi32, #tpu.memory_space<vmem_shared>>, %arg21: memref<!tpu.dma_semaphore, #tpu.memory_space<semaphore_mem>>, %arg22: memref<!tpu.dma_semaphore, #tpu.memory_space<semaphore_mem>>, %arg23: memref<!tpu.dma_semaphore, #tpu.memory_space<semaphore_mem>>, %arg24: memref<!tpu.dma_semaphore, #tpu.memory_space<semaphore_mem>>, %arg25: memref<!tpu.dma_semaphore, #tpu.memory_space<semaphore_mem>>, %arg26: memref<!tpu.dma_semaphore, #tpu.memory_space<semaphore_mem>>, %arg27: memref<!tpu.dma_semaphore, #tpu.memory_space<semaphore_mem>>, %arg28: memref<!tpu.dma_semaphore, #tpu.memory_space<semaphore_mem>>, %arg29: memref<!tpu.dma_semaphore, #tpu.memory_space<semaphore_mem>>, %arg30: memref<!tpu.dma_semaphore, #tpu.memory_space<semaphore_mem>>) attributes {dimension_semantics = [#tpu.dimension_semantics<core_parallel>, #tpu.dimension_semantics<subcore_parallel>], iteration_bounds = array<i64: 2, 16>, scalar_prefetch = 0 : i64, scratch_operands = 25 : i64, tpu.core_type = #tpu.core_type<sc_vector_subcore>, window_params = [{transform_indices = #map}, {transform_indices = #map1}, {transform_indices = #map}, {transform_indices = #map}]} {
    %mul3A = arith.constant 2 : i32
    %mul3A_0 = arith.muli %arg1, %mul3A : i32
    %add3A = arith.addi %mul3A_0, %arg0 : i32
    %mul3A_1 = arith.constant 10000 : i32
    %mul3A_2 = arith.muli %add3A, %mul3A_1 : i32
    %mul3A_3 = arith.constant 625 : i32
    %mul3A_4 = arith.muli %arg1, %mul3A_3 : i32
    "tpu.region"() ({
      %run_scoped3A_93 = tpu.sem_alloc : memref<!tpu.dma_semaphore, #tpu.memory_space<semaphore_mem>>
      %dma_start3A_94 = arith.constant 0 : i32
      %dma_start3A_95 = tpu.memref_slice %arg20[%mul3A_4, %dma_start3A_94] : memref<10000x64xi32, #tpu.memory_space<vmem_shared>> -> memref<625x64xi32, #tpu.memory_space<vmem_shared>>
      %dma_start3A_96 = arith.constant 0 : i32
      %dma_start3A_97 = tpu.memref_slice %arg4[%mul3A_4, %dma_start3A_96] : memref<10000x128xi32, #tpu.memory_space<hbm>> -> memref<625x64xi32, #tpu.memory_space<hbm>>
      tpu.enqueue_dma source(%dma_start3A_97 : memref<625x64xi32, #tpu.memory_space<hbm>>) target(%dma_start3A_95 : memref<625x64xi32, #tpu.memory_space<vmem_shared>>) target_semaphore(%run_scoped3A_93 : memref<!tpu.dma_semaphore, #tpu.memory_space<semaphore_mem>>)
      %dma_wait3A = arith.constant 0 : i32
      %dma_wait3A_98 = tpu.memref_slice %arg20[%mul3A_4, %dma_wait3A] : memref<10000x64xi32, #tpu.memory_space<vmem_shared>> -> memref<625x64xi32, #tpu.memory_space<vmem_shared>>
      %dma_wait3A_99 = arith.constant 0 : i32
      %dma_wait3A_100 = tpu.memref_slice %arg4[%mul3A_4, %dma_wait3A_99] : memref<10000x128xi32, #tpu.memory_space<hbm>> -> memref<625x64xi32, #tpu.memory_space<hbm>>
      tpu.wait_dma2 semaphore(%run_scoped3A_93 : memref<!tpu.dma_semaphore, #tpu.memory_space<semaphore_mem>>) src(%dma_wait3A_100 : memref<625x64xi32, #tpu.memory_space<hbm>>) dst(%dma_wait3A_98 : memref<625x64xi32, #tpu.memory_space<vmem_shared>>)
      tpu.yield
    }) : () -> ()
    %run_scoped3A = arith.constant 0 : i32
    "tpu.region"() ({
      %run_scoped3A_93 = tpu.sem_alloc : memref<!tpu.dma_semaphore, #tpu.memory_space<semaphore_mem>>
      %dma_start3A_94 = tpu.memref_slice %arg2[%run_scoped3A, %mul3A_2] : memref<2x320000xi32, #tpu.memory_space<hbm>> -> memref<1x10000xi32, #tpu.memory_space<hbm>>
      %dma_start3A_95 = tpu.memref_squeeze %dma_start3A_94 : memref<1x10000xi32, #tpu.memory_space<hbm>> -> memref<10000xi32, #tpu.memory_space<hbm>>
      %dma_start3A_96 = tpu.memref_slice %arg2[%run_scoped3A, %mul3A_2] : memref<2x320000xi32, #tpu.memory_space<hbm>> -> memref<1x10000xi32, #tpu.memory_space<hbm>>
      %dma_start3A_97 = tpu.memref_squeeze %dma_start3A_96 : memref<1x10000xi32, #tpu.memory_space<hbm>> -> memref<10000xi32, #tpu.memory_space<hbm>>
      tpu.enqueue_dma source(%dma_start3A_97 : memref<10000xi32, #tpu.memory_space<hbm>>) target(%arg6 : memref<10000xi32, #tpu.memory_space<vmem>>) target_semaphore(%run_scoped3A_93 : memref<!tpu.dma_semaphore, #tpu.memory_space<semaphore_mem>>)
      %dma_wait3A = tpu.memref_slice %arg2[%run_scoped3A, %mul3A_2] : memref<2x320000xi32, #tpu.memory_space<hbm>> -> memref<1x10000xi32, #tpu.memory_space<hbm>>
      %dma_wait3A_98 = tpu.memref_squeeze %dma_wait3A : memref<1x10000xi32, #tpu.memory_space<hbm>> -> memref<10000xi32, #tpu.memory_space<hbm>>
      %dma_wait3A_99 = tpu.memref_slice %arg2[%run_scoped3A, %mul3A_2] : memref<2x320000xi32, #tpu.memory_space<hbm>> -> memref<1x10000xi32, #tpu.memory_space<hbm>>
      %dma_wait3A_100 = tpu.memref_squeeze %dma_wait3A_99 : memref<1x10000xi32, #tpu.memory_space<hbm>> -> memref<10000xi32, #tpu.memory_space<hbm>>
      tpu.wait_dma2 semaphore(%run_scoped3A_93 : memref<!tpu.dma_semaphore, #tpu.memory_space<semaphore_mem>>) src(%dma_wait3A_100 : memref<10000xi32, #tpu.memory_space<hbm>>) dst(%arg6 : memref<10000xi32, #tpu.memory_space<vmem>>)
      tpu.yield
    }) : () -> ()
    %run_scoped3A_5 = arith.constant 1 : i32
    "tpu.region"() ({
      %run_scoped3A_93 = tpu.sem_alloc : memref<!tpu.dma_semaphore, #tpu.memory_space<semaphore_mem>>
      %dma_start3A_94 = tpu.memref_slice %arg2[%run_scoped3A_5, %mul3A_2] : memref<2x320000xi32, #tpu.memory_space<hbm>> -> memref<1x10000xi32, #tpu.memory_space<hbm>>
      %dma_start3A_95 = tpu.memref_squeeze %dma_start3A_94 : memref<1x10000xi32, #tpu.memory_space<hbm>> -> memref<10000xi32, #tpu.memory_space<hbm>>
      %dma_start3A_96 = tpu.memref_slice %arg2[%run_scoped3A_5, %mul3A_2] : memref<2x320000xi32, #tpu.memory_space<hbm>> -> memref<1x10000xi32, #tpu.memory_space<hbm>>
      %dma_start3A_97 = tpu.memref_squeeze %dma_start3A_96 : memref<1x10000xi32, #tpu.memory_space<hbm>> -> memref<10000xi32, #tpu.memory_space<hbm>>
      tpu.enqueue_dma source(%dma_start3A_97 : memref<10000xi32, #tpu.memory_space<hbm>>) target(%arg7 : memref<10000xi32, #tpu.memory_space<vmem>>) target_semaphore(%run_scoped3A_93 : memref<!tpu.dma_semaphore, #tpu.memory_space<semaphore_mem>>)
      %dma_wait3A = tpu.memref_slice %arg2[%run_scoped3A_5, %mul3A_2] : memref<2x320000xi32, #tpu.memory_space<hbm>> -> memref<1x10000xi32, #tpu.memory_space<hbm>>
      %dma_wait3A_98 = tpu.memref_squeeze %dma_wait3A : memref<1x10000xi32, #tpu.memory_space<hbm>> -> memref<10000xi32, #tpu.memory_space<hbm>>
      %dma_wait3A_99 = tpu.memref_slice %arg2[%run_scoped3A_5, %mul3A_2] : memref<2x320000xi32, #tpu.memory_space<hbm>> -> memref<1x10000xi32, #tpu.memory_space<hbm>>
      %dma_wait3A_100 = tpu.memref_squeeze %dma_wait3A_99 : memref<1x10000xi32, #tpu.memory_space<hbm>> -> memref<10000xi32, #tpu.memory_space<hbm>>
      tpu.wait_dma2 semaphore(%run_scoped3A_93 : memref<!tpu.dma_semaphore, #tpu.memory_space<semaphore_mem>>) src(%dma_wait3A_100 : memref<10000xi32, #tpu.memory_space<hbm>>) dst(%arg7 : memref<10000xi32, #tpu.memory_space<vmem>>)
      tpu.yield
    }) : () -> ()
    "tpu.region"() ({
      %run_scoped3A_93 = tpu.sem_alloc : memref<!tpu.dma_semaphore, #tpu.memory_space<semaphore_mem>>
      %dma_start3A_94 = tpu.memref_slice %arg3[%mul3A_2] : memref<320000xf32, #tpu.memory_space<hbm>> -> memref<10000xf32, #tpu.memory_space<hbm>>
      %dma_start3A_95 = tpu.memref_slice %arg3[%mul3A_2] : memref<320000xf32, #tpu.memory_space<hbm>> -> memref<10000xf32, #tpu.memory_space<hbm>>
      tpu.enqueue_dma source(%dma_start3A_95 : memref<10000xf32, #tpu.memory_space<hbm>>) target(%arg8 : memref<10000xf32, #tpu.memory_space<vmem>>) target_semaphore(%run_scoped3A_93 : memref<!tpu.dma_semaphore, #tpu.memory_space<semaphore_mem>>)
      %dma_wait3A = tpu.memref_slice %arg3[%mul3A_2] : memref<320000xf32, #tpu.memory_space<hbm>> -> memref<10000xf32, #tpu.memory_space<hbm>>
      %dma_wait3A_96 = tpu.memref_slice %arg3[%mul3A_2] : memref<320000xf32, #tpu.memory_space<hbm>> -> memref<10000xf32, #tpu.memory_space<hbm>>
      tpu.wait_dma2 semaphore(%run_scoped3A_93 : memref<!tpu.dma_semaphore, #tpu.memory_space<semaphore_mem>>) src(%dma_wait3A_96 : memref<10000xf32, #tpu.memory_space<hbm>>) dst(%arg8 : memref<10000xf32, #tpu.memory_space<vmem>>)
      tpu.yield
    }) : () -> ()
    %broadcast_in_dim3A = arith.constant 0.000000e+00 : f32
    %broadcast_in_dim3A_6 = vector.broadcast %broadcast_in_dim3A : f32 to vector<16xf32>
    %swap3A = arith.constant 0 : index
    %swap3A_7 = tpu.vector_load %arg19[%swap3A] {strides = array<i32>} : memref<16xf32, #tpu.memory_space<vmem>>, vector<16xf32>,
    tpu.vector_store %arg19[%swap3A], %broadcast_in_dim3A_6 {strides = array<i32>} : memref<16xf32, #tpu.memory_space<vmem>>, vector<16xf32>,
    %barrier3A = arith.constant 0 : index
    tpu.barrier barrier_id(%barrier3A)
    %dma_start3A = arith.constant 0 : i32
    %dma_start3A_8 = tpu.memref_slice %arg6[%dma_start3A] : memref<10000xi32, #tpu.memory_space<vmem>> -> memref<40xi32, #tpu.memory_space<vmem>>
    %dma_start3A_9 = arith.constant 0 : i32
    %dma_start3A_10 = arith.constant 0 : i32
    %dma_start3A_11 = tpu.memref_slice %arg20[%dma_start3A_9, %dma_start3A_10] : memref<10000x64xi32, #tpu.memory_space<vmem_shared>> -> memref<10000x64xi32, #tpu.memory_space<vmem_shared>>
    tpu.enqueue_indirect_dma source(%dma_start3A_11 : memref<10000x64xi32, #tpu.memory_space<vmem_shared>>) target(%arg9 : memref<40x64xi32, #tpu.memory_space<vmem>>) offsets(%dma_start3A_8 : memref<40xi32, #tpu.memory_space<vmem>>) semaphore(%arg21 : memref<!tpu.dma_semaphore, #tpu.memory_space<semaphore_mem>>)
    %dma_start3A_12 = arith.constant 0 : i32
    %dma_start3A_13 = tpu.memref_slice %arg7[%dma_start3A_12] : memref<10000xi32, #tpu.memory_space<vmem>> -> memref<40xi32, #tpu.memory_space<vmem>>
    %dma_start3A_14 = arith.constant 0 : i32
    %dma_start3A_15 = arith.constant 0 : i32
    %dma_start3A_16 = tpu.memref_slice %arg20[%dma_start3A_14, %dma_start3A_15] : memref<10000x64xi32, #tpu.memory_space<vmem_shared>> -> memref<10000x64xi32, #tpu.memory_space<vmem_shared>>
    tpu.enqueue_indirect_dma source(%dma_start3A_16 : memref<10000x64xi32, #tpu.memory_space<vmem_shared>>) target(%arg10 : memref<40x64xi32, #tpu.memory_space<vmem>>) offsets(%dma_start3A_13 : memref<40xi32, #tpu.memory_space<vmem>>) semaphore(%arg22 : memref<!tpu.dma_semaphore, #tpu.memory_space<semaphore_mem>>)
    %dma_start3A_17 = arith.constant 40 : i32
    %dma_start3A_18 = tpu.memref_slice %arg6[%dma_start3A_17] : memref<10000xi32, #tpu.memory_space<vmem>> -> memref<40xi32, #tpu.memory_space<vmem>>
    %dma_start3A_19 = arith.constant 0 : i32
    %dma_start3A_20 = arith.constant 0 : i32
    %dma_start3A_21 = tpu.memref_slice %arg20[%dma_start3A_19, %dma_start3A_20] : memref<10000x64xi32, #tpu.memory_space<vmem_shared>> -> memref<10000x64xi32, #tpu.memory_space<vmem_shared>>
    tpu.enqueue_indirect_dma source(%dma_start3A_21 : memref<10000x64xi32, #tpu.memory_space<vmem_shared>>) target(%arg11 : memref<40x64xi32, #tpu.memory_space<vmem>>) offsets(%dma_start3A_18 : memref<40xi32, #tpu.memory_space<vmem>>) semaphore(%arg23 : memref<!tpu.dma_semaphore, #tpu.memory_space<semaphore_mem>>)
    %dma_start3A_22 = arith.constant 40 : i32
    %dma_start3A_23 = tpu.memref_slice %arg7[%dma_start3A_22] : memref<10000xi32, #tpu.memory_space<vmem>> -> memref<40xi32, #tpu.memory_space<vmem>>
    %dma_start3A_24 = arith.constant 0 : i32
    %dma_start3A_25 = arith.constant 0 : i32
    %dma_start3A_26 = tpu.memref_slice %arg20[%dma_start3A_24, %dma_start3A_25] : memref<10000x64xi32, #tpu.memory_space<vmem_shared>> -> memref<10000x64xi32, #tpu.memory_space<vmem_shared>>
    tpu.enqueue_indirect_dma source(%dma_start3A_26 : memref<10000x64xi32, #tpu.memory_space<vmem_shared>>) target(%arg12 : memref<40x64xi32, #tpu.memory_space<vmem>>) offsets(%dma_start3A_23 : memref<40xi32, #tpu.memory_space<vmem>>) semaphore(%arg24 : memref<!tpu.dma_semaphore, #tpu.memory_space<semaphore_mem>>)
    %dma_start3A_27 = arith.constant 80 : i32
    %dma_start3A_28 = tpu.memref_slice %arg6[%dma_start3A_27] : memref<10000xi32, #tpu.memory_space<vmem>> -> memref<40xi32, #tpu.memory_space<vmem>>
    %dma_start3A_29 = arith.constant 0 : i32
    %dma_start3A_30 = arith.constant 0 : i32
    %dma_start3A_31 = tpu.memref_slice %arg20[%dma_start3A_29, %dma_start3A_30] : memref<10000x64xi32, #tpu.memory_space<vmem_shared>> -> memref<10000x64xi32, #tpu.memory_space<vmem_shared>>
    tpu.enqueue_indirect_dma source(%dma_start3A_31 : memref<10000x64xi32, #tpu.memory_space<vmem_shared>>) target(%arg13 : memref<40x64xi32, #tpu.memory_space<vmem>>) offsets(%dma_start3A_28 : memref<40xi32, #tpu.memory_space<vmem>>) semaphore(%arg25 : memref<!tpu.dma_semaphore, #tpu.memory_space<semaphore_mem>>)
    %dma_start3A_32 = arith.constant 80 : i32
    %dma_start3A_33 = tpu.memref_slice %arg7[%dma_start3A_32] : memref<10000xi32, #tpu.memory_space<vmem>> -> memref<40xi32, #tpu.memory_space<vmem>>
    %dma_start3A_34 = arith.constant 0 : i32
    %dma_start3A_35 = arith.constant 0 : i32
    %dma_start3A_36 = tpu.memref_slice %arg20[%dma_start3A_34, %dma_start3A_35] : memref<10000x64xi32, #tpu.memory_space<vmem_shared>> -> memref<10000x64xi32, #tpu.memory_space<vmem_shared>>
    tpu.enqueue_indirect_dma source(%dma_start3A_36 : memref<10000x64xi32, #tpu.memory_space<vmem_shared>>) target(%arg14 : memref<40x64xi32, #tpu.memory_space<vmem>>) offsets(%dma_start3A_33 : memref<40xi32, #tpu.memory_space<vmem>>) semaphore(%arg26 : memref<!tpu.dma_semaphore, #tpu.memory_space<semaphore_mem>>)
    %dma_start3A_37 = arith.constant 120 : i32
    %dma_start3A_38 = tpu.memref_slice %arg6[%dma_start3A_37] : memref<10000xi32, #tpu.memory_space<vmem>> -> memref<40xi32, #tpu.memory_space<vmem>>
    %dma_start3A_39 = arith.constant 0 : i32
    %dma_start3A_40 = arith.constant 0 : i32
    %dma_start3A_41 = tpu.memref_slice %arg20[%dma_start3A_39, %dma_start3A_40] : memref<10000x64xi32, #tpu.memory_space<vmem_shared>> -> memref<10000x64xi32, #tpu.memory_space<vmem_shared>>
    tpu.enqueue_indirect_dma source(%dma_start3A_41 : memref<10000x64xi32, #tpu.memory_space<vmem_shared>>) target(%arg15 : memref<40x64xi32, #tpu.memory_space<vmem>>) offsets(%dma_start3A_38 : memref<40xi32, #tpu.memory_space<vmem>>) semaphore(%arg27 : memref<!tpu.dma_semaphore, #tpu.memory_space<semaphore_mem>>)
    %dma_start3A_42 = arith.constant 120 : i32
    %dma_start3A_43 = tpu.memref_slice %arg7[%dma_start3A_42] : memref<10000xi32, #tpu.memory_space<vmem>> -> memref<40xi32, #tpu.memory_space<vmem>>
    %dma_start3A_44 = arith.constant 0 : i32
    %dma_start3A_45 = arith.constant 0 : i32
    %dma_start3A_46 = tpu.memref_slice %arg20[%dma_start3A_44, %dma_start3A_45] : memref<10000x64xi32, #tpu.memory_space<vmem_shared>> -> memref<10000x64xi32, #tpu.memory_space<vmem_shared>>
    tpu.enqueue_indirect_dma source(%dma_start3A_46 : memref<10000x64xi32, #tpu.memory_space<vmem_shared>>) target(%arg16 : memref<40x64xi32, #tpu.memory_space<vmem>>) offsets(%dma_start3A_43 : memref<40xi32, #tpu.memory_space<vmem>>) semaphore(%arg28 : memref<!tpu.dma_semaphore, #tpu.memory_space<semaphore_mem>>)
    %dma_start3A_47 = arith.constant 160 : i32
    %dma_start3A_48 = tpu.memref_slice %arg6[%dma_start3A_47] : memref<10000xi32, #tpu.memory_space<vmem>> -> memref<40xi32, #tpu.memory_space<vmem>>
    %dma_start3A_49 = arith.constant 0 : i32
    %dma_start3A_50 = arith.constant 0 : i32
    %dma_start3A_51 = tpu.memref_slice %arg20[%dma_start3A_49, %dma_start3A_50] : memref<10000x64xi32, #tpu.memory_space<vmem_shared>> -> memref<10000x64xi32, #tpu.memory_space<vmem_shared>>
    tpu.enqueue_indirect_dma source(%dma_start3A_51 : memref<10000x64xi32, #tpu.memory_space<vmem_shared>>) target(%arg17 : memref<40x64xi32, #tpu.memory_space<vmem>>) offsets(%dma_start3A_48 : memref<40xi32, #tpu.memory_space<vmem>>) semaphore(%arg29 : memref<!tpu.dma_semaphore, #tpu.memory_space<semaphore_mem>>)
    %dma_start3A_52 = arith.constant 160 : i32
    %dma_start3A_53 = tpu.memref_slice %arg7[%dma_start3A_52] : memref<10000xi32, #tpu.memory_space<vmem>> -> memref<40xi32, #tpu.memory_space<vmem>>
    %dma_start3A_54 = arith.constant 0 : i32
    %dma_start3A_55 = arith.constant 0 : i32
    %dma_start3A_56 = tpu.memref_slice %arg20[%dma_start3A_54, %dma_start3A_55] : memref<10000x64xi32, #tpu.memory_space<vmem_shared>> -> memref<10000x64xi32, #tpu.memory_space<vmem_shared>>
    tpu.enqueue_indirect_dma source(%dma_start3A_56 : memref<10000x64xi32, #tpu.memory_space<vmem_shared>>) target(%arg18 : memref<40x64xi32, #tpu.memory_space<vmem>>) offsets(%dma_start3A_53 : memref<40xi32, #tpu.memory_space<vmem>>) semaphore(%arg30 : memref<!tpu.dma_semaphore, #tpu.memory_space<semaphore_mem>>)
    %scan3A = arith.constant 0 : i32
    %scan3A_57 = arith.constant 50 : i32
    %scan3A_58 = arith.addi %scan3A, %scan3A_57 : i32
    %scan3A_59 = arith.constant 1 : i32
    scf.for %scan3A_93 = %scan3A to %scan3A_58 step %scan3A_59  : i32 {
      %mul3A_94 = arith.constant 5 : i32
      %mul3A_95 = arith.muli %scan3A_93, %mul3A_94 : i32
      %add3A_96 = arith.constant 0 : i32
      %add3A_97 = arith.addi %add3A_96, %mul3A_95 : i32
      %add3A_98 = arith.constant 0 : i32
      %add3A_99 = arith.addi %add3A_97, %add3A_98 : i32
      %mul3A_100 = arith.constant 40 : i32
      %mul3A_101 = arith.muli %add3A_99, %mul3A_100 : i32
      %dma_wait3A = tpu.memref_slice %arg6[%mul3A_101] : memref<10000xi32, #tpu.memory_space<vmem>> -> memref<40xi32, #tpu.memory_space<vmem>>
      %dma_wait3A_102 = arith.constant 0 : i32
      %dma_wait3A_103 = arith.constant 0 : i32
      %dma_wait3A_104 = tpu.memref_slice %arg20[%dma_wait3A_102, %dma_wait3A_103] : memref<10000x64xi32, #tpu.memory_space<vmem_shared>> -> memref<10000x64xi32, #tpu.memory_space<vmem_shared>>
      tpu.wait_indirect_dma semaphore(%arg21 : memref<!tpu.dma_semaphore, #tpu.memory_space<semaphore_mem>>) src(%dma_wait3A_104 : memref<10000x64xi32, #tpu.memory_space<vmem_shared>>) dst(%arg9 : memref<40x64xi32, #tpu.memory_space<vmem>>)
      %mul3A_105 = arith.constant 40 : i32
      %mul3A_106 = arith.muli %add3A_99, %mul3A_105 : i32
      %dma_wait3A_107 = tpu.memref_slice %arg7[%mul3A_106] : memref<10000xi32, #tpu.memory_space<vmem>> -> memref<40xi32, #tpu.memory_space<vmem>>
      %dma_wait3A_108 = arith.constant 0 : i32
      %dma_wait3A_109 = arith.constant 0 : i32
      %dma_wait3A_110 = tpu.memref_slice %arg20[%dma_wait3A_108, %dma_wait3A_109] : memref<10000x64xi32, #tpu.memory_space<vmem_shared>> -> memref<10000x64xi32, #tpu.memory_space<vmem_shared>>
      tpu.wait_indirect_dma semaphore(%arg22 : memref<!tpu.dma_semaphore, #tpu.memory_space<semaphore_mem>>) src(%dma_wait3A_110 : memref<10000x64xi32, #tpu.memory_space<vmem_shared>>) dst(%arg10 : memref<40x64xi32, #tpu.memory_space<vmem>>)
      %add3A_111 = arith.constant 0 : i32
      %add3A_112 = arith.addi %add3A_97, %add3A_111 : i32
      %broadcast_in_dim3A_113 = arith.constant 0.000000e+00 : f32
      %broadcast_in_dim3A_114 = vector.broadcast %broadcast_in_dim3A_113 : f32 to vector<16xf32>
      %scan3A_115 = arith.constant 0 : i32
      %scan3A_116 = arith.constant 8 : i32
      %scan3A_117 = arith.addi %scan3A_115, %scan3A_116 : i32
      %scan3A_118 = arith.constant 1 : i32
      %scan3A_119 = scf.for %scan3A_284 = %scan3A_115 to %scan3A_117 step %scan3A_118 iter_args(%scan3A_285 = %broadcast_in_dim3A_114) -> (vector<16xf32>)  : i32 {
        %mul3A_286 = arith.constant 5 : i32
        %mul3A_287 = arith.muli %scan3A_284, %mul3A_286 : i32
        %add3A_288 = arith.constant 0 : i32
        %add3A_289 = arith.addi %mul3A_287, %add3A_288 : i32
        %broadcast_in_dim3A_290 = arith.constant 0.000000e+00 : f32
        %broadcast_in_dim3A_291 = vector.broadcast %broadcast_in_dim3A_290 : f32 to vector<16xf32>
        %get3A_292 = arith.index_cast %add3A_289 : i32 to index
        %get3A_293 = arith.constant 0 : index
        %get3A_294 = tpu.vector_load %arg9[%get3A_292, %get3A_293] {strides = array<i32>} : memref<40x64xi32, #tpu.memory_space<vmem>>, vector<16xi32>,
        %bitcast3A = vector.bitcast %get3A_294 : vector<16xi32> to vector<32xbf16>
        %get3A_295 = arith.index_cast %add3A_289 : i32 to index
        %get3A_296 = arith.constant 0 : index
        %get3A_297 = tpu.vector_load %arg10[%get3A_295, %get3A_296] {strides = array<i32>} : memref<40x64xi32, #tpu.memory_space<vmem>>, vector<16xi32>,
        %bitcast3A_298 = vector.bitcast %get3A_297 : vector<16xi32> to vector<32xbf16>
        %mul3A_299 = arith.mulf %bitcast3A, %bitcast3A_298 : vector<32xbf16>
        %unpack3A = tpu.unpack_subelements %mul3A_299, 0 {pack_format = #tpu.pack_format<interleaved>} : vector<32xbf16> -> vector<16xf32>
        %unpack3A_300 = tpu.unpack_subelements %mul3A_299, 1 {pack_format = #tpu.pack_format<interleaved>} : vector<32xbf16> -> vector<16xf32>
        %add3A_301 = arith.addf %broadcast_in_dim3A_291, %unpack3A : vector<16xf32>
        %add3A_302 = arith.addf %add3A_301, %unpack3A_300 : vector<16xf32>
        %get3A_303 = arith.index_cast %add3A_289 : i32 to index
        %get3A_304 = arith.constant 16 : index
        %get3A_305 = tpu.vector_load %arg9[%get3A_303, %get3A_304] {strides = array<i32>} : memref<40x64xi32, #tpu.memory_space<vmem>>, vector<16xi32>,
        %bitcast3A_306 = vector.bitcast %get3A_305 : vector<16xi32> to vector<32xbf16>
        %get3A_307 = arith.index_cast %add3A_289 : i32 to index
        %get3A_308 = arith.constant 16 : index
        %get3A_309 = tpu.vector_load %arg10[%get3A_307, %get3A_308] {strides = array<i32>} : memref<40x64xi32, #tpu.memory_space<vmem>>, vector<16xi32>,
        %bitcast3A_310 = vector.bitcast %get3A_309 : vector<16xi32> to vector<32xbf16>
        %mul3A_311 = arith.mulf %bitcast3A_306, %bitcast3A_310 : vector<32xbf16>
        %unpack3A_312 = tpu.unpack_subelements %mul3A_311, 0 {pack_format = #tpu.pack_format<interleaved>} : vector<32xbf16> -> vector<16xf32>
        %unpack3A_313 = tpu.unpack_subelements %mul3A_311, 1 {pack_format = #tpu.pack_format<interleaved>} : vector<32xbf16> -> vector<16xf32>
        %add3A_314 = arith.addf %add3A_302, %unpack3A_312 : vector<16xf32>
        %add3A_315 = arith.addf %add3A_314, %unpack3A_313 : vector<16xf32>
        %get3A_316 = arith.index_cast %add3A_289 : i32 to index
        %get3A_317 = arith.constant 32 : index
        %get3A_318 = tpu.vector_load %arg9[%get3A_316, %get3A_317] {strides = array<i32>} : memref<40x64xi32, #tpu.memory_space<vmem>>, vector<16xi32>,
        %bitcast3A_319 = vector.bitcast %get3A_318 : vector<16xi32> to vector<32xbf16>
        %get3A_320 = arith.index_cast %add3A_289 : i32 to index
        %get3A_321 = arith.constant 32 : index
        %get3A_322 = tpu.vector_load %arg10[%get3A_320, %get3A_321] {strides = array<i32>} : memref<40x64xi32, #tpu.memory_space<vmem>>, vector<16xi32>,
        %bitcast3A_323 = vector.bitcast %get3A_322 : vector<16xi32> to vector<32xbf16>
        %mul3A_324 = arith.mulf %bitcast3A_319, %bitcast3A_323 : vector<32xbf16>
        %unpack3A_325 = tpu.unpack_subelements %mul3A_324, 0 {pack_format = #tpu.pack_format<interleaved>} : vector<32xbf16> -> vector<16xf32>
        %unpack3A_326 = tpu.unpack_subelements %mul3A_324, 1 {pack_format = #tpu.pack_format<interleaved>} : vector<32xbf16> -> vector<16xf32>
        %add3A_327 = arith.addf %add3A_315, %unpack3A_325 : vector<16xf32>
        %add3A_328 = arith.addf %add3A_327, %unpack3A_326 : vector<16xf32>
        %get3A_329 = arith.index_cast %add3A_289 : i32 to index
        %get3A_330 = arith.constant 48 : index
        %get3A_331 = tpu.vector_load %arg9[%get3A_329, %get3A_330] {strides = array<i32>} : memref<40x64xi32, #tpu.memory_space<vmem>>, vector<16xi32>,
        %bitcast3A_332 = vector.bitcast %get3A_331 : vector<16xi32> to vector<32xbf16>
        %get3A_333 = arith.index_cast %add3A_289 : i32 to index
        %get3A_334 = arith.constant 48 : index
        %get3A_335 = tpu.vector_load %arg10[%get3A_333, %get3A_334] {strides = array<i32>} : memref<40x64xi32, #tpu.memory_space<vmem>>, vector<16xi32>,
        %bitcast3A_336 = vector.bitcast %get3A_335 : vector<16xi32> to vector<32xbf16>
        %mul3A_337 = arith.mulf %bitcast3A_332, %bitcast3A_336 : vector<32xbf16>
        %unpack3A_338 = tpu.unpack_subelements %mul3A_337, 0 {pack_format = #tpu.pack_format<interleaved>} : vector<32xbf16> -> vector<16xf32>
        %unpack3A_339 = tpu.unpack_subelements %mul3A_337, 1 {pack_format = #tpu.pack_format<interleaved>} : vector<32xbf16> -> vector<16xf32>
        %add3A_340 = arith.addf %add3A_328, %unpack3A_338 : vector<16xf32>
        %add3A_341 = arith.addf %add3A_340, %unpack3A_339 : vector<16xf32>
        %mul3A_342 = arith.constant 40 : i32
        %mul3A_343 = arith.muli %add3A_112, %mul3A_342 : i32
        %add3A_344 = arith.addi %mul3A_343, %add3A_289 : i32
        %broadcast_in_dim3A_345 = vector.broadcast %add3A_344 : i32 to vector<16xi32>
        %gather3A = tpu.vector_load_idx %arg8[%broadcast_in_dim3A_345] : memref<10000xf32, #tpu.memory_space<vmem>>[vector<16xi32>], vector<16xf32>,
        %mul3A_346 = arith.mulf %gather3A, %add3A_341 : vector<16xf32>
        %add3A_347 = arith.addf %scan3A_285, %mul3A_346 : vector<16xf32>
        %add3A_348 = arith.constant 1 : i32
        %add3A_349 = arith.addi %mul3A_287, %add3A_348 : i32
        %broadcast_in_dim3A_350 = arith.constant 0.000000e+00 : f32
        %broadcast_in_dim3A_351 = vector.broadcast %broadcast_in_dim3A_350 : f32 to vector<16xf32>
        %get3A_352 = arith.index_cast %add3A_349 : i32 to index
        %get3A_353 = arith.constant 0 : index
        %get3A_354 = tpu.vector_load %arg9[%get3A_352, %get3A_353] {strides = array<i32>} : memref<40x64xi32, #tpu.memory_space<vmem>>, vector<16xi32>,
        %bitcast3A_355 = vector.bitcast %get3A_354 : vector<16xi32> to vector<32xbf16>
        %get3A_356 = arith.index_cast %add3A_349 : i32 to index
        %get3A_357 = arith.constant 0 : index
        %get3A_358 = tpu.vector_load %arg10[%get3A_356, %get3A_357] {strides = array<i32>} : memref<40x64xi32, #tpu.memory_space<vmem>>, vector<16xi32>,
        %bitcast3A_359 = vector.bitcast %get3A_358 : vector<16xi32> to vector<32xbf16>
        %mul3A_360 = arith.mulf %bitcast3A_355, %bitcast3A_359 : vector<32xbf16>
        %unpack3A_361 = tpu.unpack_subelements %mul3A_360, 0 {pack_format = #tpu.pack_format<interleaved>} : vector<32xbf16> -> vector<16xf32>
        %unpack3A_362 = tpu.unpack_subelements %mul3A_360, 1 {pack_format = #tpu.pack_format<interleaved>} : vector<32xbf16> -> vector<16xf32>
        %add3A_363 = arith.addf %broadcast_in_dim3A_351, %unpack3A_361 : vector<16xf32>
        %add3A_364 = arith.addf %add3A_363, %unpack3A_362 : vector<16xf32>
        %get3A_365 = arith.index_cast %add3A_349 : i32 to index
        %get3A_366 = arith.constant 16 : index
        %get3A_367 = tpu.vector_load %arg9[%get3A_365, %get3A_366] {strides = array<i32>} : memref<40x64xi32, #tpu.memory_space<vmem>>, vector<16xi32>,
        %bitcast3A_368 = vector.bitcast %get3A_367 : vector<16xi32> to vector<32xbf16>
        %get3A_369 = arith.index_cast %add3A_349 : i32 to index
        %get3A_370 = arith.constant 16 : index
        %get3A_371 = tpu.vector_load %arg10[%get3A_369, %get3A_370] {strides = array<i32>} : memref<40x64xi32, #tpu.memory_space<vmem>>, vector<16xi32>,
        %bitcast3A_372 = vector.bitcast %get3A_371 : vector<16xi32> to vector<32xbf16>
        %mul3A_373 = arith.mulf %bitcast3A_368, %bitcast3A_372 : vector<32xbf16>
        %unpack3A_374 = tpu.unpack_subelements %mul3A_373, 0 {pack_format = #tpu.pack_format<interleaved>} : vector<32xbf16> -> vector<16xf32>
        %unpack3A_375 = tpu.unpack_subelements %mul3A_373, 1 {pack_format = #tpu.pack_format<interleaved>} : vector<32xbf16> -> vector<16xf32>
        %add3A_376 = arith.addf %add3A_364, %unpack3A_374 : vector<16xf32>
        %add3A_377 = arith.addf %add3A_376, %unpack3A_375 : vector<16xf32>
        %get3A_378 = arith.index_cast %add3A_349 : i32 to index
        %get3A_379 = arith.constant 32 : index
        %get3A_380 = tpu.vector_load %arg9[%get3A_378, %get3A_379] {strides = array<i32>} : memref<40x64xi32, #tpu.memory_space<vmem>>, vector<16xi32>,
        %bitcast3A_381 = vector.bitcast %get3A_380 : vector<16xi32> to vector<32xbf16>
        %get3A_382 = arith.index_cast %add3A_349 : i32 to index
        %get3A_383 = arith.constant 32 : index
        %get3A_384 = tpu.vector_load %arg10[%get3A_382, %get3A_383] {strides = array<i32>} : memref<40x64xi32, #tpu.memory_space<vmem>>, vector<16xi32>,
        %bitcast3A_385 = vector.bitcast %get3A_384 : vector<16xi32> to vector<32xbf16>
        %mul3A_386 = arith.mulf %bitcast3A_381, %bitcast3A_385 : vector<32xbf16>
        %unpack3A_387 = tpu.unpack_subelements %mul3A_386, 0 {pack_format = #tpu.pack_format<interleaved>} : vector<32xbf16> -> vector<16xf32>
        %unpack3A_388 = tpu.unpack_subelements %mul3A_386, 1 {pack_format = #tpu.pack_format<interleaved>} : vector<32xbf16> -> vector<16xf32>
        %add3A_389 = arith.addf %add3A_377, %unpack3A_387 : vector<16xf32>
        %add3A_390 = arith.addf %add3A_389, %unpack3A_388 : vector<16xf32>
        %get3A_391 = arith.index_cast %add3A_349 : i32 to index
        %get3A_392 = arith.constant 48 : index
        %get3A_393 = tpu.vector_load %arg9[%get3A_391, %get3A_392] {strides = array<i32>} : memref<40x64xi32, #tpu.memory_space<vmem>>, vector<16xi32>,
        %bitcast3A_394 = vector.bitcast %get3A_393 : vector<16xi32> to vector<32xbf16>
        %get3A_395 = arith.index_cast %add3A_349 : i32 to index
        %get3A_396 = arith.constant 48 : index
        %get3A_397 = tpu.vector_load %arg10[%get3A_395, %get3A_396] {strides = array<i32>} : memref<40x64xi32, #tpu.memory_space<vmem>>, vector<16xi32>,
        %bitcast3A_398 = vector.bitcast %get3A_397 : vector<16xi32> to vector<32xbf16>
        %mul3A_399 = arith.mulf %bitcast3A_394, %bitcast3A_398 : vector<32xbf16>
        %unpack3A_400 = tpu.unpack_subelements %mul3A_399, 0 {pack_format = #tpu.pack_format<interleaved>} : vector<32xbf16> -> vector<16xf32>
        %unpack3A_401 = tpu.unpack_subelements %mul3A_399, 1 {pack_format = #tpu.pack_format<interleaved>} : vector<32xbf16> -> vector<16xf32>
        %add3A_402 = arith.addf %add3A_390, %unpack3A_400 : vector<16xf32>
        %add3A_403 = arith.addf %add3A_402, %unpack3A_401 : vector<16xf32>
        %mul3A_404 = arith.constant 40 : i32
        %mul3A_405 = arith.muli %add3A_112, %mul3A_404 : i32
        %add3A_406 = arith.addi %mul3A_405, %add3A_349 : i32
        %broadcast_in_dim3A_407 = vector.broadcast %add3A_406 : i32 to vector<16xi32>
        %gather3A_408 = tpu.vector_load_idx %arg8[%broadcast_in_dim3A_407] : memref<10000xf32, #tpu.memory_space<vmem>>[vector<16xi32>], vector<16xf32>,
        %mul3A_409 = arith.mulf %gather3A_408, %add3A_403 : vector<16xf32>
        %add3A_410 = arith.addf %add3A_347, %mul3A_409 : vector<16xf32>
        %add3A_411 = arith.constant 2 : i32
        %add3A_412 = arith.addi %mul3A_287, %add3A_411 : i32
        %broadcast_in_dim3A_413 = arith.constant 0.000000e+00 : f32
        %broadcast_in_dim3A_414 = vector.broadcast %broadcast_in_dim3A_413 : f32 to vector<16xf32>
        %get3A_415 = arith.index_cast %add3A_412 : i32 to index
        %get3A_416 = arith.constant 0 : index
        %get3A_417 = tpu.vector_load %arg9[%get3A_415, %get3A_416] {strides = array<i32>} : memref<40x64xi32, #tpu.memory_space<vmem>>, vector<16xi32>,
        %bitcast3A_418 = vector.bitcast %get3A_417 : vector<16xi32> to vector<32xbf16>
        %get3A_419 = arith.index_cast %add3A_412 : i32 to index
        %get3A_420 = arith.constant 0 : index
        %get3A_421 = tpu.vector_load %arg10[%get3A_419, %get3A_420] {strides = array<i32>} : memref<40x64xi32, #tpu.memory_space<vmem>>, vector<16xi32>,
        %bitcast3A_422 = vector.bitcast %get3A_421 : vector<16xi32> to vector<32xbf16>
        %mul3A_423 = arith.mulf %bitcast3A_418, %bitcast3A_422 : vector<32xbf16>
        %unpack3A_424 = tpu.unpack_subelements %mul3A_423, 0 {pack_format = #tpu.pack_format<interleaved>} : vector<32xbf16> -> vector<16xf32>
        %unpack3A_425 = tpu.unpack_subelements %mul3A_423, 1 {pack_format = #tpu.pack_format<interleaved>} : vector<32xbf16> -> vector<16xf32>
        %add3A_426 = arith.addf %broadcast_in_dim3A_414, %unpack3A_424 : vector<16xf32>
        %add3A_427 = arith.addf %add3A_426, %unpack3A_425 : vector<16xf32>
        %get3A_428 = arith.index_cast %add3A_412 : i32 to index
        %get3A_429 = arith.constant 16 : index
        %get3A_430 = tpu.vector_load %arg9[%get3A_428, %get3A_429] {strides = array<i32>} : memref<40x64xi32, #tpu.memory_space<vmem>>, vector<16xi32>,
        %bitcast3A_431 = vector.bitcast %get3A_430 : vector<16xi32> to vector<32xbf16>
        %get3A_432 = arith.index_cast %add3A_412 : i32 to index
        %get3A_433 = arith.constant 16 : index
        %get3A_434 = tpu.vector_load %arg10[%get3A_432, %get3A_433] {strides = array<i32>} : memref<40x64xi32, #tpu.memory_space<vmem>>, vector<16xi32>,
        %bitcast3A_435 = vector.bitcast %get3A_434 : vector<16xi32> to vector<32xbf16>
        %mul3A_436 = arith.mulf %bitcast3A_431, %bitcast3A_435 : vector<32xbf16>
        %unpack3A_437 = tpu.unpack_subelements %mul3A_436, 0 {pack_format = #tpu.pack_format<interleaved>} : vector<32xbf16> -> vector<16xf32>
        %unpack3A_438 = tpu.unpack_subelements %mul3A_436, 1 {pack_format = #tpu.pack_format<interleaved>} : vector<32xbf16> -> vector<16xf32>
        %add3A_439 = arith.addf %add3A_427, %unpack3A_437 : vector<16xf32>
        %add3A_440 = arith.addf %add3A_439, %unpack3A_438 : vector<16xf32>
        %get3A_441 = arith.index_cast %add3A_412 : i32 to index
        %get3A_442 = arith.constant 32 : index
        %get3A_443 = tpu.vector_load %arg9[%get3A_441, %get3A_442] {strides = array<i32>} : memref<40x64xi32, #tpu.memory_space<vmem>>, vector<16xi32>,
        %bitcast3A_444 = vector.bitcast %get3A_443 : vector<16xi32> to vector<32xbf16>
        %get3A_445 = arith.index_cast %add3A_412 : i32 to index
        %get3A_446 = arith.constant 32 : index
        %get3A_447 = tpu.vector_load %arg10[%get3A_445, %get3A_446] {strides = array<i32>} : memref<40x64xi32, #tpu.memory_space<vmem>>, vector<16xi32>,
        %bitcast3A_448 = vector.bitcast %get3A_447 : vector<16xi32> to vector<32xbf16>
        %mul3A_449 = arith.mulf %bitcast3A_444, %bitcast3A_448 : vector<32xbf16>
        %unpack3A_450 = tpu.unpack_subelements %mul3A_449, 0 {pack_format = #tpu.pack_format<interleaved>} : vector<32xbf16> -> vector<16xf32>
        %unpack3A_451 = tpu.unpack_subelements %mul3A_449, 1 {pack_format = #tpu.pack_format<interleaved>} : vector<32xbf16> -> vector<16xf32>
        %add3A_452 = arith.addf %add3A_440, %unpack3A_450 : vector<16xf32>
        %add3A_453 = arith.addf %add3A_452, %unpack3A_451 : vector<16xf32>
        %get3A_454 = arith.index_cast %add3A_412 : i32 to index
        %get3A_455 = arith.constant 48 : index
        %get3A_456 = tpu.vector_load %arg9[%get3A_454, %get3A_455] {strides = array<i32>} : memref<40x64xi32, #tpu.memory_space<vmem>>, vector<16xi32>,
        %bitcast3A_457 = vector.bitcast %get3A_456 : vector<16xi32> to vector<32xbf16>
        %get3A_458 = arith.index_cast %add3A_412 : i32 to index
        %get3A_459 = arith.constant 48 : index
        %get3A_460 = tpu.vector_load %arg10[%get3A_458, %get3A_459] {strides = array<i32>} : memref<40x64xi32, #tpu.memory_space<vmem>>, vector<16xi32>,
        %bitcast3A_461 = vector.bitcast %get3A_460 : vector<16xi32> to vector<32xbf16>
        %mul3A_462 = arith.mulf %bitcast3A_457, %bitcast3A_461 : vector<32xbf16>
        %unpack3A_463 = tpu.unpack_subelements %mul3A_462, 0 {pack_format = #tpu.pack_format<interleaved>} : vector<32xbf16> -> vector<16xf32>
        %unpack3A_464 = tpu.unpack_subelements %mul3A_462, 1 {pack_format = #tpu.pack_format<interleaved>} : vector<32xbf16> -> vector<16xf32>
        %add3A_465 = arith.addf %add3A_453, %unpack3A_463 : vector<16xf32>
        %add3A_466 = arith.addf %add3A_465, %unpack3A_464 : vector<16xf32>
        %mul3A_467 = arith.constant 40 : i32
        %mul3A_468 = arith.muli %add3A_112, %mul3A_467 : i32
        %add3A_469 = arith.addi %mul3A_468, %add3A_412 : i32
        %broadcast_in_dim3A_470 = vector.broadcast %add3A_469 : i32 to vector<16xi32>
        %gather3A_471 = tpu.vector_load_idx %arg8[%broadcast_in_dim3A_470] : memref<10000xf32, #tpu.memory_space<vmem>>[vector<16xi32>], vector<16xf32>,
        %mul3A_472 = arith.mulf %gather3A_471, %add3A_466 : vector<16xf32>
        %add3A_473 = arith.addf %add3A_410, %mul3A_472 : vector<16xf32>
        %add3A_474 = arith.constant 3 : i32
        %add3A_475 = arith.addi %mul3A_287, %add3A_474 : i32
        %broadcast_in_dim3A_476 = arith.constant 0.000000e+00 : f32
        %broadcast_in_dim3A_477 = vector.broadcast %broadcast_in_dim3A_476 : f32 to vector<16xf32>
        %get3A_478 = arith.index_cast %add3A_475 : i32 to index
        %get3A_479 = arith.constant 0 : index
        %get3A_480 = tpu.vector_load %arg9[%get3A_478, %get3A_479] {strides = array<i32>} : memref<40x64xi32, #tpu.memory_space<vmem>>, vector<16xi32>,
        %bitcast3A_481 = vector.bitcast %get3A_480 : vector<16xi32> to vector<32xbf16>
        %get3A_482 = arith.index_cast %add3A_475 : i32 to index
        %get3A_483 = arith.constant 0 : index
        %get3A_484 = tpu.vector_load %arg10[%get3A_482, %get3A_483] {strides = array<i32>} : memref<40x64xi32, #tpu.memory_space<vmem>>, vector<16xi32>,
        %bitcast3A_485 = vector.bitcast %get3A_484 : vector<16xi32> to vector<32xbf16>
        %mul3A_486 = arith.mulf %bitcast3A_481, %bitcast3A_485 : vector<32xbf16>
        %unpack3A_487 = tpu.unpack_subelements %mul3A_486, 0 {pack_format = #tpu.pack_format<interleaved>} : vector<32xbf16> -> vector<16xf32>
        %unpack3A_488 = tpu.unpack_subelements %mul3A_486, 1 {pack_format = #tpu.pack_format<interleaved>} : vector<32xbf16> -> vector<16xf32>
        %add3A_489 = arith.addf %broadcast_in_dim3A_477, %unpack3A_487 : vector<16xf32>
        %add3A_490 = arith.addf %add3A_489, %unpack3A_488 : vector<16xf32>
        %get3A_491 = arith.index_cast %add3A_475 : i32 to index
        %get3A_492 = arith.constant 16 : index
        %get3A_493 = tpu.vector_load %arg9[%get3A_491, %get3A_492] {strides = array<i32>} : memref<40x64xi32, #tpu.memory_space<vmem>>, vector<16xi32>,
        %bitcast3A_494 = vector.bitcast %get3A_493 : vector<16xi32> to vector<32xbf16>
        %get3A_495 = arith.index_cast %add3A_475 : i32 to index
        %get3A_496 = arith.constant 16 : index
        %get3A_497 = tpu.vector_load %arg10[%get3A_495, %get3A_496] {strides = array<i32>} : memref<40x64xi32, #tpu.memory_space<vmem>>, vector<16xi32>,
        %bitcast3A_498 = vector.bitcast %get3A_497 : vector<16xi32> to vector<32xbf16>
        %mul3A_499 = arith.mulf %bitcast3A_494, %bitcast3A_498 : vector<32xbf16>
        %unpack3A_500 = tpu.unpack_subelements %mul3A_499, 0 {pack_format = #tpu.pack_format<interleaved>} : vector<32xbf16> -> vector<16xf32>
        %unpack3A_501 = tpu.unpack_subelements %mul3A_499, 1 {pack_format = #tpu.pack_format<interleaved>} : vector<32xbf16> -> vector<16xf32>
        %add3A_502 = arith.addf %add3A_490, %unpack3A_500 : vector<16xf32>
        %add3A_503 = arith.addf %add3A_502, %unpack3A_501 : vector<16xf32>
        %get3A_504 = arith.index_cast %add3A_475 : i32 to index
        %get3A_505 = arith.constant 32 : index
        %get3A_506 = tpu.vector_load %arg9[%get3A_504, %get3A_505] {strides = array<i32>} : memref<40x64xi32, #tpu.memory_space<vmem>>, vector<16xi32>,
        %bitcast3A_507 = vector.bitcast %get3A_506 : vector<16xi32> to vector<32xbf16>
        %get3A_508 = arith.index_cast %add3A_475 : i32 to index
        %get3A_509 = arith.constant 32 : index
        %get3A_510 = tpu.vector_load %arg10[%get3A_508, %get3A_509] {strides = array<i32>} : memref<40x64xi32, #tpu.memory_space<vmem>>, vector<16xi32>,
        %bitcast3A_511 = vector.bitcast %get3A_510 : vector<16xi32> to vector<32xbf16>
        %mul3A_512 = arith.mulf %bitcast3A_507, %bitcast3A_511 : vector<32xbf16>
        %unpack3A_513 = tpu.unpack_subelements %mul3A_512, 0 {pack_format = #tpu.pack_format<interleaved>} : vector<32xbf16> -> vector<16xf32>
        %unpack3A_514 = tpu.unpack_subelements %mul3A_512, 1 {pack_format = #tpu.pack_format<interleaved>} : vector<32xbf16> -> vector<16xf32>
        %add3A_515 = arith.addf %add3A_503, %unpack3A_513 : vector<16xf32>
        %add3A_516 = arith.addf %add3A_515, %unpack3A_514 : vector<16xf32>
        %get3A_517 = arith.index_cast %add3A_475 : i32 to index
        %get3A_518 = arith.constant 48 : index
        %get3A_519 = tpu.vector_load %arg9[%get3A_517, %get3A_518] {strides = array<i32>} : memref<40x64xi32, #tpu.memory_space<vmem>>, vector<16xi32>,
        %bitcast3A_520 = vector.bitcast %get3A_519 : vector<16xi32> to vector<32xbf16>
        %get3A_521 = arith.index_cast %add3A_475 : i32 to index
        %get3A_522 = arith.constant 48 : index
        %get3A_523 = tpu.vector_load %arg10[%get3A_521, %get3A_522] {strides = array<i32>} : memref<40x64xi32, #tpu.memory_space<vmem>>, vector<16xi32>,
        %bitcast3A_524 = vector.bitcast %get3A_523 : vector<16xi32> to vector<32xbf16>
        %mul3A_525 = arith.mulf %bitcast3A_520, %bitcast3A_524 : vector<32xbf16>
        %unpack3A_526 = tpu.unpack_subelements %mul3A_525, 0 {pack_format = #tpu.pack_format<interleaved>} : vector<32xbf16> -> vector<16xf32>
        %unpack3A_527 = tpu.unpack_subelements %mul3A_525, 1 {pack_format = #tpu.pack_format<interleaved>} : vector<32xbf16> -> vector<16xf32>
        %add3A_528 = arith.addf %add3A_516, %unpack3A_526 : vector<16xf32>
        %add3A_529 = arith.addf %add3A_528, %unpack3A_527 : vector<16xf32>
        %mul3A_530 = arith.constant 40 : i32
        %mul3A_531 = arith.muli %add3A_112, %mul3A_530 : i32
        %add3A_532 = arith.addi %mul3A_531, %add3A_475 : i32
        %broadcast_in_dim3A_533 = vector.broadcast %add3A_532 : i32 to vector<16xi32>
        %gather3A_534 = tpu.vector_load_idx %arg8[%broadcast_in_dim3A_533] : memref<10000xf32, #tpu.memory_space<vmem>>[vector<16xi32>], vector<16xf32>,
        %mul3A_535 = arith.mulf %gather3A_534, %add3A_529 : vector<16xf32>
        %add3A_536 = arith.addf %add3A_473, %mul3A_535 : vector<16xf32>
        %add3A_537 = arith.constant 4 : i32
        %add3A_538 = arith.addi %mul3A_287, %add3A_537 : i32
        %broadcast_in_dim3A_539 = arith.constant 0.000000e+00 : f32
        %broadcast_in_dim3A_540 = vector.broadcast %broadcast_in_dim3A_539 : f32 to vector<16xf32>
        %get3A_541 = arith.index_cast %add3A_538 : i32 to index
        %get3A_542 = arith.constant 0 : index
        %get3A_543 = tpu.vector_load %arg9[%get3A_541, %get3A_542] {strides = array<i32>} : memref<40x64xi32, #tpu.memory_space<vmem>>, vector<16xi32>,
        %bitcast3A_544 = vector.bitcast %get3A_543 : vector<16xi32> to vector<32xbf16>
        %get3A_545 = arith.index_cast %add3A_538 : i32 to index
        %get3A_546 = arith.constant 0 : index
        %get3A_547 = tpu.vector_load %arg10[%get3A_545, %get3A_546] {strides = array<i32>} : memref<40x64xi32, #tpu.memory_space<vmem>>, vector<16xi32>,
        %bitcast3A_548 = vector.bitcast %get3A_547 : vector<16xi32> to vector<32xbf16>
        %mul3A_549 = arith.mulf %bitcast3A_544, %bitcast3A_548 : vector<32xbf16>
        %unpack3A_550 = tpu.unpack_subelements %mul3A_549, 0 {pack_format = #tpu.pack_format<interleaved>} : vector<32xbf16> -> vector<16xf32>
        %unpack3A_551 = tpu.unpack_subelements %mul3A_549, 1 {pack_format = #tpu.pack_format<interleaved>} : vector<32xbf16> -> vector<16xf32>
        %add3A_552 = arith.addf %broadcast_in_dim3A_540, %unpack3A_550 : vector<16xf32>
        %add3A_553 = arith.addf %add3A_552, %unpack3A_551 : vector<16xf32>
        %get3A_554 = arith.index_cast %add3A_538 : i32 to index
        %get3A_555 = arith.constant 16 : index
        %get3A_556 = tpu.vector_load %arg9[%get3A_554, %get3A_555] {strides = array<i32>} : memref<40x64xi32, #tpu.memory_space<vmem>>, vector<16xi32>,
        %bitcast3A_557 = vector.bitcast %get3A_556 : vector<16xi32> to vector<32xbf16>
        %get3A_558 = arith.index_cast %add3A_538 : i32 to index
        %get3A_559 = arith.constant 16 : index
        %get3A_560 = tpu.vector_load %arg10[%get3A_558, %get3A_559] {strides = array<i32>} : memref<40x64xi32, #tpu.memory_space<vmem>>, vector<16xi32>,
        %bitcast3A_561 = vector.bitcast %get3A_560 : vector<16xi32> to vector<32xbf16>
        %mul3A_562 = arith.mulf %bitcast3A_557, %bitcast3A_561 : vector<32xbf16>
        %unpack3A_563 = tpu.unpack_subelements %mul3A_562, 0 {pack_format = #tpu.pack_format<interleaved>} : vector<32xbf16> -> vector<16xf32>
        %unpack3A_564 = tpu.unpack_subelements %mul3A_562, 1 {pack_format = #tpu.pack_format<interleaved>} : vector<32xbf16> -> vector<16xf32>
        %add3A_565 = arith.addf %add3A_553, %unpack3A_563 : vector<16xf32>
        %add3A_566 = arith.addf %add3A_565, %unpack3A_564 : vector<16xf32>
        %get3A_567 = arith.index_cast %add3A_538 : i32 to index
        %get3A_568 = arith.constant 32 : index
        %get3A_569 = tpu.vector_load %arg9[%get3A_567, %get3A_568] {strides = array<i32>} : memref<40x64xi32, #tpu.memory_space<vmem>>, vector<16xi32>,
        %bitcast3A_570 = vector.bitcast %get3A_569 : vector<16xi32> to vector<32xbf16>
        %get3A_571 = arith.index_cast %add3A_538 : i32 to index
        %get3A_572 = arith.constant 32 : index
        %get3A_573 = tpu.vector_load %arg10[%get3A_571, %get3A_572] {strides = array<i32>} : memref<40x64xi32, #tpu.memory_space<vmem>>, vector<16xi32>,
        %bitcast3A_574 = vector.bitcast %get3A_573 : vector<16xi32> to vector<32xbf16>
        %mul3A_575 = arith.mulf %bitcast3A_570, %bitcast3A_574 : vector<32xbf16>
        %unpack3A_576 = tpu.unpack_subelements %mul3A_575, 0 {pack_format = #tpu.pack_format<interleaved>} : vector<32xbf16> -> vector<16xf32>
        %unpack3A_577 = tpu.unpack_subelements %mul3A_575, 1 {pack_format = #tpu.pack_format<interleaved>} : vector<32xbf16> -> vector<16xf32>
        %add3A_578 = arith.addf %add3A_566, %unpack3A_576 : vector<16xf32>
        %add3A_579 = arith.addf %add3A_578, %unpack3A_577 : vector<16xf32>
        %get3A_580 = arith.index_cast %add3A_538 : i32 to index
        %get3A_581 = arith.constant 48 : index
        %get3A_582 = tpu.vector_load %arg9[%get3A_580, %get3A_581] {strides = array<i32>} : memref<40x64xi32, #tpu.memory_space<vmem>>, vector<16xi32>,
        %bitcast3A_583 = vector.bitcast %get3A_582 : vector<16xi32> to vector<32xbf16>
        %get3A_584 = arith.index_cast %add3A_538 : i32 to index
        %get3A_585 = arith.constant 48 : index
        %get3A_586 = tpu.vector_load %arg10[%get3A_584, %get3A_585] {strides = array<i32>} : memref<40x64xi32, #tpu.memory_space<vmem>>, vector<16xi32>,
        %bitcast3A_587 = vector.bitcast %get3A_586 : vector<16xi32> to vector<32xbf16>
        %mul3A_588 = arith.mulf %bitcast3A_583, %bitcast3A_587 : vector<32xbf16>
        %unpack3A_589 = tpu.unpack_subelements %mul3A_588, 0 {pack_format = #tpu.pack_format<interleaved>} : vector<32xbf16> -> vector<16xf32>
        %unpack3A_590 = tpu.unpack_subelements %mul3A_588, 1 {pack_format = #tpu.pack_format<interleaved>} : vector<32xbf16> -> vector<16xf32>
        %add3A_591 = arith.addf %add3A_579, %unpack3A_589 : vector<16xf32>
        %add3A_592 = arith.addf %add3A_591, %unpack3A_590 : vector<16xf32>
        %mul3A_593 = arith.constant 40 : i32
        %mul3A_594 = arith.muli %add3A_112, %mul3A_593 : i32
        %add3A_595 = arith.addi %mul3A_594, %add3A_538 : i32
        %broadcast_in_dim3A_596 = vector.broadcast %add3A_595 : i32 to vector<16xi32>
        %gather3A_597 = tpu.vector_load_idx %arg8[%broadcast_in_dim3A_596] : memref<10000xf32, #tpu.memory_space<vmem>>[vector<16xi32>], vector<16xf32>,
        %mul3A_598 = arith.mulf %gather3A_597, %add3A_592 : vector<16xf32>
        %add3A_599 = arith.addf %add3A_536, %mul3A_598 : vector<16xf32>
        scf.yield %add3A_599 : vector<16xf32>
      }
      %scan3A_120 = arith.constant 8 : i32
      %get3A = arith.constant 0 : index
      %get3A_121 = tpu.vector_load %arg19[%get3A] {strides = array<i32>} : memref<16xf32, #tpu.memory_space<vmem>>, vector<16xf32>,
      %add3A_122 = arith.addf %get3A_121, %scan3A_119 : vector<16xf32>
      %swap3A_123 = arith.constant 0 : index
      %swap3A_124 = tpu.vector_load %arg19[%swap3A_123] {strides = array<i32>} : memref<16xf32, #tpu.memory_space<vmem>>, vector<16xf32>,
      tpu.vector_store %arg19[%swap3A_123], %add3A_122 {strides = array<i32>} : memref<16xf32, #tpu.memory_space<vmem>>, vector<16xf32>,
      %add3A_125 = arith.constant 0 : i32
      %add3A_126 = arith.addi %add3A_97, %add3A_125 : i32
      %add3A_127 = arith.constant 5 : i32
      %add3A_128 = arith.addi %add3A_126, %add3A_127 : i32
      %lt3A_129 = arith.constant 250 : i32
      %lt3A_130 = arith.cmpi slt, %add3A_128, %lt3A_129 : i32
      %convert_element_type3A = arith.extui %lt3A_130 : i1 to i32
      %cond3A = arith.constant 0 : i32
      %cond3A_131 = arith.cmpi ne, %convert_element_type3A, %cond3A : i32
      scf.if %cond3A_131 {
        %add3A_284 = arith.constant 0 : i32
        %add3A_285 = arith.addi %add3A_97, %add3A_284 : i32
        %add3A_286 = arith.constant 5 : i32
        %add3A_287 = arith.addi %add3A_285, %add3A_286 : i32
        %mul3A_288 = arith.constant 40 : i32
        %mul3A_289 = arith.muli %add3A_287, %mul3A_288 : i32
        %dma_start3A_290 = tpu.memref_slice %arg6[%mul3A_289] : memref<10000xi32, #tpu.memory_space<vmem>> -> memref<40xi32, #tpu.memory_space<vmem>>
        %dma_start3A_291 = arith.constant 0 : i32
        %dma_start3A_292 = arith.constant 0 : i32
        %dma_start3A_293 = tpu.memref_slice %arg20[%dma_start3A_291, %dma_start3A_292] : memref<10000x64xi32, #tpu.memory_space<vmem_shared>> -> memref<10000x64xi32, #tpu.memory_space<vmem_shared>>
        tpu.enqueue_indirect_dma source(%dma_start3A_293 : memref<10000x64xi32, #tpu.memory_space<vmem_shared>>) target(%arg9 : memref<40x64xi32, #tpu.memory_space<vmem>>) offsets(%dma_start3A_290 : memref<40xi32, #tpu.memory_space<vmem>>) semaphore(%arg21 : memref<!tpu.dma_semaphore, #tpu.memory_space<semaphore_mem>>)
        %mul3A_294 = arith.constant 40 : i32
        %mul3A_295 = arith.muli %add3A_287, %mul3A_294 : i32
        %dma_start3A_296 = tpu.memref_slice %arg7[%mul3A_295] : memref<10000xi32, #tpu.memory_space<vmem>> -> memref<40xi32, #tpu.memory_space<vmem>>
        %dma_start3A_297 = arith.constant 0 : i32
        %dma_start3A_298 = arith.constant 0 : i32
        %dma_start3A_299 = tpu.memref_slice %arg20[%dma_start3A_297, %dma_start3A_298] : memref<10000x64xi32, #tpu.memory_space<vmem_shared>> -> memref<10000x64xi32, #tpu.memory_space<vmem_shared>>
        tpu.enqueue_indirect_dma source(%dma_start3A_299 : memref<10000x64xi32, #tpu.memory_space<vmem_shared>>) target(%arg10 : memref<40x64xi32, #tpu.memory_space<vmem>>) offsets(%dma_start3A_296 : memref<40xi32, #tpu.memory_space<vmem>>) semaphore(%arg22 : memref<!tpu.dma_semaphore, #tpu.memory_space<semaphore_mem>>)
      } else {
      }
      %add3A_132 = arith.constant 1 : i32
      %add3A_133 = arith.addi %add3A_97, %add3A_132 : i32
      %mul3A_134 = arith.constant 40 : i32
      %mul3A_135 = arith.muli %add3A_133, %mul3A_134 : i32
      %dma_wait3A_136 = tpu.memref_slice %arg6[%mul3A_135] : memref<10000xi32, #tpu.memory_space<vmem>> -> memref<40xi32, #tpu.memory_space<vmem>>
      %dma_wait3A_137 = arith.constant 0 : i32
      %dma_wait3A_138 = arith.constant 0 : i32
      %dma_wait3A_139 = tpu.memref_slice %arg20[%dma_wait3A_137, %dma_wait3A_138] : memref<10000x64xi32, #tpu.memory_space<vmem_shared>> -> memref<10000x64xi32, #tpu.memory_space<vmem_shared>>
      tpu.wait_indirect_dma semaphore(%arg23 : memref<!tpu.dma_semaphore, #tpu.memory_space<semaphore_mem>>) src(%dma_wait3A_139 : memref<10000x64xi32, #tpu.memory_space<vmem_shared>>) dst(%arg11 : memref<40x64xi32, #tpu.memory_space<vmem>>)
      %mul3A_140 = arith.constant 40 : i32
      %mul3A_141 = arith.muli %add3A_133, %mul3A_140 : i32
      %dma_wait3A_142 = tpu.memref_slice %arg7[%mul3A_141] : memref<10000xi32, #tpu.memory_space<vmem>> -> memref<40xi32, #tpu.memory_space<vmem>>
      %dma_wait3A_143 = arith.constant 0 : i32
      %dma_wait3A_144 = arith.constant 0 : i32
      %dma_wait3A_145 = tpu.memref_slice %arg20[%dma_wait3A_143, %dma_wait3A_144] : memref<10000x64xi32, #tpu.memory_space<vmem_shared>> -> memref<10000x64xi32, #tpu.memory_space<vmem_shared>>
      tpu.wait_indirect_dma semaphore(%arg24 : memref<!tpu.dma_semaphore, #tpu.memory_space<semaphore_mem>>) src(%dma_wait3A_145 : memref<10000x64xi32, #tpu.memory_space<vmem_shared>>) dst(%arg12 : memref<40x64xi32, #tpu.memory_space<vmem>>)
      %add3A_146 = arith.constant 1 : i32
      %add3A_147 = arith.addi %add3A_97, %add3A_146 : i32
      %broadcast_in_dim3A_148 = arith.constant 0.000000e+00 : f32
      %broadcast_in_dim3A_149 = vector.broadcast %broadcast_in_dim3A_148 : f32 to vector<16xf32>
      %scan3A_150 = arith.constant 0 : i32
      %scan3A_151 = arith.constant 8 : i32
      %scan3A_152 = arith.addi %scan3A_150, %scan3A_151 : i32
      %scan3A_153 = arith.constant 1 : i32
      %scan3A_154 = scf.for %scan3A_284 = %scan3A_150 to %scan3A_152 step %scan3A_153 iter_args(%scan3A_285 = %broadcast_in_dim3A_149) -> (vector<16xf32>)  : i32 {
        %mul3A_286 = arith.constant 5 : i32
        %mul3A_287 = arith.muli %scan3A_284, %mul3A_286 : i32
        %add3A_288 = arith.constant 0 : i32
        %add3A_289 = arith.addi %mul3A_287, %add3A_288 : i32
        %broadcast_in_dim3A_290 = arith.constant 0.000000e+00 : f32
        %broadcast_in_dim3A_291 = vector.broadcast %broadcast_in_dim3A_290 : f32 to vector<16xf32>
        %get3A_292 = arith.index_cast %add3A_289 : i32 to index
        %get3A_293 = arith.constant 0 : index
        %get3A_294 = tpu.vector_load %arg11[%get3A_292, %get3A_293] {strides = array<i32>} : memref<40x64xi32, #tpu.memory_space<vmem>>, vector<16xi32>,
        %bitcast3A = vector.bitcast %get3A_294 : vector<16xi32> to vector<32xbf16>
        %get3A_295 = arith.index_cast %add3A_289 : i32 to index
        %get3A_296 = arith.constant 0 : index
        %get3A_297 = tpu.vector_load %arg12[%get3A_295, %get3A_296] {strides = array<i32>} : memref<40x64xi32, #tpu.memory_space<vmem>>, vector<16xi32>,
        %bitcast3A_298 = vector.bitcast %get3A_297 : vector<16xi32> to vector<32xbf16>
        %mul3A_299 = arith.mulf %bitcast3A, %bitcast3A_298 : vector<32xbf16>
        %unpack3A = tpu.unpack_subelements %mul3A_299, 0 {pack_format = #tpu.pack_format<interleaved>} : vector<32xbf16> -> vector<16xf32>
        %unpack3A_300 = tpu.unpack_subelements %mul3A_299, 1 {pack_format = #tpu.pack_format<interleaved>} : vector<32xbf16> -> vector<16xf32>
        %add3A_301 = arith.addf %broadcast_in_dim3A_291, %unpack3A : vector<16xf32>
        %add3A_302 = arith.addf %add3A_301, %unpack3A_300 : vector<16xf32>
        %get3A_303 = arith.index_cast %add3A_289 : i32 to index
        %get3A_304 = arith.constant 16 : index
        %get3A_305 = tpu.vector_load %arg11[%get3A_303, %get3A_304] {strides = array<i32>} : memref<40x64xi32, #tpu.memory_space<vmem>>, vector<16xi32>,
        %bitcast3A_306 = vector.bitcast %get3A_305 : vector<16xi32> to vector<32xbf16>
        %get3A_307 = arith.index_cast %add3A_289 : i32 to index
        %get3A_308 = arith.constant 16 : index
        %get3A_309 = tpu.vector_load %arg12[%get3A_307, %get3A_308] {strides = array<i32>} : memref<40x64xi32, #tpu.memory_space<vmem>>, vector<16xi32>,
        %bitcast3A_310 = vector.bitcast %get3A_309 : vector<16xi32> to vector<32xbf16>
        %mul3A_311 = arith.mulf %bitcast3A_306, %bitcast3A_310 : vector<32xbf16>
        %unpack3A_312 = tpu.unpack_subelements %mul3A_311, 0 {pack_format = #tpu.pack_format<interleaved>} : vector<32xbf16> -> vector<16xf32>
        %unpack3A_313 = tpu.unpack_subelements %mul3A_311, 1 {pack_format = #tpu.pack_format<interleaved>} : vector<32xbf16> -> vector<16xf32>
        %add3A_314 = arith.addf %add3A_302, %unpack3A_312 : vector<16xf32>
        %add3A_315 = arith.addf %add3A_314, %unpack3A_313 : vector<16xf32>
        %get3A_316 = arith.index_cast %add3A_289 : i32 to index
        %get3A_317 = arith.constant 32 : index
        %get3A_318 = tpu.vector_load %arg11[%get3A_316, %get3A_317] {strides = array<i32>} : memref<40x64xi32, #tpu.memory_space<vmem>>, vector<16xi32>,
        %bitcast3A_319 = vector.bitcast %get3A_318 : vector<16xi32> to vector<32xbf16>
        %get3A_320 = arith.index_cast %add3A_289 : i32 to index
        %get3A_321 = arith.constant 32 : index
        %get3A_322 = tpu.vector_load %arg12[%get3A_320, %get3A_321] {strides = array<i32>} : memref<40x64xi32, #tpu.memory_space<vmem>>, vector<16xi32>,
        %bitcast3A_323 = vector.bitcast %get3A_322 : vector<16xi32> to vector<32xbf16>
        %mul3A_324 = arith.mulf %bitcast3A_319, %bitcast3A_323 : vector<32xbf16>
        %unpack3A_325 = tpu.unpack_subelements %mul3A_324, 0 {pack_format = #tpu.pack_format<interleaved>} : vector<32xbf16> -> vector<16xf32>
        %unpack3A_326 = tpu.unpack_subelements %mul3A_324, 1 {pack_format = #tpu.pack_format<interleaved>} : vector<32xbf16> -> vector<16xf32>
        %add3A_327 = arith.addf %add3A_315, %unpack3A_325 : vector<16xf32>
        %add3A_328 = arith.addf %add3A_327, %unpack3A_326 : vector<16xf32>
        %get3A_329 = arith.index_cast %add3A_289 : i32 to index
        %get3A_330 = arith.constant 48 : index
        %get3A_331 = tpu.vector_load %arg11[%get3A_329, %get3A_330] {strides = array<i32>} : memref<40x64xi32, #tpu.memory_space<vmem>>, vector<16xi32>,
        %bitcast3A_332 = vector.bitcast %get3A_331 : vector<16xi32> to vector<32xbf16>
        %get3A_333 = arith.index_cast %add3A_289 : i32 to index
        %get3A_334 = arith.constant 48 : index
        %get3A_335 = tpu.vector_load %arg12[%get3A_333, %get3A_334] {strides = array<i32>} : memref<40x64xi32, #tpu.memory_space<vmem>>, vector<16xi32>,
        %bitcast3A_336 = vector.bitcast %get3A_335 : vector<16xi32> to vector<32xbf16>
        %mul3A_337 = arith.mulf %bitcast3A_332, %bitcast3A_336 : vector<32xbf16>
        %unpack3A_338 = tpu.unpack_subelements %mul3A_337, 0 {pack_format = #tpu.pack_format<interleaved>} : vector<32xbf16> -> vector<16xf32>
        %unpack3A_339 = tpu.unpack_subelements %mul3A_337, 1 {pack_format = #tpu.pack_format<interleaved>} : vector<32xbf16> -> vector<16xf32>
        %add3A_340 = arith.addf %add3A_328, %unpack3A_338 : vector<16xf32>
        %add3A_341 = arith.addf %add3A_340, %unpack3A_339 : vector<16xf32>
        %mul3A_342 = arith.constant 40 : i32
        %mul3A_343 = arith.muli %add3A_147, %mul3A_342 : i32
        %add3A_344 = arith.addi %mul3A_343, %add3A_289 : i32
        %broadcast_in_dim3A_345 = vector.broadcast %add3A_344 : i32 to vector<16xi32>
        %gather3A = tpu.vector_load_idx %arg8[%broadcast_in_dim3A_345] : memref<10000xf32, #tpu.memory_space<vmem>>[vector<16xi32>], vector<16xf32>,
        %mul3A_346 = arith.mulf %gather3A, %add3A_341 : vector<16xf32>
        %add3A_347 = arith.addf %scan3A_285, %mul3A_346 : vector<16xf32>
        %add3A_348 = arith.constant 1 : i32
        %add3A_349 = arith.addi %mul3A_287, %add3A_348 : i32
        %broadcast_in_dim3A_350 = arith.constant 0.000000e+00 : f32
        %broadcast_in_dim3A_351 = vector.broadcast %broadcast_in_dim3A_350 : f32 to vector<16xf32>
        %get3A_352 = arith.index_cast %add3A_349 : i32 to index
        %get3A_353 = arith.constant 0 : index
        %get3A_354 = tpu.vector_load %arg11[%get3A_352, %get3A_353] {strides = array<i32>} : memref<40x64xi32, #tpu.memory_space<vmem>>, vector<16xi32>,
        %bitcast3A_355 = vector.bitcast %get3A_354 : vector<16xi32> to vector<32xbf16>
        %get3A_356 = arith.index_cast %add3A_349 : i32 to index
        %get3A_357 = arith.constant 0 : index
        %get3A_358 = tpu.vector_load %arg12[%get3A_356, %get3A_357] {strides = array<i32>} : memref<40x64xi32, #tpu.memory_space<vmem>>, vector<16xi32>,
        %bitcast3A_359 = vector.bitcast %get3A_358 : vector<16xi32> to vector<32xbf16>
        %mul3A_360 = arith.mulf %bitcast3A_355, %bitcast3A_359 : vector<32xbf16>
        %unpack3A_361 = tpu.unpack_subelements %mul3A_360, 0 {pack_format = #tpu.pack_format<interleaved>} : vector<32xbf16> -> vector<16xf32>
        %unpack3A_362 = tpu.unpack_subelements %mul3A_360, 1 {pack_format = #tpu.pack_format<interleaved>} : vector<32xbf16> -> vector<16xf32>
        %add3A_363 = arith.addf %broadcast_in_dim3A_351, %unpack3A_361 : vector<16xf32>
        %add3A_364 = arith.addf %add3A_363, %unpack3A_362 : vector<16xf32>
        %get3A_365 = arith.index_cast %add3A_349 : i32 to index
        %get3A_366 = arith.constant 16 : index
        %get3A_367 = tpu.vector_load %arg11[%get3A_365, %get3A_366] {strides = array<i32>} : memref<40x64xi32, #tpu.memory_space<vmem>>, vector<16xi32>,
        %bitcast3A_368 = vector.bitcast %get3A_367 : vector<16xi32> to vector<32xbf16>
        %get3A_369 = arith.index_cast %add3A_349 : i32 to index
        %get3A_370 = arith.constant 16 : index
        %get3A_371 = tpu.vector_load %arg12[%get3A_369, %get3A_370] {strides = array<i32>} : memref<40x64xi32, #tpu.memory_space<vmem>>, vector<16xi32>,
        %bitcast3A_372 = vector.bitcast %get3A_371 : vector<16xi32> to vector<32xbf16>
        %mul3A_373 = arith.mulf %bitcast3A_368, %bitcast3A_372 : vector<32xbf16>
        %unpack3A_374 = tpu.unpack_subelements %mul3A_373, 0 {pack_format = #tpu.pack_format<interleaved>} : vector<32xbf16> -> vector<16xf32>
        %unpack3A_375 = tpu.unpack_subelements %mul3A_373, 1 {pack_format = #tpu.pack_format<interleaved>} : vector<32xbf16> -> vector<16xf32>
        %add3A_376 = arith.addf %add3A_364, %unpack3A_374 : vector<16xf32>
        %add3A_377 = arith.addf %add3A_376, %unpack3A_375 : vector<16xf32>
        %get3A_378 = arith.index_cast %add3A_349 : i32 to index
        %get3A_379 = arith.constant 32 : index
        %get3A_380 = tpu.vector_load %arg11[%get3A_378, %get3A_379] {strides = array<i32>} : memref<40x64xi32, #tpu.memory_space<vmem>>, vector<16xi32>,
        %bitcast3A_381 = vector.bitcast %get3A_380 : vector<16xi32> to vector<32xbf16>
        %get3A_382 = arith.index_cast %add3A_349 : i32 to index
        %get3A_383 = arith.constant 32 : index
        %get3A_384 = tpu.vector_load %arg12[%get3A_382, %get3A_383] {strides = array<i32>} : memref<40x64xi32, #tpu.memory_space<vmem>>, vector<16xi32>,
        %bitcast3A_385 = vector.bitcast %get3A_384 : vector<16xi32> to vector<32xbf16>
        %mul3A_386 = arith.mulf %bitcast3A_381, %bitcast3A_385 : vector<32xbf16>
        %unpack3A_387 = tpu.unpack_subelements %mul3A_386, 0 {pack_format = #tpu.pack_format<interleaved>} : vector<32xbf16> -> vector<16xf32>
        %unpack3A_388 = tpu.unpack_subelements %mul3A_386, 1 {pack_format = #tpu.pack_format<interleaved>} : vector<32xbf16> -> vector<16xf32>
        %add3A_389 = arith.addf %add3A_377, %unpack3A_387 : vector<16xf32>
        %add3A_390 = arith.addf %add3A_389, %unpack3A_388 : vector<16xf32>
        %get3A_391 = arith.index_cast %add3A_349 : i32 to index
        %get3A_392 = arith.constant 48 : index
        %get3A_393 = tpu.vector_load %arg11[%get3A_391, %get3A_392] {strides = array<i32>} : memref<40x64xi32, #tpu.memory_space<vmem>>, vector<16xi32>,
        %bitcast3A_394 = vector.bitcast %get3A_393 : vector<16xi32> to vector<32xbf16>
        %get3A_395 = arith.index_cast %add3A_349 : i32 to index
        %get3A_396 = arith.constant 48 : index
        %get3A_397 = tpu.vector_load %arg12[%get3A_395, %get3A_396] {strides = array<i32>} : memref<40x64xi32, #tpu.memory_space<vmem>>, vector<16xi32>,
        %bitcast3A_398 = vector.bitcast %get3A_397 : vector<16xi32> to vector<32xbf16>
        %mul3A_399 = arith.mulf %bitcast3A_394, %bitcast3A_398 : vector<32xbf16>
        %unpack3A_400 = tpu.unpack_subelements %mul3A_399, 0 {pack_format = #tpu.pack_format<interleaved>} : vector<32xbf16> -> vector<16xf32>
        %unpack3A_401 = tpu.unpack_subelements %mul3A_399, 1 {pack_format = #tpu.pack_format<interleaved>} : vector<32xbf16> -> vector<16xf32>
        %add3A_402 = arith.addf %add3A_390, %unpack3A_400 : vector<16xf32>
        %add3A_403 = arith.addf %add3A_402, %unpack3A_401 : vector<16xf32>
        %mul3A_404 = arith.constant 40 : i32
        %mul3A_405 = arith.muli %add3A_147, %mul3A_404 : i32
        %add3A_406 = arith.addi %mul3A_405, %add3A_349 : i32
        %broadcast_in_dim3A_407 = vector.broadcast %add3A_406 : i32 to vector<16xi32>
        %gather3A_408 = tpu.vector_load_idx %arg8[%broadcast_in_dim3A_407] : memref<10000xf32, #tpu.memory_space<vmem>>[vector<16xi32>], vector<16xf32>,
        %mul3A_409 = arith.mulf %gather3A_408, %add3A_403 : vector<16xf32>
        %add3A_410 = arith.addf %add3A_347, %mul3A_409 : vector<16xf32>
        %add3A_411 = arith.constant 2 : i32
        %add3A_412 = arith.addi %mul3A_287, %add3A_411 : i32
        %broadcast_in_dim3A_413 = arith.constant 0.000000e+00 : f32
        %broadcast_in_dim3A_414 = vector.broadcast %broadcast_in_dim3A_413 : f32 to vector<16xf32>
        %get3A_415 = arith.index_cast %add3A_412 : i32 to index
        %get3A_416 = arith.constant 0 : index
        %get3A_417 = tpu.vector_load %arg11[%get3A_415, %get3A_416] {strides = array<i32>} : memref<40x64xi32, #tpu.memory_space<vmem>>, vector<16xi32>,
        %bitcast3A_418 = vector.bitcast %get3A_417 : vector<16xi32> to vector<32xbf16>
        %get3A_419 = arith.index_cast %add3A_412 : i32 to index
        %get3A_420 = arith.constant 0 : index
        %get3A_421 = tpu.vector_load %arg12[%get3A_419, %get3A_420] {strides = array<i32>} : memref<40x64xi32, #tpu.memory_space<vmem>>, vector<16xi32>,
        %bitcast3A_422 = vector.bitcast %get3A_421 : vector<16xi32> to vector<32xbf16>
        %mul3A_423 = arith.mulf %bitcast3A_418, %bitcast3A_422 : vector<32xbf16>
        %unpack3A_424 = tpu.unpack_subelements %mul3A_423, 0 {pack_format = #tpu.pack_format<interleaved>} : vector<32xbf16> -> vector<16xf32>
        %unpack3A_425 = tpu.unpack_subelements %mul3A_423, 1 {pack_format = #tpu.pack_format<interleaved>} : vector<32xbf16> -> vector<16xf32>
        %add3A_426 = arith.addf %broadcast_in_dim3A_414, %unpack3A_424 : vector<16xf32>
        %add3A_427 = arith.addf %add3A_426, %unpack3A_425 : vector<16xf32>
        %get3A_428 = arith.index_cast %add3A_412 : i32 to index
        %get3A_429 = arith.constant 16 : index
        %get3A_430 = tpu.vector_load %arg11[%get3A_428, %get3A_429] {strides = array<i32>} : memref<40x64xi32, #tpu.memory_space<vmem>>, vector<16xi32>,
        %bitcast3A_431 = vector.bitcast %get3A_430 : vector<16xi32> to vector<32xbf16>
        %get3A_432 = arith.index_cast %add3A_412 : i32 to index
        %get3A_433 = arith.constant 16 : index
        %get3A_434 = tpu.vector_load %arg12[%get3A_432, %get3A_433] {strides = array<i32>} : memref<40x64xi32, #tpu.memory_space<vmem>>, vector<16xi32>,
        %bitcast3A_435 = vector.bitcast %get3A_434 : vector<16xi32> to vector<32xbf16>
        %mul3A_436 = arith.mulf %bitcast3A_431, %bitcast3A_435 : vector<32xbf16>
        %unpack3A_437 = tpu.unpack_subelements %mul3A_436, 0 {pack_format = #tpu.pack_format<interleaved>} : vector<32xbf16> -> vector<16xf32>
        %unpack3A_438 = tpu.unpack_subelements %mul3A_436, 1 {pack_format = #tpu.pack_format<interleaved>} : vector<32xbf16> -> vector<16xf32>
        %add3A_439 = arith.addf %add3A_427, %unpack3A_437 : vector<16xf32>
        %add3A_440 = arith.addf %add3A_439, %unpack3A_438 : vector<16xf32>
        %get3A_441 = arith.index_cast %add3A_412 : i32 to index
        %get3A_442 = arith.constant 32 : index
        %get3A_443 = tpu.vector_load %arg11[%get3A_441, %get3A_442] {strides = array<i32>} : memref<40x64xi32, #tpu.memory_space<vmem>>, vector<16xi32>,
        %bitcast3A_444 = vector.bitcast %get3A_443 : vector<16xi32> to vector<32xbf16>
        %get3A_445 = arith.index_cast %add3A_412 : i32 to index
        %get3A_446 = arith.constant 32 : index
        %get3A_447 = tpu.vector_load %arg12[%get3A_445, %get3A_446] {strides = array<i32>} : memref<40x64xi32, #tpu.memory_space<vmem>>, vector<16xi32>,
        %bitcast3A_448 = vector.bitcast %get3A_447 : vector<16xi32> to vector<32xbf16>
        %mul3A_449 = arith.mulf %bitcast3A_444, %bitcast3A_448 : vector<32xbf16>
        %unpack3A_450 = tpu.unpack_subelements %mul3A_449, 0 {pack_format = #tpu.pack_format<interleaved>} : vector<32xbf16> -> vector<16xf32>
        %unpack3A_451 = tpu.unpack_subelements %mul3A_449, 1 {pack_format = #tpu.pack_format<interleaved>} : vector<32xbf16> -> vector<16xf32>
        %add3A_452 = arith.addf %add3A_440, %unpack3A_450 : vector<16xf32>
        %add3A_453 = arith.addf %add3A_452, %unpack3A_451 : vector<16xf32>
        %get3A_454 = arith.index_cast %add3A_412 : i32 to index
        %get3A_455 = arith.constant 48 : index
        %get3A_456 = tpu.vector_load %arg11[%get3A_454, %get3A_455] {strides = array<i32>} : memref<40x64xi32, #tpu.memory_space<vmem>>, vector<16xi32>,
        %bitcast3A_457 = vector.bitcast %get3A_456 : vector<16xi32> to vector<32xbf16>
        %get3A_458 = arith.index_cast %add3A_412 : i32 to index
        %get3A_459 = arith.constant 48 : index
        %get3A_460 = tpu.vector_load %arg12[%get3A_458, %get3A_459] {strides = array<i32>} : memref<40x64xi32, #tpu.memory_space<vmem>>, vector<16xi32>,
        %bitcast3A_461 = vector.bitcast %get3A_460 : vector<16xi32> to vector<32xbf16>
        %mul3A_462 = arith.mulf %bitcast3A_457, %bitcast3A_461 : vector<32xbf16>
        %unpack3A_463 = tpu.unpack_subelements %mul3A_462, 0 {pack_format = #tpu.pack_format<interleaved>} : vector<32xbf16> -> vector<16xf32>
        %unpack3A_464 = tpu.unpack_subelements %mul3A_462, 1 {pack_format = #tpu.pack_format<interleaved>} : vector<32xbf16> -> vector<16xf32>
        %add3A_465 = arith.addf %add3A_453, %unpack3A_463 : vector<16xf32>
        %add3A_466 = arith.addf %add3A_465, %unpack3A_464 : vector<16xf32>
        %mul3A_467 = arith.constant 40 : i32
        %mul3A_468 = arith.muli %add3A_147, %mul3A_467 : i32
        %add3A_469 = arith.addi %mul3A_468, %add3A_412 : i32
        %broadcast_in_dim3A_470 = vector.broadcast %add3A_469 : i32 to vector<16xi32>
        %gather3A_471 = tpu.vector_load_idx %arg8[%broadcast_in_dim3A_470] : memref<10000xf32, #tpu.memory_space<vmem>>[vector<16xi32>], vector<16xf32>,
        %mul3A_472 = arith.mulf %gather3A_471, %add3A_466 : vector<16xf32>
        %add3A_473 = arith.addf %add3A_410, %mul3A_472 : vector<16xf32>
        %add3A_474 = arith.constant 3 : i32
        %add3A_475 = arith.addi %mul3A_287, %add3A_474 : i32
        %broadcast_in_dim3A_476 = arith.constant 0.000000e+00 : f32
        %broadcast_in_dim3A_477 = vector.broadcast %broadcast_in_dim3A_476 : f32 to vector<16xf32>
        %get3A_478 = arith.index_cast %add3A_475 : i32 to index
        %get3A_479 = arith.constant 0 : index
        %get3A_480 = tpu.vector_load %arg11[%get3A_478, %get3A_479] {strides = array<i32>} : memref<40x64xi32, #tpu.memory_space<vmem>>, vector<16xi32>,
        %bitcast3A_481 = vector.bitcast %get3A_480 : vector<16xi32> to vector<32xbf16>
        %get3A_482 = arith.index_cast %add3A_475 : i32 to index
        %get3A_483 = arith.constant 0 : index
        %get3A_484 = tpu.vector_load %arg12[%get3A_482, %get3A_483] {strides = array<i32>} : memref<40x64xi32, #tpu.memory_space<vmem>>, vector<16xi32>,
        %bitcast3A_485 = vector.bitcast %get3A_484 : vector<16xi32> to vector<32xbf16>
        %mul3A_486 = arith.mulf %bitcast3A_481, %bitcast3A_485 : vector<32xbf16>
        %unpack3A_487 = tpu.unpack_subelements %mul3A_486, 0 {pack_format = #tpu.pack_format<interleaved>} : vector<32xbf16> -> vector<16xf32>
        %unpack3A_488 = tpu.unpack_subelements %mul3A_486, 1 {pack_format = #tpu.pack_format<interleaved>} : vector<32xbf16> -> vector<16xf32>
        %add3A_489 = arith.addf %broadcast_in_dim3A_477, %unpack3A_487 : vector<16xf32>
        %add3A_490 = arith.addf %add3A_489, %unpack3A_488 : vector<16xf32>
        %get3A_491 = arith.index_cast %add3A_475 : i32 to index
        %get3A_492 = arith.constant 16 : index
        %get3A_493 = tpu.vector_load %arg11[%get3A_491, %get3A_492] {strides = array<i32>} : memref<40x64xi32, #tpu.memory_space<vmem>>, vector<16xi32>,
        %bitcast3A_494 = vector.bitcast %get3A_493 : vector<16xi32> to vector<32xbf16>
        %get3A_495 = arith.index_cast %add3A_475 : i32 to index
        %get3A_496 = arith.constant 16 : index
        %get3A_497 = tpu.vector_load %arg12[%get3A_495, %get3A_496] {strides = array<i32>} : memref<40x64xi32, #tpu.memory_space<vmem>>, vector<16xi32>,
        %bitcast3A_498 = vector.bitcast %get3A_497 : vector<16xi32> to vector<32xbf16>
        %mul3A_499 = arith.mulf %bitcast3A_494, %bitcast3A_498 : vector<32xbf16>
        %unpack3A_500 = tpu.unpack_subelements %mul3A_499, 0 {pack_format = #tpu.pack_format<interleaved>} : vector<32xbf16> -> vector<16xf32>
        %unpack3A_501 = tpu.unpack_subelements %mul3A_499, 1 {pack_format = #tpu.pack_format<interleaved>} : vector<32xbf16> -> vector<16xf32>
        %add3A_502 = arith.addf %add3A_490, %unpack3A_500 : vector<16xf32>
        %add3A_503 = arith.addf %add3A_502, %unpack3A_501 : vector<16xf32>
        %get3A_504 = arith.index_cast %add3A_475 : i32 to index
        %get3A_505 = arith.constant 32 : index
        %get3A_506 = tpu.vector_load %arg11[%get3A_504, %get3A_505] {strides = array<i32>} : memref<40x64xi32, #tpu.memory_space<vmem>>, vector<16xi32>,
        %bitcast3A_507 = vector.bitcast %get3A_506 : vector<16xi32> to vector<32xbf16>
        %get3A_508 = arith.index_cast %add3A_475 : i32 to index
        %get3A_509 = arith.constant 32 : index
        %get3A_510 = tpu.vector_load %arg12[%get3A_508, %get3A_509] {strides = array<i32>} : memref<40x64xi32, #tpu.memory_space<vmem>>, vector<16xi32>,
        %bitcast3A_511 = vector.bitcast %get3A_510 : vector<16xi32> to vector<32xbf16>
        %mul3A_512 = arith.mulf %bitcast3A_507, %bitcast3A_511 : vector<32xbf16>
        %unpack3A_513 = tpu.unpack_subelements %mul3A_512, 0 {pack_format = #tpu.pack_format<interleaved>} : vector<32xbf16> -> vector<16xf32>
        %unpack3A_514 = tpu.unpack_subelements %mul3A_512, 1 {pack_format = #tpu.pack_format<interleaved>} : vector<32xbf16> -> vector<16xf32>
        %add3A_515 = arith.addf %add3A_503, %unpack3A_513 : vector<16xf32>
        %add3A_516 = arith.addf %add3A_515, %unpack3A_514 : vector<16xf32>
        %get3A_517 = arith.index_cast %add3A_475 : i32 to index
        %get3A_518 = arith.constant 48 : index
        %get3A_519 = tpu.vector_load %arg11[%get3A_517, %get3A_518] {strides = array<i32>} : memref<40x64xi32, #tpu.memory_space<vmem>>, vector<16xi32>,
        %bitcast3A_520 = vector.bitcast %get3A_519 : vector<16xi32> to vector<32xbf16>
        %get3A_521 = arith.index_cast %add3A_475 : i32 to index
        %get3A_522 = arith.constant 48 : index
        %get3A_523 = tpu.vector_load %arg12[%get3A_521, %get3A_522] {strides = array<i32>} : memref<40x64xi32, #tpu.memory_space<vmem>>, vector<16xi32>,
        %bitcast3A_524 = vector.bitcast %get3A_523 : vector<16xi32> to vector<32xbf16>
        %mul3A_525 = arith.mulf %bitcast3A_520, %bitcast3A_524 : vector<32xbf16>
        %unpack3A_526 = tpu.unpack_subelements %mul3A_525, 0 {pack_format = #tpu.pack_format<interleaved>} : vector<32xbf16> -> vector<16xf32>
        %unpack3A_527 = tpu.unpack_subelements %mul3A_525, 1 {pack_format = #tpu.pack_format<interleaved>} : vector<32xbf16> -> vector<16xf32>
        %add3A_528 = arith.addf %add3A_516, %unpack3A_526 : vector<16xf32>
        %add3A_529 = arith.addf %add3A_528, %unpack3A_527 : vector<16xf32>
        %mul3A_530 = arith.constant 40 : i32
        %mul3A_531 = arith.muli %add3A_147, %mul3A_530 : i32
        %add3A_532 = arith.addi %mul3A_531, %add3A_475 : i32
        %broadcast_in_dim3A_533 = vector.broadcast %add3A_532 : i32 to vector<16xi32>
        %gather3A_534 = tpu.vector_load_idx %arg8[%broadcast_in_dim3A_533] : memref<10000xf32, #tpu.memory_space<vmem>>[vector<16xi32>], vector<16xf32>,
        %mul3A_535 = arith.mulf %gather3A_534, %add3A_529 : vector<16xf32>
        %add3A_536 = arith.addf %add3A_473, %mul3A_535 : vector<16xf32>
        %add3A_537 = arith.constant 4 : i32
        %add3A_538 = arith.addi %mul3A_287, %add3A_537 : i32
        %broadcast_in_dim3A_539 = arith.constant 0.000000e+00 : f32
        %broadcast_in_dim3A_540 = vector.broadcast %broadcast_in_dim3A_539 : f32 to vector<16xf32>
        %get3A_541 = arith.index_cast %add3A_538 : i32 to index
        %get3A_542 = arith.constant 0 : index
        %get3A_543 = tpu.vector_load %arg11[%get3A_541, %get3A_542] {strides = array<i32>} : memref<40x64xi32, #tpu.memory_space<vmem>>, vector<16xi32>,
        %bitcast3A_544 = vector.bitcast %get3A_543 : vector<16xi32> to vector<32xbf16>
        %get3A_545 = arith.index_cast %add3A_538 : i32 to index
        %get3A_546 = arith.constant 0 : index
        %get3A_547 = tpu.vector_load %arg12[%get3A_545, %get3A_546] {strides = array<i32>} : memref<40x64xi32, #tpu.memory_space<vmem>>, vector<16xi32>,
        %bitcast3A_548 = vector.bitcast %get3A_547 : vector<16xi32> to vector<32xbf16>
        %mul3A_549 = arith.mulf %bitcast3A_544, %bitcast3A_548 : vector<32xbf16>
        %unpack3A_550 = tpu.unpack_subelements %mul3A_549, 0 {pack_format = #tpu.pack_format<interleaved>} : vector<32xbf16> -> vector<16xf32>
        %unpack3A_551 = tpu.unpack_subelements %mul3A_549, 1 {pack_format = #tpu.pack_format<interleaved>} : vector<32xbf16> -> vector<16xf32>
        %add3A_552 = arith.addf %broadcast_in_dim3A_540, %unpack3A_550 : vector<16xf32>
        %add3A_553 = arith.addf %add3A_552, %unpack3A_551 : vector<16xf32>
        %get3A_554 = arith.index_cast %add3A_538 : i32 to index
        %get3A_555 = arith.constant 16 : index
        %get3A_556 = tpu.vector_load %arg11[%get3A_554, %get3A_555] {strides = array<i32>} : memref<40x64xi32, #tpu.memory_space<vmem>>, vector<16xi32>,
        %bitcast3A_557 = vector.bitcast %get3A_556 : vector<16xi32> to vector<32xbf16>
        %get3A_558 = arith.index_cast %add3A_538 : i32 to index
        %get3A_559 = arith.constant 16 : index
        %get3A_560 = tpu.vector_load %arg12[%get3A_558, %get3A_559] {strides = array<i32>} : memref<40x64xi32, #tpu.memory_space<vmem>>, vector<16xi32>,
        %bitcast3A_561 = vector.bitcast %get3A_560 : vector<16xi32> to vector<32xbf16>
        %mul3A_562 = arith.mulf %bitcast3A_557, %bitcast3A_561 : vector<32xbf16>
        %unpack3A_563 = tpu.unpack_subelements %mul3A_562, 0 {pack_format = #tpu.pack_format<interleaved>} : vector<32xbf16> -> vector<16xf32>
        %unpack3A_564 = tpu.unpack_subelements %mul3A_562, 1 {pack_format = #tpu.pack_format<interleaved>} : vector<32xbf16> -> vector<16xf32>
        %add3A_565 = arith.addf %add3A_553, %unpack3A_563 : vector<16xf32>
        %add3A_566 = arith.addf %add3A_565, %unpack3A_564 : vector<16xf32>
        %get3A_567 = arith.index_cast %add3A_538 : i32 to index
        %get3A_568 = arith.constant 32 : index
        %get3A_569 = tpu.vector_load %arg11[%get3A_567, %get3A_568] {strides = array<i32>} : memref<40x64xi32, #tpu.memory_space<vmem>>, vector<16xi32>,
        %bitcast3A_570 = vector.bitcast %get3A_569 : vector<16xi32> to vector<32xbf16>
        %get3A_571 = arith.index_cast %add3A_538 : i32 to index
        %get3A_572 = arith.constant 32 : index
        %get3A_573 = tpu.vector_load %arg12[%get3A_571, %get3A_572] {strides = array<i32>} : memref<40x64xi32, #tpu.memory_space<vmem>>, vector<16xi32>,
        %bitcast3A_574 = vector.bitcast %get3A_573 : vector<16xi32> to vector<32xbf16>
        %mul3A_575 = arith.mulf %bitcast3A_570, %bitcast3A_574 : vector<32xbf16>
        %unpack3A_576 = tpu.unpack_subelements %mul3A_575, 0 {pack_format = #tpu.pack_format<interleaved>} : vector<32xbf16> -> vector<16xf32>
        %unpack3A_577 = tpu.unpack_subelements %mul3A_575, 1 {pack_format = #tpu.pack_format<interleaved>} : vector<32xbf16> -> vector<16xf32>
        %add3A_578 = arith.addf %add3A_566, %unpack3A_576 : vector<16xf32>
        %add3A_579 = arith.addf %add3A_578, %unpack3A_577 : vector<16xf32>
        %get3A_580 = arith.index_cast %add3A_538 : i32 to index
        %get3A_581 = arith.constant 48 : index
        %get3A_582 = tpu.vector_load %arg11[%get3A_580, %get3A_581] {strides = array<i32>} : memref<40x64xi32, #tpu.memory_space<vmem>>, vector<16xi32>,
        %bitcast3A_583 = vector.bitcast %get3A_582 : vector<16xi32> to vector<32xbf16>
        %get3A_584 = arith.index_cast %add3A_538 : i32 to index
        %get3A_585 = arith.constant 48 : index
        %get3A_586 = tpu.vector_load %arg12[%get3A_584, %get3A_585] {strides = array<i32>} : memref<40x64xi32, #tpu.memory_space<vmem>>, vector<16xi32>,
        %bitcast3A_587 = vector.bitcast %get3A_586 : vector<16xi32> to vector<32xbf16>
        %mul3A_588 = arith.mulf %bitcast3A_583, %bitcast3A_587 : vector<32xbf16>
        %unpack3A_589 = tpu.unpack_subelements %mul3A_588, 0 {pack_format = #tpu.pack_format<interleaved>} : vector<32xbf16> -> vector<16xf32>
        %unpack3A_590 = tpu.unpack_subelements %mul3A_588, 1 {pack_format = #tpu.pack_format<interleaved>} : vector<32xbf16> -> vector<16xf32>
        %add3A_591 = arith.addf %add3A_579, %unpack3A_589 : vector<16xf32>
        %add3A_592 = arith.addf %add3A_591, %unpack3A_590 : vector<16xf32>
        %mul3A_593 = arith.constant 40 : i32
        %mul3A_594 = arith.muli %add3A_147, %mul3A_593 : i32
        %add3A_595 = arith.addi %mul3A_594, %add3A_538 : i32
        %broadcast_in_dim3A_596 = vector.broadcast %add3A_595 : i32 to vector<16xi32>
        %gather3A_597 = tpu.vector_load_idx %arg8[%broadcast_in_dim3A_596] : memref<10000xf32, #tpu.memory_space<vmem>>[vector<16xi32>], vector<16xf32>,
        %mul3A_598 = arith.mulf %gather3A_597, %add3A_592 : vector<16xf32>
        %add3A_599 = arith.addf %add3A_536, %mul3A_598 : vector<16xf32>
        scf.yield %add3A_599 : vector<16xf32>
      }
      %scan3A_155 = arith.constant 8 : i32
      %get3A_156 = arith.constant 0 : index
      %get3A_157 = tpu.vector_load %arg19[%get3A_156] {strides = array<i32>} : memref<16xf32, #tpu.memory_space<vmem>>, vector<16xf32>,
      %add3A_158 = arith.addf %get3A_157, %scan3A_154 : vector<16xf32>
      %swap3A_159 = arith.constant 0 : index
      %swap3A_160 = tpu.vector_load %arg19[%swap3A_159] {strides = array<i32>} : memref<16xf32, #tpu.memory_space<vmem>>, vector<16xf32>,
      tpu.vector_store %arg19[%swap3A_159], %add3A_158 {strides = array<i32>} : memref<16xf32, #tpu.memory_space<vmem>>, vector<16xf32>,
      %add3A_161 = arith.constant 1 : i32
      %add3A_162 = arith.addi %add3A_97, %add3A_161 : i32
      %add3A_163 = arith.constant 5 : i32
      %add3A_164 = arith.addi %add3A_162, %add3A_163 : i32
      %lt3A_165 = arith.constant 250 : i32
      %lt3A_166 = arith.cmpi slt, %add3A_164, %lt3A_165 : i32
      %convert_element_type3A_167 = arith.extui %lt3A_166 : i1 to i32
      %cond3A_168 = arith.constant 0 : i32
      %cond3A_169 = arith.cmpi ne, %convert_element_type3A_167, %cond3A_168 : i32
      scf.if %cond3A_169 {
        %add3A_284 = arith.constant 1 : i32
        %add3A_285 = arith.addi %add3A_97, %add3A_284 : i32
        %add3A_286 = arith.constant 5 : i32
        %add3A_287 = arith.addi %add3A_285, %add3A_286 : i32
        %mul3A_288 = arith.constant 40 : i32
        %mul3A_289 = arith.muli %add3A_287, %mul3A_288 : i32
        %dma_start3A_290 = tpu.memref_slice %arg6[%mul3A_289] : memref<10000xi32, #tpu.memory_space<vmem>> -> memref<40xi32, #tpu.memory_space<vmem>>
        %dma_start3A_291 = arith.constant 0 : i32
        %dma_start3A_292 = arith.constant 0 : i32
        %dma_start3A_293 = tpu.memref_slice %arg20[%dma_start3A_291, %dma_start3A_292] : memref<10000x64xi32, #tpu.memory_space<vmem_shared>> -> memref<10000x64xi32, #tpu.memory_space<vmem_shared>>
        tpu.enqueue_indirect_dma source(%dma_start3A_293 : memref<10000x64xi32, #tpu.memory_space<vmem_shared>>) target(%arg11 : memref<40x64xi32, #tpu.memory_space<vmem>>) offsets(%dma_start3A_290 : memref<40xi32, #tpu.memory_space<vmem>>) semaphore(%arg23 : memref<!tpu.dma_semaphore, #tpu.memory_space<semaphore_mem>>)
        %mul3A_294 = arith.constant 40 : i32
        %mul3A_295 = arith.muli %add3A_287, %mul3A_294 : i32
        %dma_start3A_296 = tpu.memref_slice %arg7[%mul3A_295] : memref<10000xi32, #tpu.memory_space<vmem>> -> memref<40xi32, #tpu.memory_space<vmem>>
        %dma_start3A_297 = arith.constant 0 : i32
        %dma_start3A_298 = arith.constant 0 : i32
        %dma_start3A_299 = tpu.memref_slice %arg20[%dma_start3A_297, %dma_start3A_298] : memref<10000x64xi32, #tpu.memory_space<vmem_shared>> -> memref<10000x64xi32, #tpu.memory_space<vmem_shared>>
        tpu.enqueue_indirect_dma source(%dma_start3A_299 : memref<10000x64xi32, #tpu.memory_space<vmem_shared>>) target(%arg12 : memref<40x64xi32, #tpu.memory_space<vmem>>) offsets(%dma_start3A_296 : memref<40xi32, #tpu.memory_space<vmem>>) semaphore(%arg24 : memref<!tpu.dma_semaphore, #tpu.memory_space<semaphore_mem>>)
      } else {
      }
      %add3A_170 = arith.constant 2 : i32
      %add3A_171 = arith.addi %add3A_97, %add3A_170 : i32
      %mul3A_172 = arith.constant 40 : i32
      %mul3A_173 = arith.muli %add3A_171, %mul3A_172 : i32
      %dma_wait3A_174 = tpu.memref_slice %arg6[%mul3A_173] : memref<10000xi32, #tpu.memory_space<vmem>> -> memref<40xi32, #tpu.memory_space<vmem>>
      %dma_wait3A_175 = arith.constant 0 : i32
      %dma_wait3A_176 = arith.constant 0 : i32
      %dma_wait3A_177 = tpu.memref_slice %arg20[%dma_wait3A_175, %dma_wait3A_176] : memref<10000x64xi32, #tpu.memory_space<vmem_shared>> -> memref<10000x64xi32, #tpu.memory_space<vmem_shared>>
      tpu.wait_indirect_dma semaphore(%arg25 : memref<!tpu.dma_semaphore, #tpu.memory_space<semaphore_mem>>) src(%dma_wait3A_177 : memref<10000x64xi32, #tpu.memory_space<vmem_shared>>) dst(%arg13 : memref<40x64xi32, #tpu.memory_space<vmem>>)
      %mul3A_178 = arith.constant 40 : i32
      %mul3A_179 = arith.muli %add3A_171, %mul3A_178 : i32
      %dma_wait3A_180 = tpu.memref_slice %arg7[%mul3A_179] : memref<10000xi32, #tpu.memory_space<vmem>> -> memref<40xi32, #tpu.memory_space<vmem>>
      %dma_wait3A_181 = arith.constant 0 : i32
      %dma_wait3A_182 = arith.constant 0 : i32
      %dma_wait3A_183 = tpu.memref_slice %arg20[%dma_wait3A_181, %dma_wait3A_182] : memref<10000x64xi32, #tpu.memory_space<vmem_shared>> -> memref<10000x64xi32, #tpu.memory_space<vmem_shared>>
      tpu.wait_indirect_dma semaphore(%arg26 : memref<!tpu.dma_semaphore, #tpu.memory_space<semaphore_mem>>) src(%dma_wait3A_183 : memref<10000x64xi32, #tpu.memory_space<vmem_shared>>) dst(%arg14 : memref<40x64xi32, #tpu.memory_space<vmem>>)
      %add3A_184 = arith.constant 2 : i32
      %add3A_185 = arith.addi %add3A_97, %add3A_184 : i32
      %broadcast_in_dim3A_186 = arith.constant 0.000000e+00 : f32
      %broadcast_in_dim3A_187 = vector.broadcast %broadcast_in_dim3A_186 : f32 to vector<16xf32>
      %scan3A_188 = arith.constant 0 : i32
      %scan3A_189 = arith.constant 8 : i32
      %scan3A_190 = arith.addi %scan3A_188, %scan3A_189 : i32
      %scan3A_191 = arith.constant 1 : i32
      %scan3A_192 = scf.for %scan3A_284 = %scan3A_188 to %scan3A_190 step %scan3A_191 iter_args(%scan3A_285 = %broadcast_in_dim3A_187) -> (vector<16xf32>)  : i32 {
        %mul3A_286 = arith.constant 5 : i32
        %mul3A_287 = arith.muli %scan3A_284, %mul3A_286 : i32
        %add3A_288 = arith.constant 0 : i32
        %add3A_289 = arith.addi %mul3A_287, %add3A_288 : i32
        %broadcast_in_dim3A_290 = arith.constant 0.000000e+00 : f32
        %broadcast_in_dim3A_291 = vector.broadcast %broadcast_in_dim3A_290 : f32 to vector<16xf32>
        %get3A_292 = arith.index_cast %add3A_289 : i32 to index
        %get3A_293 = arith.constant 0 : index
        %get3A_294 = tpu.vector_load %arg13[%get3A_292, %get3A_293] {strides = array<i32>} : memref<40x64xi32, #tpu.memory_space<vmem>>, vector<16xi32>,
        %bitcast3A = vector.bitcast %get3A_294 : vector<16xi32> to vector<32xbf16>
        %get3A_295 = arith.index_cast %add3A_289 : i32 to index
        %get3A_296 = arith.constant 0 : index
        %get3A_297 = tpu.vector_load %arg14[%get3A_295, %get3A_296] {strides = array<i32>} : memref<40x64xi32, #tpu.memory_space<vmem>>, vector<16xi32>,
        %bitcast3A_298 = vector.bitcast %get3A_297 : vector<16xi32> to vector<32xbf16>
        %mul3A_299 = arith.mulf %bitcast3A, %bitcast3A_298 : vector<32xbf16>
        %unpack3A = tpu.unpack_subelements %mul3A_299, 0 {pack_format = #tpu.pack_format<interleaved>} : vector<32xbf16> -> vector<16xf32>
        %unpack3A_300 = tpu.unpack_subelements %mul3A_299, 1 {pack_format = #tpu.pack_format<interleaved>} : vector<32xbf16> -> vector<16xf32>
        %add3A_301 = arith.addf %broadcast_in_dim3A_291, %unpack3A : vector<16xf32>
        %add3A_302 = arith.addf %add3A_301, %unpack3A_300 : vector<16xf32>
        %get3A_303 = arith.index_cast %add3A_289 : i32 to index
        %get3A_304 = arith.constant 16 : index
        %get3A_305 = tpu.vector_load %arg13[%get3A_303, %get3A_304] {strides = array<i32>} : memref<40x64xi32, #tpu.memory_space<vmem>>, vector<16xi32>,
        %bitcast3A_306 = vector.bitcast %get3A_305 : vector<16xi32> to vector<32xbf16>
        %get3A_307 = arith.index_cast %add3A_289 : i32 to index
        %get3A_308 = arith.constant 16 : index
        %get3A_309 = tpu.vector_load %arg14[%get3A_307, %get3A_308] {strides = array<i32>} : memref<40x64xi32, #tpu.memory_space<vmem>>, vector<16xi32>,
        %bitcast3A_310 = vector.bitcast %get3A_309 : vector<16xi32> to vector<32xbf16>
        %mul3A_311 = arith.mulf %bitcast3A_306, %bitcast3A_310 : vector<32xbf16>
        %unpack3A_312 = tpu.unpack_subelements %mul3A_311, 0 {pack_format = #tpu.pack_format<interleaved>} : vector<32xbf16> -> vector<16xf32>
        %unpack3A_313 = tpu.unpack_subelements %mul3A_311, 1 {pack_format = #tpu.pack_format<interleaved>} : vector<32xbf16> -> vector<16xf32>
        %add3A_314 = arith.addf %add3A_302, %unpack3A_312 : vector<16xf32>
        %add3A_315 = arith.addf %add3A_314, %unpack3A_313 : vector<16xf32>
        %get3A_316 = arith.index_cast %add3A_289 : i32 to index
        %get3A_317 = arith.constant 32 : index
        %get3A_318 = tpu.vector_load %arg13[%get3A_316, %get3A_317] {strides = array<i32>} : memref<40x64xi32, #tpu.memory_space<vmem>>, vector<16xi32>,
        %bitcast3A_319 = vector.bitcast %get3A_318 : vector<16xi32> to vector<32xbf16>
        %get3A_320 = arith.index_cast %add3A_289 : i32 to index
        %get3A_321 = arith.constant 32 : index
        %get3A_322 = tpu.vector_load %arg14[%get3A_320, %get3A_321] {strides = array<i32>} : memref<40x64xi32, #tpu.memory_space<vmem>>, vector<16xi32>,
        %bitcast3A_323 = vector.bitcast %get3A_322 : vector<16xi32> to vector<32xbf16>
        %mul3A_324 = arith.mulf %bitcast3A_319, %bitcast3A_323 : vector<32xbf16>
        %unpack3A_325 = tpu.unpack_subelements %mul3A_324, 0 {pack_format = #tpu.pack_format<interleaved>} : vector<32xbf16> -> vector<16xf32>
        %unpack3A_326 = tpu.unpack_subelements %mul3A_324, 1 {pack_format = #tpu.pack_format<interleaved>} : vector<32xbf16> -> vector<16xf32>
        %add3A_327 = arith.addf %add3A_315, %unpack3A_325 : vector<16xf32>
        %add3A_328 = arith.addf %add3A_327, %unpack3A_326 : vector<16xf32>
        %get3A_329 = arith.index_cast %add3A_289 : i32 to index
        %get3A_330 = arith.constant 48 : index
        %get3A_331 = tpu.vector_load %arg13[%get3A_329, %get3A_330] {strides = array<i32>} : memref<40x64xi32, #tpu.memory_space<vmem>>, vector<16xi32>,
        %bitcast3A_332 = vector.bitcast %get3A_331 : vector<16xi32> to vector<32xbf16>
        %get3A_333 = arith.index_cast %add3A_289 : i32 to index
        %get3A_334 = arith.constant 48 : index
        %get3A_335 = tpu.vector_load %arg14[%get3A_333, %get3A_334] {strides = array<i32>} : memref<40x64xi32, #tpu.memory_space<vmem>>, vector<16xi32>,
        %bitcast3A_336 = vector.bitcast %get3A_335 : vector<16xi32> to vector<32xbf16>
        %mul3A_337 = arith.mulf %bitcast3A_332, %bitcast3A_336 : vector<32xbf16>
        %unpack3A_338 = tpu.unpack_subelements %mul3A_337, 0 {pack_format = #tpu.pack_format<interleaved>} : vector<32xbf16> -> vector<16xf32>
        %unpack3A_339 = tpu.unpack_subelements %mul3A_337, 1 {pack_format = #tpu.pack_format<interleaved>} : vector<32xbf16> -> vector<16xf32>
        %add3A_340 = arith.addf %add3A_328, %unpack3A_338 : vector<16xf32>
        %add3A_341 = arith.addf %add3A_340, %unpack3A_339 : vector<16xf32>
        %mul3A_342 = arith.constant 40 : i32
        %mul3A_343 = arith.muli %add3A_185, %mul3A_342 : i32
        %add3A_344 = arith.addi %mul3A_343, %add3A_289 : i32
        %broadcast_in_dim3A_345 = vector.broadcast %add3A_344 : i32 to vector<16xi32>
        %gather3A = tpu.vector_load_idx %arg8[%broadcast_in_dim3A_345] : memref<10000xf32, #tpu.memory_space<vmem>>[vector<16xi32>], vector<16xf32>,
        %mul3A_346 = arith.mulf %gather3A, %add3A_341 : vector<16xf32>
        %add3A_347 = arith.addf %scan3A_285, %mul3A_346 : vector<16xf32>
        %add3A_348 = arith.constant 1 : i32
        %add3A_349 = arith.addi %mul3A_287, %add3A_348 : i32
        %broadcast_in_dim3A_350 = arith.constant 0.000000e+00 : f32
        %broadcast_in_dim3A_351 = vector.broadcast %broadcast_in_dim3A_350 : f32 to vector<16xf32>
        %get3A_352 = arith.index_cast %add3A_349 : i32 to index
        %get3A_353 = arith.constant 0 : index
        %get3A_354 = tpu.vector_load %arg13[%get3A_352, %get3A_353] {strides = array<i32>} : memref<40x64xi32, #tpu.memory_space<vmem>>, vector<16xi32>,
        %bitcast3A_355 = vector.bitcast %get3A_354 : vector<16xi32> to vector<32xbf16>
        %get3A_356 = arith.index_cast %add3A_349 : i32 to index
        %get3A_357 = arith.constant 0 : index
        %get3A_358 = tpu.vector_load %arg14[%get3A_356, %get3A_357] {strides = array<i32>} : memref<40x64xi32, #tpu.memory_space<vmem>>, vector<16xi32>,
        %bitcast3A_359 = vector.bitcast %get3A_358 : vector<16xi32> to vector<32xbf16>
        %mul3A_360 = arith.mulf %bitcast3A_355, %bitcast3A_359 : vector<32xbf16>
        %unpack3A_361 = tpu.unpack_subelements %mul3A_360, 0 {pack_format = #tpu.pack_format<interleaved>} : vector<32xbf16> -> vector<16xf32>
        %unpack3A_362 = tpu.unpack_subelements %mul3A_360, 1 {pack_format = #tpu.pack_format<interleaved>} : vector<32xbf16> -> vector<16xf32>
        %add3A_363 = arith.addf %broadcast_in_dim3A_351, %unpack3A_361 : vector<16xf32>
        %add3A_364 = arith.addf %add3A_363, %unpack3A_362 : vector<16xf32>
        %get3A_365 = arith.index_cast %add3A_349 : i32 to index
        %get3A_366 = arith.constant 16 : index
        %get3A_367 = tpu.vector_load %arg13[%get3A_365, %get3A_366] {strides = array<i32>} : memref<40x64xi32, #tpu.memory_space<vmem>>, vector<16xi32>,
        %bitcast3A_368 = vector.bitcast %get3A_367 : vector<16xi32> to vector<32xbf16>
        %get3A_369 = arith.index_cast %add3A_349 : i32 to index
        %get3A_370 = arith.constant 16 : index
        %get3A_371 = tpu.vector_load %arg14[%get3A_369, %get3A_370] {strides = array<i32>} : memref<40x64xi32, #tpu.memory_space<vmem>>, vector<16xi32>,
        %bitcast3A_372 = vector.bitcast %get3A_371 : vector<16xi32> to vector<32xbf16>
        %mul3A_373 = arith.mulf %bitcast3A_368, %bitcast3A_372 : vector<32xbf16>
        %unpack3A_374 = tpu.unpack_subelements %mul3A_373, 0 {pack_format = #tpu.pack_format<interleaved>} : vector<32xbf16> -> vector<16xf32>
        %unpack3A_375 = tpu.unpack_subelements %mul3A_373, 1 {pack_format = #tpu.pack_format<interleaved>} : vector<32xbf16> -> vector<16xf32>
        %add3A_376 = arith.addf %add3A_364, %unpack3A_374 : vector<16xf32>
        %add3A_377 = arith.addf %add3A_376, %unpack3A_375 : vector<16xf32>
        %get3A_378 = arith.index_cast %add3A_349 : i32 to index
        %get3A_379 = arith.constant 32 : index
        %get3A_380 = tpu.vector_load %arg13[%get3A_378, %get3A_379] {strides = array<i32>} : memref<40x64xi32, #tpu.memory_space<vmem>>, vector<16xi32>,
        %bitcast3A_381 = vector.bitcast %get3A_380 : vector<16xi32> to vector<32xbf16>
        %get3A_382 = arith.index_cast %add3A_349 : i32 to index
        %get3A_383 = arith.constant 32 : index
        %get3A_384 = tpu.vector_load %arg14[%get3A_382, %get3A_383] {strides = array<i32>} : memref<40x64xi32, #tpu.memory_space<vmem>>, vector<16xi32>,
        %bitcast3A_385 = vector.bitcast %get3A_384 : vector<16xi32> to vector<32xbf16>
        %mul3A_386 = arith.mulf %bitcast3A_381, %bitcast3A_385 : vector<32xbf16>
        %unpack3A_387 = tpu.unpack_subelements %mul3A_386, 0 {pack_format = #tpu.pack_format<interleaved>} : vector<32xbf16> -> vector<16xf32>
        %unpack3A_388 = tpu.unpack_subelements %mul3A_386, 1 {pack_format = #tpu.pack_format<interleaved>} : vector<32xbf16> -> vector<16xf32>
        %add3A_389 = arith.addf %add3A_377, %unpack3A_387 : vector<16xf32>
        %add3A_390 = arith.addf %add3A_389, %unpack3A_388 : vector<16xf32>
        %get3A_391 = arith.index_cast %add3A_349 : i32 to index
        %get3A_392 = arith.constant 48 : index
        %get3A_393 = tpu.vector_load %arg13[%get3A_391, %get3A_392] {strides = array<i32>} : memref<40x64xi32, #tpu.memory_space<vmem>>, vector<16xi32>,
        %bitcast3A_394 = vector.bitcast %get3A_393 : vector<16xi32> to vector<32xbf16>
        %get3A_395 = arith.index_cast %add3A_349 : i32 to index
        %get3A_396 = arith.constant 48 : index
        %get3A_397 = tpu.vector_load %arg14[%get3A_395, %get3A_396] {strides = array<i32>} : memref<40x64xi32, #tpu.memory_space<vmem>>, vector<16xi32>,
        %bitcast3A_398 = vector.bitcast %get3A_397 : vector<16xi32> to vector<32xbf16>
        %mul3A_399 = arith.mulf %bitcast3A_394, %bitcast3A_398 : vector<32xbf16>
        %unpack3A_400 = tpu.unpack_subelements %mul3A_399, 0 {pack_format = #tpu.pack_format<interleaved>} : vector<32xbf16> -> vector<16xf32>
        %unpack3A_401 = tpu.unpack_subelements %mul3A_399, 1 {pack_format = #tpu.pack_format<interleaved>} : vector<32xbf16> -> vector<16xf32>
        %add3A_402 = arith.addf %add3A_390, %unpack3A_400 : vector<16xf32>
        %add3A_403 = arith.addf %add3A_402, %unpack3A_401 : vector<16xf32>
        %mul3A_404 = arith.constant 40 : i32
        %mul3A_405 = arith.muli %add3A_185, %mul3A_404 : i32
        %add3A_406 = arith.addi %mul3A_405, %add3A_349 : i32
        %broadcast_in_dim3A_407 = vector.broadcast %add3A_406 : i32 to vector<16xi32>
        %gather3A_408 = tpu.vector_load_idx %arg8[%broadcast_in_dim3A_407] : memref<10000xf32, #tpu.memory_space<vmem>>[vector<16xi32>], vector<16xf32>,
        %mul3A_409 = arith.mulf %gather3A_408, %add3A_403 : vector<16xf32>
        %add3A_410 = arith.addf %add3A_347, %mul3A_409 : vector<16xf32>
        %add3A_411 = arith.constant 2 : i32
        %add3A_412 = arith.addi %mul3A_287, %add3A_411 : i32
        %broadcast_in_dim3A_413 = arith.constant 0.000000e+00 : f32
        %broadcast_in_dim3A_414 = vector.broadcast %broadcast_in_dim3A_413 : f32 to vector<16xf32>
        %get3A_415 = arith.index_cast %add3A_412 : i32 to index
        %get3A_416 = arith.constant 0 : index
        %get3A_417 = tpu.vector_load %arg13[%get3A_415, %get3A_416] {strides = array<i32>} : memref<40x64xi32, #tpu.memory_space<vmem>>, vector<16xi32>,
        %bitcast3A_418 = vector.bitcast %get3A_417 : vector<16xi32> to vector<32xbf16>
        %get3A_419 = arith.index_cast %add3A_412 : i32 to index
        %get3A_420 = arith.constant 0 : index
        %get3A_421 = tpu.vector_load %arg14[%get3A_419, %get3A_420] {strides = array<i32>} : memref<40x64xi32, #tpu.memory_space<vmem>>, vector<16xi32>,
        %bitcast3A_422 = vector.bitcast %get3A_421 : vector<16xi32> to vector<32xbf16>
        %mul3A_423 = arith.mulf %bitcast3A_418, %bitcast3A_422 : vector<32xbf16>
        %unpack3A_424 = tpu.unpack_subelements %mul3A_423, 0 {pack_format = #tpu.pack_format<interleaved>} : vector<32xbf16> -> vector<16xf32>
        %unpack3A_425 = tpu.unpack_subelements %mul3A_423, 1 {pack_format = #tpu.pack_format<interleaved>} : vector<32xbf16> -> vector<16xf32>
        %add3A_426 = arith.addf %broadcast_in_dim3A_414, %unpack3A_424 : vector<16xf32>
        %add3A_427 = arith.addf %add3A_426, %unpack3A_425 : vector<16xf32>
        %get3A_428 = arith.index_cast %add3A_412 : i32 to index
        %get3A_429 = arith.constant 16 : index
        %get3A_430 = tpu.vector_load %arg13[%get3A_428, %get3A_429] {strides = array<i32>} : memref<40x64xi32, #tpu.memory_space<vmem>>, vector<16xi32>,
        %bitcast3A_431 = vector.bitcast %get3A_430 : vector<16xi32> to vector<32xbf16>
        %get3A_432 = arith.index_cast %add3A_412 : i32 to index
        %get3A_433 = arith.constant 16 : index
        %get3A_434 = tpu.vector_load %arg14[%get3A_432, %get3A_433] {strides = array<i32>} : memref<40x64xi32, #tpu.memory_space<vmem>>, vector<16xi32>,
        %bitcast3A_435 = vector.bitcast %get3A_434 : vector<16xi32> to vector<32xbf16>
        %mul3A_436 = arith.mulf %bitcast3A_431, %bitcast3A_435 : vector<32xbf16>
        %unpack3A_437 = tpu.unpack_subelements %mul3A_436, 0 {pack_format = #tpu.pack_format<interleaved>} : vector<32xbf16> -> vector<16xf32>
        %unpack3A_438 = tpu.unpack_subelements %mul3A_436, 1 {pack_format = #tpu.pack_format<interleaved>} : vector<32xbf16> -> vector<16xf32>
        %add3A_439 = arith.addf %add3A_427, %unpack3A_437 : vector<16xf32>
        %add3A_440 = arith.addf %add3A_439, %unpack3A_438 : vector<16xf32>
        %get3A_441 = arith.index_cast %add3A_412 : i32 to index
        %get3A_442 = arith.constant 32 : index
        %get3A_443 = tpu.vector_load %arg13[%get3A_441, %get3A_442] {strides = array<i32>} : memref<40x64xi32, #tpu.memory_space<vmem>>, vector<16xi32>,
        %bitcast3A_444 = vector.bitcast %get3A_443 : vector<16xi32> to vector<32xbf16>
        %get3A_445 = arith.index_cast %add3A_412 : i32 to index
        %get3A_446 = arith.constant 32 : index
        %get3A_447 = tpu.vector_load %arg14[%get3A_445, %get3A_446] {strides = array<i32>} : memref<40x64xi32, #tpu.memory_space<vmem>>, vector<16xi32>,
        %bitcast3A_448 = vector.bitcast %get3A_447 : vector<16xi32> to vector<32xbf16>
        %mul3A_449 = arith.mulf %bitcast3A_444, %bitcast3A_448 : vector<32xbf16>
        %unpack3A_450 = tpu.unpack_subelements %mul3A_449, 0 {pack_format = #tpu.pack_format<interleaved>} : vector<32xbf16> -> vector<16xf32>
        %unpack3A_451 = tpu.unpack_subelements %mul3A_449, 1 {pack_format = #tpu.pack_format<interleaved>} : vector<32xbf16> -> vector<16xf32>
        %add3A_452 = arith.addf %add3A_440, %unpack3A_450 : vector<16xf32>
        %add3A_453 = arith.addf %add3A_452, %unpack3A_451 : vector<16xf32>
        %get3A_454 = arith.index_cast %add3A_412 : i32 to index
        %get3A_455 = arith.constant 48 : index
        %get3A_456 = tpu.vector_load %arg13[%get3A_454, %get3A_455] {strides = array<i32>} : memref<40x64xi32, #tpu.memory_space<vmem>>, vector<16xi32>,
        %bitcast3A_457 = vector.bitcast %get3A_456 : vector<16xi32> to vector<32xbf16>
        %get3A_458 = arith.index_cast %add3A_412 : i32 to index
        %get3A_459 = arith.constant 48 : index
        %get3A_460 = tpu.vector_load %arg14[%get3A_458, %get3A_459] {strides = array<i32>} : memref<40x64xi32, #tpu.memory_space<vmem>>, vector<16xi32>,
        %bitcast3A_461 = vector.bitcast %get3A_460 : vector<16xi32> to vector<32xbf16>
        %mul3A_462 = arith.mulf %bitcast3A_457, %bitcast3A_461 : vector<32xbf16>
        %unpack3A_463 = tpu.unpack_subelements %mul3A_462, 0 {pack_format = #tpu.pack_format<interleaved>} : vector<32xbf16> -> vector<16xf32>
        %unpack3A_464 = tpu.unpack_subelements %mul3A_462, 1 {pack_format = #tpu.pack_format<interleaved>} : vector<32xbf16> -> vector<16xf32>
        %add3A_465 = arith.addf %add3A_453, %unpack3A_463 : vector<16xf32>
        %add3A_466 = arith.addf %add3A_465, %unpack3A_464 : vector<16xf32>
        %mul3A_467 = arith.constant 40 : i32
        %mul3A_468 = arith.muli %add3A_185, %mul3A_467 : i32
        %add3A_469 = arith.addi %mul3A_468, %add3A_412 : i32
        %broadcast_in_dim3A_470 = vector.broadcast %add3A_469 : i32 to vector<16xi32>
        %gather3A_471 = tpu.vector_load_idx %arg8[%broadcast_in_dim3A_470] : memref<10000xf32, #tpu.memory_space<vmem>>[vector<16xi32>], vector<16xf32>,
        %mul3A_472 = arith.mulf %gather3A_471, %add3A_466 : vector<16xf32>
        %add3A_473 = arith.addf %add3A_410, %mul3A_472 : vector<16xf32>
        %add3A_474 = arith.constant 3 : i32
        %add3A_475 = arith.addi %mul3A_287, %add3A_474 : i32
        %broadcast_in_dim3A_476 = arith.constant 0.000000e+00 : f32
        %broadcast_in_dim3A_477 = vector.broadcast %broadcast_in_dim3A_476 : f32 to vector<16xf32>
        %get3A_478 = arith.index_cast %add3A_475 : i32 to index
        %get3A_479 = arith.constant 0 : index
        %get3A_480 = tpu.vector_load %arg13[%get3A_478, %get3A_479] {strides = array<i32>} : memref<40x64xi32, #tpu.memory_space<vmem>>, vector<16xi32>,
        %bitcast3A_481 = vector.bitcast %get3A_480 : vector<16xi32> to vector<32xbf16>
        %get3A_482 = arith.index_cast %add3A_475 : i32 to index
        %get3A_483 = arith.constant 0 : index
        %get3A_484 = tpu.vector_load %arg14[%get3A_482, %get3A_483] {strides = array<i32>} : memref<40x64xi32, #tpu.memory_space<vmem>>, vector<16xi32>,
        %bitcast3A_485 = vector.bitcast %get3A_484 : vector<16xi32> to vector<32xbf16>
        %mul3A_486 = arith.mulf %bitcast3A_481, %bitcast3A_485 : vector<32xbf16>
        %unpack3A_487 = tpu.unpack_subelements %mul3A_486, 0 {pack_format = #tpu.pack_format<interleaved>} : vector<32xbf16> -> vector<16xf32>
        %unpack3A_488 = tpu.unpack_subelements %mul3A_486, 1 {pack_format = #tpu.pack_format<interleaved>} : vector<32xbf16> -> vector<16xf32>
        %add3A_489 = arith.addf %broadcast_in_dim3A_477, %unpack3A_487 : vector<16xf32>
        %add3A_490 = arith.addf %add3A_489, %unpack3A_488 : vector<16xf32>
        %get3A_491 = arith.index_cast %add3A_475 : i32 to index
        %get3A_492 = arith.constant 16 : index
        %get3A_493 = tpu.vector_load %arg13[%get3A_491, %get3A_492] {strides = array<i32>} : memref<40x64xi32, #tpu.memory_space<vmem>>, vector<16xi32>,
        %bitcast3A_494 = vector.bitcast %get3A_493 : vector<16xi32> to vector<32xbf16>
        %get3A_495 = arith.index_cast %add3A_475 : i32 to index
        %get3A_496 = arith.constant 16 : index
        %get3A_497 = tpu.vector_load %arg14[%get3A_495, %get3A_496] {strides = array<i32>} : memref<40x64xi32, #tpu.memory_space<vmem>>, vector<16xi32>,
        %bitcast3A_498 = vector.bitcast %get3A_497 : vector<16xi32> to vector<32xbf16>
        %mul3A_499 = arith.mulf %bitcast3A_494, %bitcast3A_498 : vector<32xbf16>
        %unpack3A_500 = tpu.unpack_subelements %mul3A_499, 0 {pack_format = #tpu.pack_format<interleaved>} : vector<32xbf16> -> vector<16xf32>
        %unpack3A_501 = tpu.unpack_subelements %mul3A_499, 1 {pack_format = #tpu.pack_format<interleaved>} : vector<32xbf16> -> vector<16xf32>
        %add3A_502 = arith.addf %add3A_490, %unpack3A_500 : vector<16xf32>
        %add3A_503 = arith.addf %add3A_502, %unpack3A_501 : vector<16xf32>
        %get3A_504 = arith.index_cast %add3A_475 : i32 to index
        %get3A_505 = arith.constant 32 : index
        %get3A_506 = tpu.vector_load %arg13[%get3A_504, %get3A_505] {strides = array<i32>} : memref<40x64xi32, #tpu.memory_space<vmem>>, vector<16xi32>,
        %bitcast3A_507 = vector.bitcast %get3A_506 : vector<16xi32> to vector<32xbf16>
        %get3A_508 = arith.index_cast %add3A_475 : i32 to index
        %get3A_509 = arith.constant 32 : index
        %get3A_510 = tpu.vector_load %arg14[%get3A_508, %get3A_509] {strides = array<i32>} : memref<40x64xi32, #tpu.memory_space<vmem>>, vector<16xi32>,
        %bitcast3A_511 = vector.bitcast %get3A_510 : vector<16xi32> to vector<32xbf16>
        %mul3A_512 = arith.mulf %bitcast3A_507, %bitcast3A_511 : vector<32xbf16>
        %unpack3A_513 = tpu.unpack_subelements %mul3A_512, 0 {pack_format = #tpu.pack_format<interleaved>} : vector<32xbf16> -> vector<16xf32>
        %unpack3A_514 = tpu.unpack_subelements %mul3A_512, 1 {pack_format = #tpu.pack_format<interleaved>} : vector<32xbf16> -> vector<16xf32>
        %add3A_515 = arith.addf %add3A_503, %unpack3A_513 : vector<16xf32>
        %add3A_516 = arith.addf %add3A_515, %unpack3A_514 : vector<16xf32>
        %get3A_517 = arith.index_cast %add3A_475 : i32 to index
        %get3A_518 = arith.constant 48 : index
        %get3A_519 = tpu.vector_load %arg13[%get3A_517, %get3A_518] {strides = array<i32>} : memref<40x64xi32, #tpu.memory_space<vmem>>, vector<16xi32>,
        %bitcast3A_520 = vector.bitcast %get3A_519 : vector<16xi32> to vector<32xbf16>
        %get3A_521 = arith.index_cast %add3A_475 : i32 to index
        %get3A_522 = arith.constant 48 : index
        %get3A_523 = tpu.vector_load %arg14[%get3A_521, %get3A_522] {strides = array<i32>} : memref<40x64xi32, #tpu.memory_space<vmem>>, vector<16xi32>,
        %bitcast3A_524 = vector.bitcast %get3A_523 : vector<16xi32> to vector<32xbf16>
        %mul3A_525 = arith.mulf %bitcast3A_520, %bitcast3A_524 : vector<32xbf16>
        %unpack3A_526 = tpu.unpack_subelements %mul3A_525, 0 {pack_format = #tpu.pack_format<interleaved>} : vector<32xbf16> -> vector<16xf32>
        %unpack3A_527 = tpu.unpack_subelements %mul3A_525, 1 {pack_format = #tpu.pack_format<interleaved>} : vector<32xbf16> -> vector<16xf32>
        %add3A_528 = arith.addf %add3A_516, %unpack3A_526 : vector<16xf32>
        %add3A_529 = arith.addf %add3A_528, %unpack3A_527 : vector<16xf32>
        %mul3A_530 = arith.constant 40 : i32
        %mul3A_531 = arith.muli %add3A_185, %mul3A_530 : i32
        %add3A_532 = arith.addi %mul3A_531, %add3A_475 : i32
        %broadcast_in_dim3A_533 = vector.broadcast %add3A_532 : i32 to vector<16xi32>
        %gather3A_534 = tpu.vector_load_idx %arg8[%broadcast_in_dim3A_533] : memref<10000xf32, #tpu.memory_space<vmem>>[vector<16xi32>], vector<16xf32>,
        %mul3A_535 = arith.mulf %gather3A_534, %add3A_529 : vector<16xf32>
        %add3A_536 = arith.addf %add3A_473, %mul3A_535 : vector<16xf32>
        %add3A_537 = arith.constant 4 : i32
        %add3A_538 = arith.addi %mul3A_287, %add3A_537 : i32
        %broadcast_in_dim3A_539 = arith.constant 0.000000e+00 : f32
        %broadcast_in_dim3A_540 = vector.broadcast %broadcast_in_dim3A_539 : f32 to vector<16xf32>
        %get3A_541 = arith.index_cast %add3A_538 : i32 to index
        %get3A_542 = arith.constant 0 : index
        %get3A_543 = tpu.vector_load %arg13[%get3A_541, %get3A_542] {strides = array<i32>} : memref<40x64xi32, #tpu.memory_space<vmem>>, vector<16xi32>,
        %bitcast3A_544 = vector.bitcast %get3A_543 : vector<16xi32> to vector<32xbf16>
        %get3A_545 = arith.index_cast %add3A_538 : i32 to index
        %get3A_546 = arith.constant 0 : index
        %get3A_547 = tpu.vector_load %arg14[%get3A_545, %get3A_546] {strides = array<i32>} : memref<40x64xi32, #tpu.memory_space<vmem>>, vector<16xi32>,
        %bitcast3A_548 = vector.bitcast %get3A_547 : vector<16xi32> to vector<32xbf16>
        %mul3A_549 = arith.mulf %bitcast3A_544, %bitcast3A_548 : vector<32xbf16>
        %unpack3A_550 = tpu.unpack_subelements %mul3A_549, 0 {pack_format = #tpu.pack_format<interleaved>} : vector<32xbf16> -> vector<16xf32>
        %unpack3A_551 = tpu.unpack_subelements %mul3A_549, 1 {pack_format = #tpu.pack_format<interleaved>} : vector<32xbf16> -> vector<16xf32>
        %add3A_552 = arith.addf %broadcast_in_dim3A_540, %unpack3A_550 : vector<16xf32>
        %add3A_553 = arith.addf %add3A_552, %unpack3A_551 : vector<16xf32>
        %get3A_554 = arith.index_cast %add3A_538 : i32 to index
        %get3A_555 = arith.constant 16 : index
        %get3A_556 = tpu.vector_load %arg13[%get3A_554, %get3A_555] {strides = array<i32>} : memref<40x64xi32, #tpu.memory_space<vmem>>, vector<16xi32>,
        %bitcast3A_557 = vector.bitcast %get3A_556 : vector<16xi32> to vector<32xbf16>
        %get3A_558 = arith.index_cast %add3A_538 : i32 to index
        %get3A_559 = arith.constant 16 : index
        %get3A_560 = tpu.vector_load %arg14[%get3A_558, %get3A_559] {strides = array<i32>} : memref<40x64xi32, #tpu.memory_space<vmem>>, vector<16xi32>,
        %bitcast3A_561 = vector.bitcast %get3A_560 : vector<16xi32> to vector<32xbf16>
        %mul3A_562 = arith.mulf %bitcast3A_557, %bitcast3A_561 : vector<32xbf16>
        %unpack3A_563 = tpu.unpack_subelements %mul3A_562, 0 {pack_format = #tpu.pack_format<interleaved>} : vector<32xbf16> -> vector<16xf32>
        %unpack3A_564 = tpu.unpack_subelements %mul3A_562, 1 {pack_format = #tpu.pack_format<interleaved>} : vector<32xbf16> -> vector<16xf32>
        %add3A_565 = arith.addf %add3A_553, %unpack3A_563 : vector<16xf32>
        %add3A_566 = arith.addf %add3A_565, %unpack3A_564 : vector<16xf32>
        %get3A_567 = arith.index_cast %add3A_538 : i32 to index
        %get3A_568 = arith.constant 32 : index
        %get3A_569 = tpu.vector_load %arg13[%get3A_567, %get3A_568] {strides = array<i32>} : memref<40x64xi32, #tpu.memory_space<vmem>>, vector<16xi32>,
        %bitcast3A_570 = vector.bitcast %get3A_569 : vector<16xi32> to vector<32xbf16>
        %get3A_571 = arith.index_cast %add3A_538 : i32 to index
        %get3A_572 = arith.constant 32 : index
        %get3A_573 = tpu.vector_load %arg14[%get3A_571, %get3A_572] {strides = array<i32>} : memref<40x64xi32, #tpu.memory_space<vmem>>, vector<16xi32>,
        %bitcast3A_574 = vector.bitcast %get3A_573 : vector<16xi32> to vector<32xbf16>
        %mul3A_575 = arith.mulf %bitcast3A_570, %bitcast3A_574 : vector<32xbf16>
        %unpack3A_576 = tpu.unpack_subelements %mul3A_575, 0 {pack_format = #tpu.pack_format<interleaved>} : vector<32xbf16> -> vector<16xf32>
        %unpack3A_577 = tpu.unpack_subelements %mul3A_575, 1 {pack_format = #tpu.pack_format<interleaved>} : vector<32xbf16> -> vector<16xf32>
        %add3A_578 = arith.addf %add3A_566, %unpack3A_576 : vector<16xf32>
        %add3A_579 = arith.addf %add3A_578, %unpack3A_577 : vector<16xf32>
        %get3A_580 = arith.index_cast %add3A_538 : i32 to index
        %get3A_581 = arith.constant 48 : index
        %get3A_582 = tpu.vector_load %arg13[%get3A_580, %get3A_581] {strides = array<i32>} : memref<40x64xi32, #tpu.memory_space<vmem>>, vector<16xi32>,
        %bitcast3A_583 = vector.bitcast %get3A_582 : vector<16xi32> to vector<32xbf16>
        %get3A_584 = arith.index_cast %add3A_538 : i32 to index
        %get3A_585 = arith.constant 48 : index
        %get3A_586 = tpu.vector_load %arg14[%get3A_584, %get3A_585] {strides = array<i32>} : memref<40x64xi32, #tpu.memory_space<vmem>>, vector<16xi32>,
        %bitcast3A_587 = vector.bitcast %get3A_586 : vector<16xi32> to vector<32xbf16>
        %mul3A_588 = arith.mulf %bitcast3A_583, %bitcast3A_587 : vector<32xbf16>
        %unpack3A_589 = tpu.unpack_subelements %mul3A_588, 0 {pack_format = #tpu.pack_format<interleaved>} : vector<32xbf16> -> vector<16xf32>
        %unpack3A_590 = tpu.unpack_subelements %mul3A_588, 1 {pack_format = #tpu.pack_format<interleaved>} : vector<32xbf16> -> vector<16xf32>
        %add3A_591 = arith.addf %add3A_579, %unpack3A_589 : vector<16xf32>
        %add3A_592 = arith.addf %add3A_591, %unpack3A_590 : vector<16xf32>
        %mul3A_593 = arith.constant 40 : i32
        %mul3A_594 = arith.muli %add3A_185, %mul3A_593 : i32
        %add3A_595 = arith.addi %mul3A_594, %add3A_538 : i32
        %broadcast_in_dim3A_596 = vector.broadcast %add3A_595 : i32 to vector<16xi32>
        %gather3A_597 = tpu.vector_load_idx %arg8[%broadcast_in_dim3A_596] : memref<10000xf32, #tpu.memory_space<vmem>>[vector<16xi32>], vector<16xf32>,
        %mul3A_598 = arith.mulf %gather3A_597, %add3A_592 : vector<16xf32>
        %add3A_599 = arith.addf %add3A_536, %mul3A_598 : vector<16xf32>
        scf.yield %add3A_599 : vector<16xf32>
      }
      %scan3A_193 = arith.constant 8 : i32
      %get3A_194 = arith.constant 0 : index
      %get3A_195 = tpu.vector_load %arg19[%get3A_194] {strides = array<i32>} : memref<16xf32, #tpu.memory_space<vmem>>, vector<16xf32>,
      %add3A_196 = arith.addf %get3A_195, %scan3A_192 : vector<16xf32>
      %swap3A_197 = arith.constant 0 : index
      %swap3A_198 = tpu.vector_load %arg19[%swap3A_197] {strides = array<i32>} : memref<16xf32, #tpu.memory_space<vmem>>, vector<16xf32>,
      tpu.vector_store %arg19[%swap3A_197], %add3A_196 {strides = array<i32>} : memref<16xf32, #tpu.memory_space<vmem>>, vector<16xf32>,
      %add3A_199 = arith.constant 2 : i32
      %add3A_200 = arith.addi %add3A_97, %add3A_199 : i32
      %add3A_201 = arith.constant 5 : i32
      %add3A_202 = arith.addi %add3A_200, %add3A_201 : i32
      %lt3A_203 = arith.constant 250 : i32
      %lt3A_204 = arith.cmpi slt, %add3A_202, %lt3A_203 : i32
      %convert_element_type3A_205 = arith.extui %lt3A_204 : i1 to i32
      %cond3A_206 = arith.constant 0 : i32
      %cond3A_207 = arith.cmpi ne, %convert_element_type3A_205, %cond3A_206 : i32
      scf.if %cond3A_207 {
        %add3A_284 = arith.constant 2 : i32
        %add3A_285 = arith.addi %add3A_97, %add3A_284 : i32
        %add3A_286 = arith.constant 5 : i32
        %add3A_287 = arith.addi %add3A_285, %add3A_286 : i32
        %mul3A_288 = arith.constant 40 : i32
        %mul3A_289 = arith.muli %add3A_287, %mul3A_288 : i32
        %dma_start3A_290 = tpu.memref_slice %arg6[%mul3A_289] : memref<10000xi32, #tpu.memory_space<vmem>> -> memref<40xi32, #tpu.memory_space<vmem>>
        %dma_start3A_291 = arith.constant 0 : i32
        %dma_start3A_292 = arith.constant 0 : i32
        %dma_start3A_293 = tpu.memref_slice %arg20[%dma_start3A_291, %dma_start3A_292] : memref<10000x64xi32, #tpu.memory_space<vmem_shared>> -> memref<10000x64xi32, #tpu.memory_space<vmem_shared>>
        tpu.enqueue_indirect_dma source(%dma_start3A_293 : memref<10000x64xi32, #tpu.memory_space<vmem_shared>>) target(%arg13 : memref<40x64xi32, #tpu.memory_space<vmem>>) offsets(%dma_start3A_290 : memref<40xi32, #tpu.memory_space<vmem>>) semaphore(%arg25 : memref<!tpu.dma_semaphore, #tpu.memory_space<semaphore_mem>>)
        %mul3A_294 = arith.constant 40 : i32
        %mul3A_295 = arith.muli %add3A_287, %mul3A_294 : i32
        %dma_start3A_296 = tpu.memref_slice %arg7[%mul3A_295] : memref<10000xi32, #tpu.memory_space<vmem>> -> memref<40xi32, #tpu.memory_space<vmem>>
        %dma_start3A_297 = arith.constant 0 : i32
        %dma_start3A_298 = arith.constant 0 : i32
        %dma_start3A_299 = tpu.memref_slice %arg20[%dma_start3A_297, %dma_start3A_298] : memref<10000x64xi32, #tpu.memory_space<vmem_shared>> -> memref<10000x64xi32, #tpu.memory_space<vmem_shared>>
        tpu.enqueue_indirect_dma source(%dma_start3A_299 : memref<10000x64xi32, #tpu.memory_space<vmem_shared>>) target(%arg14 : memref<40x64xi32, #tpu.memory_space<vmem>>) offsets(%dma_start3A_296 : memref<40xi32, #tpu.memory_space<vmem>>) semaphore(%arg26 : memref<!tpu.dma_semaphore, #tpu.memory_space<semaphore_mem>>)
      } else {
      }
      %add3A_208 = arith.constant 3 : i32
      %add3A_209 = arith.addi %add3A_97, %add3A_208 : i32
      %mul3A_210 = arith.constant 40 : i32
      %mul3A_211 = arith.muli %add3A_209, %mul3A_210 : i32
      %dma_wait3A_212 = tpu.memref_slice %arg6[%mul3A_211] : memref<10000xi32, #tpu.memory_space<vmem>> -> memref<40xi32, #tpu.memory_space<vmem>>
      %dma_wait3A_213 = arith.constant 0 : i32
      %dma_wait3A_214 = arith.constant 0 : i32
      %dma_wait3A_215 = tpu.memref_slice %arg20[%dma_wait3A_213, %dma_wait3A_214] : memref<10000x64xi32, #tpu.memory_space<vmem_shared>> -> memref<10000x64xi32, #tpu.memory_space<vmem_shared>>
      tpu.wait_indirect_dma semaphore(%arg27 : memref<!tpu.dma_semaphore, #tpu.memory_space<semaphore_mem>>) src(%dma_wait3A_215 : memref<10000x64xi32, #tpu.memory_space<vmem_shared>>) dst(%arg15 : memref<40x64xi32, #tpu.memory_space<vmem>>)
      %mul3A_216 = arith.constant 40 : i32
      %mul3A_217 = arith.muli %add3A_209, %mul3A_216 : i32
      %dma_wait3A_218 = tpu.memref_slice %arg7[%mul3A_217] : memref<10000xi32, #tpu.memory_space<vmem>> -> memref<40xi32, #tpu.memory_space<vmem>>
      %dma_wait3A_219 = arith.constant 0 : i32
      %dma_wait3A_220 = arith.constant 0 : i32
      %dma_wait3A_221 = tpu.memref_slice %arg20[%dma_wait3A_219, %dma_wait3A_220] : memref<10000x64xi32, #tpu.memory_space<vmem_shared>> -> memref<10000x64xi32, #tpu.memory_space<vmem_shared>>
      tpu.wait_indirect_dma semaphore(%arg28 : memref<!tpu.dma_semaphore, #tpu.memory_space<semaphore_mem>>) src(%dma_wait3A_221 : memref<10000x64xi32, #tpu.memory_space<vmem_shared>>) dst(%arg16 : memref<40x64xi32, #tpu.memory_space<vmem>>)
      %add3A_222 = arith.constant 3 : i32
      %add3A_223 = arith.addi %add3A_97, %add3A_222 : i32
      %broadcast_in_dim3A_224 = arith.constant 0.000000e+00 : f32
      %broadcast_in_dim3A_225 = vector.broadcast %broadcast_in_dim3A_224 : f32 to vector<16xf32>
      %scan3A_226 = arith.constant 0 : i32
      %scan3A_227 = arith.constant 8 : i32
      %scan3A_228 = arith.addi %scan3A_226, %scan3A_227 : i32
      %scan3A_229 = arith.constant 1 : i32
      %scan3A_230 = scf.for %scan3A_284 = %scan3A_226 to %scan3A_228 step %scan3A_229 iter_args(%scan3A_285 = %broadcast_in_dim3A_225) -> (vector<16xf32>)  : i32 {
        %mul3A_286 = arith.constant 5 : i32
        %mul3A_287 = arith.muli %scan3A_284, %mul3A_286 : i32
        %add3A_288 = arith.constant 0 : i32
        %add3A_289 = arith.addi %mul3A_287, %add3A_288 : i32
        %broadcast_in_dim3A_290 = arith.constant 0.000000e+00 : f32
        %broadcast_in_dim3A_291 = vector.broadcast %broadcast_in_dim3A_290 : f32 to vector<16xf32>
        %get3A_292 = arith.index_cast %add3A_289 : i32 to index
        %get3A_293 = arith.constant 0 : index
        %get3A_294 = tpu.vector_load %arg15[%get3A_292, %get3A_293] {strides = array<i32>} : memref<40x64xi32, #tpu.memory_space<vmem>>, vector<16xi32>,
        %bitcast3A = vector.bitcast %get3A_294 : vector<16xi32> to vector<32xbf16>
        %get3A_295 = arith.index_cast %add3A_289 : i32 to index
        %get3A_296 = arith.constant 0 : index
        %get3A_297 = tpu.vector_load %arg16[%get3A_295, %get3A_296] {strides = array<i32>} : memref<40x64xi32, #tpu.memory_space<vmem>>, vector<16xi32>,
        %bitcast3A_298 = vector.bitcast %get3A_297 : vector<16xi32> to vector<32xbf16>
        %mul3A_299 = arith.mulf %bitcast3A, %bitcast3A_298 : vector<32xbf16>
        %unpack3A = tpu.unpack_subelements %mul3A_299, 0 {pack_format = #tpu.pack_format<interleaved>} : vector<32xbf16> -> vector<16xf32>
        %unpack3A_300 = tpu.unpack_subelements %mul3A_299, 1 {pack_format = #tpu.pack_format<interleaved>} : vector<32xbf16> -> vector<16xf32>
        %add3A_301 = arith.addf %broadcast_in_dim3A_291, %unpack3A : vector<16xf32>
        %add3A_302 = arith.addf %add3A_301, %unpack3A_300 : vector<16xf32>
        %get3A_303 = arith.index_cast %add3A_289 : i32 to index
        %get3A_304 = arith.constant 16 : index
        %get3A_305 = tpu.vector_load %arg15[%get3A_303, %get3A_304] {strides = array<i32>} : memref<40x64xi32, #tpu.memory_space<vmem>>, vector<16xi32>,
        %bitcast3A_306 = vector.bitcast %get3A_305 : vector<16xi32> to vector<32xbf16>
        %get3A_307 = arith.index_cast %add3A_289 : i32 to index
        %get3A_308 = arith.constant 16 : index
        %get3A_309 = tpu.vector_load %arg16[%get3A_307, %get3A_308] {strides = array<i32>} : memref<40x64xi32, #tpu.memory_space<vmem>>, vector<16xi32>,
        %bitcast3A_310 = vector.bitcast %get3A_309 : vector<16xi32> to vector<32xbf16>
        %mul3A_311 = arith.mulf %bitcast3A_306, %bitcast3A_310 : vector<32xbf16>
        %unpack3A_312 = tpu.unpack_subelements %mul3A_311, 0 {pack_format = #tpu.pack_format<interleaved>} : vector<32xbf16> -> vector<16xf32>
        %unpack3A_313 = tpu.unpack_subelements %mul3A_311, 1 {pack_format = #tpu.pack_format<interleaved>} : vector<32xbf16> -> vector<16xf32>
        %add3A_314 = arith.addf %add3A_302, %unpack3A_312 : vector<16xf32>
        %add3A_315 = arith.addf %add3A_314, %unpack3A_313 : vector<16xf32>
        %get3A_316 = arith.index_cast %add3A_289 : i32 to index
        %get3A_317 = arith.constant 32 : index
        %get3A_318 = tpu.vector_load %arg15[%get3A_316, %get3A_317] {strides = array<i32>} : memref<40x64xi32, #tpu.memory_space<vmem>>, vector<16xi32>,
        %bitcast3A_319 = vector.bitcast %get3A_318 : vector<16xi32> to vector<32xbf16>
        %get3A_320 = arith.index_cast %add3A_289 : i32 to index
        %get3A_321 = arith.constant 32 : index
        %get3A_322 = tpu.vector_load %arg16[%get3A_320, %get3A_321] {strides = array<i32>} : memref<40x64xi32, #tpu.memory_space<vmem>>, vector<16xi32>,
        %bitcast3A_323 = vector.bitcast %get3A_322 : vector<16xi32> to vector<32xbf16>
        %mul3A_324 = arith.mulf %bitcast3A_319, %bitcast3A_323 : vector<32xbf16>
        %unpack3A_325 = tpu.unpack_subelements %mul3A_324, 0 {pack_format = #tpu.pack_format<interleaved>} : vector<32xbf16> -> vector<16xf32>
        %unpack3A_326 = tpu.unpack_subelements %mul3A_324, 1 {pack_format = #tpu.pack_format<interleaved>} : vector<32xbf16> -> vector<16xf32>
        %add3A_327 = arith.addf %add3A_315, %unpack3A_325 : vector<16xf32>
        %add3A_328 = arith.addf %add3A_327, %unpack3A_326 : vector<16xf32>
        %get3A_329 = arith.index_cast %add3A_289 : i32 to index
        %get3A_330 = arith.constant 48 : index
        %get3A_331 = tpu.vector_load %arg15[%get3A_329, %get3A_330] {strides = array<i32>} : memref<40x64xi32, #tpu.memory_space<vmem>>, vector<16xi32>,
        %bitcast3A_332 = vector.bitcast %get3A_331 : vector<16xi32> to vector<32xbf16>
        %get3A_333 = arith.index_cast %add3A_289 : i32 to index
        %get3A_334 = arith.constant 48 : index
        %get3A_335 = tpu.vector_load %arg16[%get3A_333, %get3A_334] {strides = array<i32>} : memref<40x64xi32, #tpu.memory_space<vmem>>, vector<16xi32>,
        %bitcast3A_336 = vector.bitcast %get3A_335 : vector<16xi32> to vector<32xbf16>
        %mul3A_337 = arith.mulf %bitcast3A_332, %bitcast3A_336 : vector<32xbf16>
        %unpack3A_338 = tpu.unpack_subelements %mul3A_337, 0 {pack_format = #tpu.pack_format<interleaved>} : vector<32xbf16> -> vector<16xf32>
        %unpack3A_339 = tpu.unpack_subelements %mul3A_337, 1 {pack_format = #tpu.pack_format<interleaved>} : vector<32xbf16> -> vector<16xf32>
        %add3A_340 = arith.addf %add3A_328, %unpack3A_338 : vector<16xf32>
        %add3A_341 = arith.addf %add3A_340, %unpack3A_339 : vector<16xf32>
        %mul3A_342 = arith.constant 40 : i32
        %mul3A_343 = arith.muli %add3A_223, %mul3A_342 : i32
        %add3A_344 = arith.addi %mul3A_343, %add3A_289 : i32
        %broadcast_in_dim3A_345 = vector.broadcast %add3A_344 : i32 to vector<16xi32>
        %gather3A = tpu.vector_load_idx %arg8[%broadcast_in_dim3A_345] : memref<10000xf32, #tpu.memory_space<vmem>>[vector<16xi32>], vector<16xf32>,
        %mul3A_346 = arith.mulf %gather3A, %add3A_341 : vector<16xf32>
        %add3A_347 = arith.addf %scan3A_285, %mul3A_346 : vector<16xf32>
        %add3A_348 = arith.constant 1 : i32
        %add3A_349 = arith.addi %mul3A_287, %add3A_348 : i32
        %broadcast_in_dim3A_350 = arith.constant 0.000000e+00 : f32
        %broadcast_in_dim3A_351 = vector.broadcast %broadcast_in_dim3A_350 : f32 to vector<16xf32>
        %get3A_352 = arith.index_cast %add3A_349 : i32 to index
        %get3A_353 = arith.constant 0 : index
        %get3A_354 = tpu.vector_load %arg15[%get3A_352, %get3A_353] {strides = array<i32>} : memref<40x64xi32, #tpu.memory_space<vmem>>, vector<16xi32>,
        %bitcast3A_355 = vector.bitcast %get3A_354 : vector<16xi32> to vector<32xbf16>
        %get3A_356 = arith.index_cast %add3A_349 : i32 to index
        %get3A_357 = arith.constant 0 : index
        %get3A_358 = tpu.vector_load %arg16[%get3A_356, %get3A_357] {strides = array<i32>} : memref<40x64xi32, #tpu.memory_space<vmem>>, vector<16xi32>,
        %bitcast3A_359 = vector.bitcast %get3A_358 : vector<16xi32> to vector<32xbf16>
        %mul3A_360 = arith.mulf %bitcast3A_355, %bitcast3A_359 : vector<32xbf16>
        %unpack3A_361 = tpu.unpack_subelements %mul3A_360, 0 {pack_format = #tpu.pack_format<interleaved>} : vector<32xbf16> -> vector<16xf32>
        %unpack3A_362 = tpu.unpack_subelements %mul3A_360, 1 {pack_format = #tpu.pack_format<interleaved>} : vector<32xbf16> -> vector<16xf32>
        %add3A_363 = arith.addf %broadcast_in_dim3A_351, %unpack3A_361 : vector<16xf32>
        %add3A_364 = arith.addf %add3A_363, %unpack3A_362 : vector<16xf32>
        %get3A_365 = arith.index_cast %add3A_349 : i32 to index
        %get3A_366 = arith.constant 16 : index
        %get3A_367 = tpu.vector_load %arg15[%get3A_365, %get3A_366] {strides = array<i32>} : memref<40x64xi32, #tpu.memory_space<vmem>>, vector<16xi32>,
        %bitcast3A_368 = vector.bitcast %get3A_367 : vector<16xi32> to vector<32xbf16>
        %get3A_369 = arith.index_cast %add3A_349 : i32 to index
        %get3A_370 = arith.constant 16 : index
        %get3A_371 = tpu.vector_load %arg16[%get3A_369, %get3A_370] {strides = array<i32>} : memref<40x64xi32, #tpu.memory_space<vmem>>, vector<16xi32>,
        %bitcast3A_372 = vector.bitcast %get3A_371 : vector<16xi32> to vector<32xbf16>
        %mul3A_373 = arith.mulf %bitcast3A_368, %bitcast3A_372 : vector<32xbf16>
        %unpack3A_374 = tpu.unpack_subelements %mul3A_373, 0 {pack_format = #tpu.pack_format<interleaved>} : vector<32xbf16> -> vector<16xf32>
        %unpack3A_375 = tpu.unpack_subelements %mul3A_373, 1 {pack_format = #tpu.pack_format<interleaved>} : vector<32xbf16> -> vector<16xf32>
        %add3A_376 = arith.addf %add3A_364, %unpack3A_374 : vector<16xf32>
        %add3A_377 = arith.addf %add3A_376, %unpack3A_375 : vector<16xf32>
        %get3A_378 = arith.index_cast %add3A_349 : i32 to index
        %get3A_379 = arith.constant 32 : index
        %get3A_380 = tpu.vector_load %arg15[%get3A_378, %get3A_379] {strides = array<i32>} : memref<40x64xi32, #tpu.memory_space<vmem>>, vector<16xi32>,
        %bitcast3A_381 = vector.bitcast %get3A_380 : vector<16xi32> to vector<32xbf16>
        %get3A_382 = arith.index_cast %add3A_349 : i32 to index
        %get3A_383 = arith.constant 32 : index
        %get3A_384 = tpu.vector_load %arg16[%get3A_382, %get3A_383] {strides = array<i32>} : memref<40x64xi32, #tpu.memory_space<vmem>>, vector<16xi32>,
        %bitcast3A_385 = vector.bitcast %get3A_384 : vector<16xi32> to vector<32xbf16>
        %mul3A_386 = arith.mulf %bitcast3A_381, %bitcast3A_385 : vector<32xbf16>
        %unpack3A_387 = tpu.unpack_subelements %mul3A_386, 0 {pack_format = #tpu.pack_format<interleaved>} : vector<32xbf16> -> vector<16xf32>
        %unpack3A_388 = tpu.unpack_subelements %mul3A_386, 1 {pack_format = #tpu.pack_format<interleaved>} : vector<32xbf16> -> vector<16xf32>
        %add3A_389 = arith.addf %add3A_377, %unpack3A_387 : vector<16xf32>
        %add3A_390 = arith.addf %add3A_389, %unpack3A_388 : vector<16xf32>
        %get3A_391 = arith.index_cast %add3A_349 : i32 to index
        %get3A_392 = arith.constant 48 : index
        %get3A_393 = tpu.vector_load %arg15[%get3A_391, %get3A_392] {strides = array<i32>} : memref<40x64xi32, #tpu.memory_space<vmem>>, vector<16xi32>,
        %bitcast3A_394 = vector.bitcast %get3A_393 : vector<16xi32> to vector<32xbf16>
        %get3A_395 = arith.index_cast %add3A_349 : i32 to index
        %get3A_396 = arith.constant 48 : index
        %get3A_397 = tpu.vector_load %arg16[%get3A_395, %get3A_396] {strides = array<i32>} : memref<40x64xi32, #tpu.memory_space<vmem>>, vector<16xi32>,
        %bitcast3A_398 = vector.bitcast %get3A_397 : vector<16xi32> to vector<32xbf16>
        %mul3A_399 = arith.mulf %bitcast3A_394, %bitcast3A_398 : vector<32xbf16>
        %unpack3A_400 = tpu.unpack_subelements %mul3A_399, 0 {pack_format = #tpu.pack_format<interleaved>} : vector<32xbf16> -> vector<16xf32>
        %unpack3A_401 = tpu.unpack_subelements %mul3A_399, 1 {pack_format = #tpu.pack_format<interleaved>} : vector<32xbf16> -> vector<16xf32>
        %add3A_402 = arith.addf %add3A_390, %unpack3A_400 : vector<16xf32>
        %add3A_403 = arith.addf %add3A_402, %unpack3A_401 : vector<16xf32>
        %mul3A_404 = arith.constant 40 : i32
        %mul3A_405 = arith.muli %add3A_223, %mul3A_404 : i32
        %add3A_406 = arith.addi %mul3A_405, %add3A_349 : i32
        %broadcast_in_dim3A_407 = vector.broadcast %add3A_406 : i32 to vector<16xi32>
        %gather3A_408 = tpu.vector_load_idx %arg8[%broadcast_in_dim3A_407] : memref<10000xf32, #tpu.memory_space<vmem>>[vector<16xi32>], vector<16xf32>,
        %mul3A_409 = arith.mulf %gather3A_408, %add3A_403 : vector<16xf32>
        %add3A_410 = arith.addf %add3A_347, %mul3A_409 : vector<16xf32>
        %add3A_411 = arith.constant 2 : i32
        %add3A_412 = arith.addi %mul3A_287, %add3A_411 : i32
        %broadcast_in_dim3A_413 = arith.constant 0.000000e+00 : f32
        %broadcast_in_dim3A_414 = vector.broadcast %broadcast_in_dim3A_413 : f32 to vector<16xf32>
        %get3A_415 = arith.index_cast %add3A_412 : i32 to index
        %get3A_416 = arith.constant 0 : index
        %get3A_417 = tpu.vector_load %arg15[%get3A_415, %get3A_416] {strides = array<i32>} : memref<40x64xi32, #tpu.memory_space<vmem>>, vector<16xi32>,
        %bitcast3A_418 = vector.bitcast %get3A_417 : vector<16xi32> to vector<32xbf16>
        %get3A_419 = arith.index_cast %add3A_412 : i32 to index
        %get3A_420 = arith.constant 0 : index
        %get3A_421 = tpu.vector_load %arg16[%get3A_419, %get3A_420] {strides = array<i32>} : memref<40x64xi32, #tpu.memory_space<vmem>>, vector<16xi32>,
        %bitcast3A_422 = vector.bitcast %get3A_421 : vector<16xi32> to vector<32xbf16>
        %mul3A_423 = arith.mulf %bitcast3A_418, %bitcast3A_422 : vector<32xbf16>
        %unpack3A_424 = tpu.unpack_subelements %mul3A_423, 0 {pack_format = #tpu.pack_format<interleaved>} : vector<32xbf16> -> vector<16xf32>
        %unpack3A_425 = tpu.unpack_subelements %mul3A_423, 1 {pack_format = #tpu.pack_format<interleaved>} : vector<32xbf16> -> vector<16xf32>
        %add3A_426 = arith.addf %broadcast_in_dim3A_414, %unpack3A_424 : vector<16xf32>
        %add3A_427 = arith.addf %add3A_426, %unpack3A_425 : vector<16xf32>
        %get3A_428 = arith.index_cast %add3A_412 : i32 to index
        %get3A_429 = arith.constant 16 : index
        %get3A_430 = tpu.vector_load %arg15[%get3A_428, %get3A_429] {strides = array<i32>} : memref<40x64xi32, #tpu.memory_space<vmem>>, vector<16xi32>,
        %bitcast3A_431 = vector.bitcast %get3A_430 : vector<16xi32> to vector<32xbf16>
        %get3A_432 = arith.index_cast %add3A_412 : i32 to index
        %get3A_433 = arith.constant 16 : index
        %get3A_434 = tpu.vector_load %arg16[%get3A_432, %get3A_433] {strides = array<i32>} : memref<40x64xi32, #tpu.memory_space<vmem>>, vector<16xi32>,
        %bitcast3A_435 = vector.bitcast %get3A_434 : vector<16xi32> to vector<32xbf16>
        %mul3A_436 = arith.mulf %bitcast3A_431, %bitcast3A_435 : vector<32xbf16>
        %unpack3A_437 = tpu.unpack_subelements %mul3A_436, 0 {pack_format = #tpu.pack_format<interleaved>} : vector<32xbf16> -> vector<16xf32>
        %unpack3A_438 = tpu.unpack_subelements %mul3A_436, 1 {pack_format = #tpu.pack_format<interleaved>} : vector<32xbf16> -> vector<16xf32>
        %add3A_439 = arith.addf %add3A_427, %unpack3A_437 : vector<16xf32>
        %add3A_440 = arith.addf %add3A_439, %unpack3A_438 : vector<16xf32>
        %get3A_441 = arith.index_cast %add3A_412 : i32 to index
        %get3A_442 = arith.constant 32 : index
        %get3A_443 = tpu.vector_load %arg15[%get3A_441, %get3A_442] {strides = array<i32>} : memref<40x64xi32, #tpu.memory_space<vmem>>, vector<16xi32>,
        %bitcast3A_444 = vector.bitcast %get3A_443 : vector<16xi32> to vector<32xbf16>
        %get3A_445 = arith.index_cast %add3A_412 : i32 to index
        %get3A_446 = arith.constant 32 : index
        %get3A_447 = tpu.vector_load %arg16[%get3A_445, %get3A_446] {strides = array<i32>} : memref<40x64xi32, #tpu.memory_space<vmem>>, vector<16xi32>,
        %bitcast3A_448 = vector.bitcast %get3A_447 : vector<16xi32> to vector<32xbf16>
        %mul3A_449 = arith.mulf %bitcast3A_444, %bitcast3A_448 : vector<32xbf16>
        %unpack3A_450 = tpu.unpack_subelements %mul3A_449, 0 {pack_format = #tpu.pack_format<interleaved>} : vector<32xbf16> -> vector<16xf32>
        %unpack3A_451 = tpu.unpack_subelements %mul3A_449, 1 {pack_format = #tpu.pack_format<interleaved>} : vector<32xbf16> -> vector<16xf32>
        %add3A_452 = arith.addf %add3A_440, %unpack3A_450 : vector<16xf32>
        %add3A_453 = arith.addf %add3A_452, %unpack3A_451 : vector<16xf32>
        %get3A_454 = arith.index_cast %add3A_412 : i32 to index
        %get3A_455 = arith.constant 48 : index
        %get3A_456 = tpu.vector_load %arg15[%get3A_454, %get3A_455] {strides = array<i32>} : memref<40x64xi32, #tpu.memory_space<vmem>>, vector<16xi32>,
        %bitcast3A_457 = vector.bitcast %get3A_456 : vector<16xi32> to vector<32xbf16>
        %get3A_458 = arith.index_cast %add3A_412 : i32 to index
        %get3A_459 = arith.constant 48 : index
        %get3A_460 = tpu.vector_load %arg16[%get3A_458, %get3A_459] {strides = array<i32>} : memref<40x64xi32, #tpu.memory_space<vmem>>, vector<16xi32>,
        %bitcast3A_461 = vector.bitcast %get3A_460 : vector<16xi32> to vector<32xbf16>
        %mul3A_462 = arith.mulf %bitcast3A_457, %bitcast3A_461 : vector<32xbf16>
        %unpack3A_463 = tpu.unpack_subelements %mul3A_462, 0 {pack_format = #tpu.pack_format<interleaved>} : vector<32xbf16> -> vector<16xf32>
        %unpack3A_464 = tpu.unpack_subelements %mul3A_462, 1 {pack_format = #tpu.pack_format<interleaved>} : vector<32xbf16> -> vector<16xf32>
        %add3A_465 = arith.addf %add3A_453, %unpack3A_463 : vector<16xf32>
        %add3A_466 = arith.addf %add3A_465, %unpack3A_464 : vector<16xf32>
        %mul3A_467 = arith.constant 40 : i32
        %mul3A_468 = arith.muli %add3A_223, %mul3A_467 : i32
        %add3A_469 = arith.addi %mul3A_468, %add3A_412 : i32
        %broadcast_in_dim3A_470 = vector.broadcast %add3A_469 : i32 to vector<16xi32>
        %gather3A_471 = tpu.vector_load_idx %arg8[%broadcast_in_dim3A_470] : memref<10000xf32, #tpu.memory_space<vmem>>[vector<16xi32>], vector<16xf32>,
        %mul3A_472 = arith.mulf %gather3A_471, %add3A_466 : vector<16xf32>
        %add3A_473 = arith.addf %add3A_410, %mul3A_472 : vector<16xf32>
        %add3A_474 = arith.constant 3 : i32
        %add3A_475 = arith.addi %mul3A_287, %add3A_474 : i32
        %broadcast_in_dim3A_476 = arith.constant 0.000000e+00 : f32
        %broadcast_in_dim3A_477 = vector.broadcast %broadcast_in_dim3A_476 : f32 to vector<16xf32>
        %get3A_478 = arith.index_cast %add3A_475 : i32 to index
        %get3A_479 = arith.constant 0 : index
        %get3A_480 = tpu.vector_load %arg15[%get3A_478, %get3A_479] {strides = array<i32>} : memref<40x64xi32, #tpu.memory_space<vmem>>, vector<16xi32>,
        %bitcast3A_481 = vector.bitcast %get3A_480 : vector<16xi32> to vector<32xbf16>
        %get3A_482 = arith.index_cast %add3A_475 : i32 to index
        %get3A_483 = arith.constant 0 : index
        %get3A_484 = tpu.vector_load %arg16[%get3A_482, %get3A_483] {strides = array<i32>} : memref<40x64xi32, #tpu.memory_space<vmem>>, vector<16xi32>,
        %bitcast3A_485 = vector.bitcast %get3A_484 : vector<16xi32> to vector<32xbf16>
        %mul3A_486 = arith.mulf %bitcast3A_481, %bitcast3A_485 : vector<32xbf16>
        %unpack3A_487 = tpu.unpack_subelements %mul3A_486, 0 {pack_format = #tpu.pack_format<interleaved>} : vector<32xbf16> -> vector<16xf32>
        %unpack3A_488 = tpu.unpack_subelements %mul3A_486, 1 {pack_format = #tpu.pack_format<interleaved>} : vector<32xbf16> -> vector<16xf32>
        %add3A_489 = arith.addf %broadcast_in_dim3A_477, %unpack3A_487 : vector<16xf32>
        %add3A_490 = arith.addf %add3A_489, %unpack3A_488 : vector<16xf32>
        %get3A_491 = arith.index_cast %add3A_475 : i32 to index
        %get3A_492 = arith.constant 16 : index
        %get3A_493 = tpu.vector_load %arg15[%get3A_491, %get3A_492] {strides = array<i32>} : memref<40x64xi32, #tpu.memory_space<vmem>>, vector<16xi32>,
        %bitcast3A_494 = vector.bitcast %get3A_493 : vector<16xi32> to vector<32xbf16>
        %get3A_495 = arith.index_cast %add3A_475 : i32 to index
        %get3A_496 = arith.constant 16 : index
        %get3A_497 = tpu.vector_load %arg16[%get3A_495, %get3A_496] {strides = array<i32>} : memref<40x64xi32, #tpu.memory_space<vmem>>, vector<16xi32>,
        %bitcast3A_498 = vector.bitcast %get3A_497 : vector<16xi32> to vector<32xbf16>
        %mul3A_499 = arith.mulf %bitcast3A_494, %bitcast3A_498 : vector<32xbf16>
        %unpack3A_500 = tpu.unpack_subelements %mul3A_499, 0 {pack_format = #tpu.pack_format<interleaved>} : vector<32xbf16> -> vector<16xf32>
        %unpack3A_501 = tpu.unpack_subelements %mul3A_499, 1 {pack_format = #tpu.pack_format<interleaved>} : vector<32xbf16> -> vector<16xf32>
        %add3A_502 = arith.addf %add3A_490, %unpack3A_500 : vector<16xf32>
        %add3A_503 = arith.addf %add3A_502, %unpack3A_501 : vector<16xf32>
        %get3A_504 = arith.index_cast %add3A_475 : i32 to index
        %get3A_505 = arith.constant 32 : index
        %get3A_506 = tpu.vector_load %arg15[%get3A_504, %get3A_505] {strides = array<i32>} : memref<40x64xi32, #tpu.memory_space<vmem>>, vector<16xi32>,
        %bitcast3A_507 = vector.bitcast %get3A_506 : vector<16xi32> to vector<32xbf16>
        %get3A_508 = arith.index_cast %add3A_475 : i32 to index
        %get3A_509 = arith.constant 32 : index
        %get3A_510 = tpu.vector_load %arg16[%get3A_508, %get3A_509] {strides = array<i32>} : memref<40x64xi32, #tpu.memory_space<vmem>>, vector<16xi32>,
        %bitcast3A_511 = vector.bitcast %get3A_510 : vector<16xi32> to vector<32xbf16>
        %mul3A_512 = arith.mulf %bitcast3A_507, %bitcast3A_511 : vector<32xbf16>
        %unpack3A_513 = tpu.unpack_subelements %mul3A_512, 0 {pack_format = #tpu.pack_format<interleaved>} : vector<32xbf16> -> vector<16xf32>
        %unpack3A_514 = tpu.unpack_subelements %mul3A_512, 1 {pack_format = #tpu.pack_format<interleaved>} : vector<32xbf16> -> vector<16xf32>
        %add3A_515 = arith.addf %add3A_503, %unpack3A_513 : vector<16xf32>
        %add3A_516 = arith.addf %add3A_515, %unpack3A_514 : vector<16xf32>
        %get3A_517 = arith.index_cast %add3A_475 : i32 to index
        %get3A_518 = arith.constant 48 : index
        %get3A_519 = tpu.vector_load %arg15[%get3A_517, %get3A_518] {strides = array<i32>} : memref<40x64xi32, #tpu.memory_space<vmem>>, vector<16xi32>,
        %bitcast3A_520 = vector.bitcast %get3A_519 : vector<16xi32> to vector<32xbf16>
        %get3A_521 = arith.index_cast %add3A_475 : i32 to index
        %get3A_522 = arith.constant 48 : index
        %get3A_523 = tpu.vector_load %arg16[%get3A_521, %get3A_522] {strides = array<i32>} : memref<40x64xi32, #tpu.memory_space<vmem>>, vector<16xi32>,
        %bitcast3A_524 = vector.bitcast %get3A_523 : vector<16xi32> to vector<32xbf16>
        %mul3A_525 = arith.mulf %bitcast3A_520, %bitcast3A_524 : vector<32xbf16>
        %unpack3A_526 = tpu.unpack_subelements %mul3A_525, 0 {pack_format = #tpu.pack_format<interleaved>} : vector<32xbf16> -> vector<16xf32>
        %unpack3A_527 = tpu.unpack_subelements %mul3A_525, 1 {pack_format = #tpu.pack_format<interleaved>} : vector<32xbf16> -> vector<16xf32>
        %add3A_528 = arith.addf %add3A_516, %unpack3A_526 : vector<16xf32>
        %add3A_529 = arith.addf %add3A_528, %unpack3A_527 : vector<16xf32>
        %mul3A_530 = arith.constant 40 : i32
        %mul3A_531 = arith.muli %add3A_223, %mul3A_530 : i32
        %add3A_532 = arith.addi %mul3A_531, %add3A_475 : i32
        %broadcast_in_dim3A_533 = vector.broadcast %add3A_532 : i32 to vector<16xi32>
        %gather3A_534 = tpu.vector_load_idx %arg8[%broadcast_in_dim3A_533] : memref<10000xf32, #tpu.memory_space<vmem>>[vector<16xi32>], vector<16xf32>,
        %mul3A_535 = arith.mulf %gather3A_534, %add3A_529 : vector<16xf32>
        %add3A_536 = arith.addf %add3A_473, %mul3A_535 : vector<16xf32>
        %add3A_537 = arith.constant 4 : i32
        %add3A_538 = arith.addi %mul3A_287, %add3A_537 : i32
        %broadcast_in_dim3A_539 = arith.constant 0.000000e+00 : f32
        %broadcast_in_dim3A_540 = vector.broadcast %broadcast_in_dim3A_539 : f32 to vector<16xf32>
        %get3A_541 = arith.index_cast %add3A_538 : i32 to index
        %get3A_542 = arith.constant 0 : index
        %get3A_543 = tpu.vector_load %arg15[%get3A_541, %get3A_542] {strides = array<i32>} : memref<40x64xi32, #tpu.memory_space<vmem>>, vector<16xi32>,
        %bitcast3A_544 = vector.bitcast %get3A_543 : vector<16xi32> to vector<32xbf16>
        %get3A_545 = arith.index_cast %add3A_538 : i32 to index
        %get3A_546 = arith.constant 0 : index
        %get3A_547 = tpu.vector_load %arg16[%get3A_545, %get3A_546] {strides = array<i32>} : memref<40x64xi32, #tpu.memory_space<vmem>>, vector<16xi32>,
        %bitcast3A_548 = vector.bitcast %get3A_547 : vector<16xi32> to vector<32xbf16>
        %mul3A_549 = arith.mulf %bitcast3A_544, %bitcast3A_548 : vector<32xbf16>
        %unpack3A_550 = tpu.unpack_subelements %mul3A_549, 0 {pack_format = #tpu.pack_format<interleaved>} : vector<32xbf16> -> vector<16xf32>
        %unpack3A_551 = tpu.unpack_subelements %mul3A_549, 1 {pack_format = #tpu.pack_format<interleaved>} : vector<32xbf16> -> vector<16xf32>
        %add3A_552 = arith.addf %broadcast_in_dim3A_540, %unpack3A_550 : vector<16xf32>
        %add3A_553 = arith.addf %add3A_552, %unpack3A_551 : vector<16xf32>
        %get3A_554 = arith.index_cast %add3A_538 : i32 to index
        %get3A_555 = arith.constant 16 : index
        %get3A_556 = tpu.vector_load %arg15[%get3A_554, %get3A_555] {strides = array<i32>} : memref<40x64xi32, #tpu.memory_space<vmem>>, vector<16xi32>,
        %bitcast3A_557 = vector.bitcast %get3A_556 : vector<16xi32> to vector<32xbf16>
        %get3A_558 = arith.index_cast %add3A_538 : i32 to index
        %get3A_559 = arith.constant 16 : index
        %get3A_560 = tpu.vector_load %arg16[%get3A_558, %get3A_559] {strides = array<i32>} : memref<40x64xi32, #tpu.memory_space<vmem>>, vector<16xi32>,
        %bitcast3A_561 = vector.bitcast %get3A_560 : vector<16xi32> to vector<32xbf16>
        %mul3A_562 = arith.mulf %bitcast3A_557, %bitcast3A_561 : vector<32xbf16>
        %unpack3A_563 = tpu.unpack_subelements %mul3A_562, 0 {pack_format = #tpu.pack_format<interleaved>} : vector<32xbf16> -> vector<16xf32>
        %unpack3A_564 = tpu.unpack_subelements %mul3A_562, 1 {pack_format = #tpu.pack_format<interleaved>} : vector<32xbf16> -> vector<16xf32>
        %add3A_565 = arith.addf %add3A_553, %unpack3A_563 : vector<16xf32>
        %add3A_566 = arith.addf %add3A_565, %unpack3A_564 : vector<16xf32>
        %get3A_567 = arith.index_cast %add3A_538 : i32 to index
        %get3A_568 = arith.constant 32 : index
        %get3A_569 = tpu.vector_load %arg15[%get3A_567, %get3A_568] {strides = array<i32>} : memref<40x64xi32, #tpu.memory_space<vmem>>, vector<16xi32>,
        %bitcast3A_570 = vector.bitcast %get3A_569 : vector<16xi32> to vector<32xbf16>
        %get3A_571 = arith.index_cast %add3A_538 : i32 to index
        %get3A_572 = arith.constant 32 : index
        %get3A_573 = tpu.vector_load %arg16[%get3A_571, %get3A_572] {strides = array<i32>} : memref<40x64xi32, #tpu.memory_space<vmem>>, vector<16xi32>,
        %bitcast3A_574 = vector.bitcast %get3A_573 : vector<16xi32> to vector<32xbf16>
        %mul3A_575 = arith.mulf %bitcast3A_570, %bitcast3A_574 : vector<32xbf16>
        %unpack3A_576 = tpu.unpack_subelements %mul3A_575, 0 {pack_format = #tpu.pack_format<interleaved>} : vector<32xbf16> -> vector<16xf32>
        %unpack3A_577 = tpu.unpack_subelements %mul3A_575, 1 {pack_format = #tpu.pack_format<interleaved>} : vector<32xbf16> -> vector<16xf32>
        %add3A_578 = arith.addf %add3A_566, %unpack3A_576 : vector<16xf32>
        %add3A_579 = arith.addf %add3A_578, %unpack3A_577 : vector<16xf32>
        %get3A_580 = arith.index_cast %add3A_538 : i32 to index
        %get3A_581 = arith.constant 48 : index
        %get3A_582 = tpu.vector_load %arg15[%get3A_580, %get3A_581] {strides = array<i32>} : memref<40x64xi32, #tpu.memory_space<vmem>>, vector<16xi32>,
        %bitcast3A_583 = vector.bitcast %get3A_582 : vector<16xi32> to vector<32xbf16>
        %get3A_584 = arith.index_cast %add3A_538 : i32 to index
        %get3A_585 = arith.constant 48 : index
        %get3A_586 = tpu.vector_load %arg16[%get3A_584, %get3A_585] {strides = array<i32>} : memref<40x64xi32, #tpu.memory_space<vmem>>, vector<16xi32>,
        %bitcast3A_587 = vector.bitcast %get3A_586 : vector<16xi32> to vector<32xbf16>
        %mul3A_588 = arith.mulf %bitcast3A_583, %bitcast3A_587 : vector<32xbf16>
        %unpack3A_589 = tpu.unpack_subelements %mul3A_588, 0 {pack_format = #tpu.pack_format<interleaved>} : vector<32xbf16> -> vector<16xf32>
        %unpack3A_590 = tpu.unpack_subelements %mul3A_588, 1 {pack_format = #tpu.pack_format<interleaved>} : vector<32xbf16> -> vector<16xf32>
        %add3A_591 = arith.addf %add3A_579, %unpack3A_589 : vector<16xf32>
        %add3A_592 = arith.addf %add3A_591, %unpack3A_590 : vector<16xf32>
        %mul3A_593 = arith.constant 40 : i32
        %mul3A_594 = arith.muli %add3A_223, %mul3A_593 : i32
        %add3A_595 = arith.addi %mul3A_594, %add3A_538 : i32
        %broadcast_in_dim3A_596 = vector.broadcast %add3A_595 : i32 to vector<16xi32>
        %gather3A_597 = tpu.vector_load_idx %arg8[%broadcast_in_dim3A_596] : memref<10000xf32, #tpu.memory_space<vmem>>[vector<16xi32>], vector<16xf32>,
        %mul3A_598 = arith.mulf %gather3A_597, %add3A_592 : vector<16xf32>
        %add3A_599 = arith.addf %add3A_536, %mul3A_598 : vector<16xf32>
        scf.yield %add3A_599 : vector<16xf32>
      }
      %scan3A_231 = arith.constant 8 : i32
      %get3A_232 = arith.constant 0 : index
      %get3A_233 = tpu.vector_load %arg19[%get3A_232] {strides = array<i32>} : memref<16xf32, #tpu.memory_space<vmem>>, vector<16xf32>,
      %add3A_234 = arith.addf %get3A_233, %scan3A_230 : vector<16xf32>
      %swap3A_235 = arith.constant 0 : index
      %swap3A_236 = tpu.vector_load %arg19[%swap3A_235] {strides = array<i32>} : memref<16xf32, #tpu.memory_space<vmem>>, vector<16xf32>,
      tpu.vector_store %arg19[%swap3A_235], %add3A_234 {strides = array<i32>} : memref<16xf32, #tpu.memory_space<vmem>>, vector<16xf32>,
      %add3A_237 = arith.constant 3 : i32
      %add3A_238 = arith.addi %add3A_97, %add3A_237 : i32
      %add3A_239 = arith.constant 5 : i32
      %add3A_240 = arith.addi %add3A_238, %add3A_239 : i32
      %lt3A_241 = arith.constant 250 : i32
      %lt3A_242 = arith.cmpi slt, %add3A_240, %lt3A_241 : i32
      %convert_element_type3A_243 = arith.extui %lt3A_242 : i1 to i32
      %cond3A_244 = arith.constant 0 : i32
      %cond3A_245 = arith.cmpi ne, %convert_element_type3A_243, %cond3A_244 : i32
      scf.if %cond3A_245 {
        %add3A_284 = arith.constant 3 : i32
        %add3A_285 = arith.addi %add3A_97, %add3A_284 : i32
        %add3A_286 = arith.constant 5 : i32
        %add3A_287 = arith.addi %add3A_285, %add3A_286 : i32
        %mul3A_288 = arith.constant 40 : i32
        %mul3A_289 = arith.muli %add3A_287, %mul3A_288 : i32
        %dma_start3A_290 = tpu.memref_slice %arg6[%mul3A_289] : memref<10000xi32, #tpu.memory_space<vmem>> -> memref<40xi32, #tpu.memory_space<vmem>>
        %dma_start3A_291 = arith.constant 0 : i32
        %dma_start3A_292 = arith.constant 0 : i32
        %dma_start3A_293 = tpu.memref_slice %arg20[%dma_start3A_291, %dma_start3A_292] : memref<10000x64xi32, #tpu.memory_space<vmem_shared>> -> memref<10000x64xi32, #tpu.memory_space<vmem_shared>>
        tpu.enqueue_indirect_dma source(%dma_start3A_293 : memref<10000x64xi32, #tpu.memory_space<vmem_shared>>) target(%arg15 : memref<40x64xi32, #tpu.memory_space<vmem>>) offsets(%dma_start3A_290 : memref<40xi32, #tpu.memory_space<vmem>>) semaphore(%arg27 : memref<!tpu.dma_semaphore, #tpu.memory_space<semaphore_mem>>)
        %mul3A_294 = arith.constant 40 : i32
        %mul3A_295 = arith.muli %add3A_287, %mul3A_294 : i32
        %dma_start3A_296 = tpu.memref_slice %arg7[%mul3A_295] : memref<10000xi32, #tpu.memory_space<vmem>> -> memref<40xi32, #tpu.memory_space<vmem>>
        %dma_start3A_297 = arith.constant 0 : i32
        %dma_start3A_298 = arith.constant 0 : i32
        %dma_start3A_299 = tpu.memref_slice %arg20[%dma_start3A_297, %dma_start3A_298] : memref<10000x64xi32, #tpu.memory_space<vmem_shared>> -> memref<10000x64xi32, #tpu.memory_space<vmem_shared>>
        tpu.enqueue_indirect_dma source(%dma_start3A_299 : memref<10000x64xi32, #tpu.memory_space<vmem_shared>>) target(%arg16 : memref<40x64xi32, #tpu.memory_space<vmem>>) offsets(%dma_start3A_296 : memref<40xi32, #tpu.memory_space<vmem>>) semaphore(%arg28 : memref<!tpu.dma_semaphore, #tpu.memory_space<semaphore_mem>>)
      } else {
      }
      %add3A_246 = arith.constant 4 : i32
      %add3A_247 = arith.addi %add3A_97, %add3A_246 : i32
      %mul3A_248 = arith.constant 40 : i32
      %mul3A_249 = arith.muli %add3A_247, %mul3A_248 : i32
      %dma_wait3A_250 = tpu.memref_slice %arg6[%mul3A_249] : memref<10000xi32, #tpu.memory_space<vmem>> -> memref<40xi32, #tpu.memory_space<vmem>>
      %dma_wait3A_251 = arith.constant 0 : i32
      %dma_wait3A_252 = arith.constant 0 : i32
      %dma_wait3A_253 = tpu.memref_slice %arg20[%dma_wait3A_251, %dma_wait3A_252] : memref<10000x64xi32, #tpu.memory_space<vmem_shared>> -> memref<10000x64xi32, #tpu.memory_space<vmem_shared>>
      tpu.wait_indirect_dma semaphore(%arg29 : memref<!tpu.dma_semaphore, #tpu.memory_space<semaphore_mem>>) src(%dma_wait3A_253 : memref<10000x64xi32, #tpu.memory_space<vmem_shared>>) dst(%arg17 : memref<40x64xi32, #tpu.memory_space<vmem>>)
      %mul3A_254 = arith.constant 40 : i32
      %mul3A_255 = arith.muli %add3A_247, %mul3A_254 : i32
      %dma_wait3A_256 = tpu.memref_slice %arg7[%mul3A_255] : memref<10000xi32, #tpu.memory_space<vmem>> -> memref<40xi32, #tpu.memory_space<vmem>>
      %dma_wait3A_257 = arith.constant 0 : i32
      %dma_wait3A_258 = arith.constant 0 : i32
      %dma_wait3A_259 = tpu.memref_slice %arg20[%dma_wait3A_257, %dma_wait3A_258] : memref<10000x64xi32, #tpu.memory_space<vmem_shared>> -> memref<10000x64xi32, #tpu.memory_space<vmem_shared>>
      tpu.wait_indirect_dma semaphore(%arg30 : memref<!tpu.dma_semaphore, #tpu.memory_space<semaphore_mem>>) src(%dma_wait3A_259 : memref<10000x64xi32, #tpu.memory_space<vmem_shared>>) dst(%arg18 : memref<40x64xi32, #tpu.memory_space<vmem>>)
      %add3A_260 = arith.constant 4 : i32
      %add3A_261 = arith.addi %add3A_97, %add3A_260 : i32
      %broadcast_in_dim3A_262 = arith.constant 0.000000e+00 : f32
      %broadcast_in_dim3A_263 = vector.broadcast %broadcast_in_dim3A_262 : f32 to vector<16xf32>
      %scan3A_264 = arith.constant 0 : i32
      %scan3A_265 = arith.constant 8 : i32
      %scan3A_266 = arith.addi %scan3A_264, %scan3A_265 : i32
      %scan3A_267 = arith.constant 1 : i32
      %scan3A_268 = scf.for %scan3A_284 = %scan3A_264 to %scan3A_266 step %scan3A_267 iter_args(%scan3A_285 = %broadcast_in_dim3A_263) -> (vector<16xf32>)  : i32 {
        %mul3A_286 = arith.constant 5 : i32
        %mul3A_287 = arith.muli %scan3A_284, %mul3A_286 : i32
        %add3A_288 = arith.constant 0 : i32
        %add3A_289 = arith.addi %mul3A_287, %add3A_288 : i32
        %broadcast_in_dim3A_290 = arith.constant 0.000000e+00 : f32
        %broadcast_in_dim3A_291 = vector.broadcast %broadcast_in_dim3A_290 : f32 to vector<16xf32>
        %get3A_292 = arith.index_cast %add3A_289 : i32 to index
        %get3A_293 = arith.constant 0 : index
        %get3A_294 = tpu.vector_load %arg17[%get3A_292, %get3A_293] {strides = array<i32>} : memref<40x64xi32, #tpu.memory_space<vmem>>, vector<16xi32>,
        %bitcast3A = vector.bitcast %get3A_294 : vector<16xi32> to vector<32xbf16>
        %get3A_295 = arith.index_cast %add3A_289 : i32 to index
        %get3A_296 = arith.constant 0 : index
        %get3A_297 = tpu.vector_load %arg18[%get3A_295, %get3A_296] {strides = array<i32>} : memref<40x64xi32, #tpu.memory_space<vmem>>, vector<16xi32>,
        %bitcast3A_298 = vector.bitcast %get3A_297 : vector<16xi32> to vector<32xbf16>
        %mul3A_299 = arith.mulf %bitcast3A, %bitcast3A_298 : vector<32xbf16>
        %unpack3A = tpu.unpack_subelements %mul3A_299, 0 {pack_format = #tpu.pack_format<interleaved>} : vector<32xbf16> -> vector<16xf32>
        %unpack3A_300 = tpu.unpack_subelements %mul3A_299, 1 {pack_format = #tpu.pack_format<interleaved>} : vector<32xbf16> -> vector<16xf32>
        %add3A_301 = arith.addf %broadcast_in_dim3A_291, %unpack3A : vector<16xf32>
        %add3A_302 = arith.addf %add3A_301, %unpack3A_300 : vector<16xf32>
        %get3A_303 = arith.index_cast %add3A_289 : i32 to index
        %get3A_304 = arith.constant 16 : index
        %get3A_305 = tpu.vector_load %arg17[%get3A_303, %get3A_304] {strides = array<i32>} : memref<40x64xi32, #tpu.memory_space<vmem>>, vector<16xi32>,
        %bitcast3A_306 = vector.bitcast %get3A_305 : vector<16xi32> to vector<32xbf16>
        %get3A_307 = arith.index_cast %add3A_289 : i32 to index
        %get3A_308 = arith.constant 16 : index
        %get3A_309 = tpu.vector_load %arg18[%get3A_307, %get3A_308] {strides = array<i32>} : memref<40x64xi32, #tpu.memory_space<vmem>>, vector<16xi32>,
        %bitcast3A_310 = vector.bitcast %get3A_309 : vector<16xi32> to vector<32xbf16>
        %mul3A_311 = arith.mulf %bitcast3A_306, %bitcast3A_310 : vector<32xbf16>
        %unpack3A_312 = tpu.unpack_subelements %mul3A_311, 0 {pack_format = #tpu.pack_format<interleaved>} : vector<32xbf16> -> vector<16xf32>
        %unpack3A_313 = tpu.unpack_subelements %mul3A_311, 1 {pack_format = #tpu.pack_format<interleaved>} : vector<32xbf16> -> vector<16xf32>
        %add3A_314 = arith.addf %add3A_302, %unpack3A_312 : vector<16xf32>
        %add3A_315 = arith.addf %add3A_314, %unpack3A_313 : vector<16xf32>
        %get3A_316 = arith.index_cast %add3A_289 : i32 to index
        %get3A_317 = arith.constant 32 : index
        %get3A_318 = tpu.vector_load %arg17[%get3A_316, %get3A_317] {strides = array<i32>} : memref<40x64xi32, #tpu.memory_space<vmem>>, vector<16xi32>,
        %bitcast3A_319 = vector.bitcast %get3A_318 : vector<16xi32> to vector<32xbf16>
        %get3A_320 = arith.index_cast %add3A_289 : i32 to index
        %get3A_321 = arith.constant 32 : index
        %get3A_322 = tpu.vector_load %arg18[%get3A_320, %get3A_321] {strides = array<i32>} : memref<40x64xi32, #tpu.memory_space<vmem>>, vector<16xi32>,
        %bitcast3A_323 = vector.bitcast %get3A_322 : vector<16xi32> to vector<32xbf16>
        %mul3A_324 = arith.mulf %bitcast3A_319, %bitcast3A_323 : vector<32xbf16>
        %unpack3A_325 = tpu.unpack_subelements %mul3A_324, 0 {pack_format = #tpu.pack_format<interleaved>} : vector<32xbf16> -> vector<16xf32>
        %unpack3A_326 = tpu.unpack_subelements %mul3A_324, 1 {pack_format = #tpu.pack_format<interleaved>} : vector<32xbf16> -> vector<16xf32>
        %add3A_327 = arith.addf %add3A_315, %unpack3A_325 : vector<16xf32>
        %add3A_328 = arith.addf %add3A_327, %unpack3A_326 : vector<16xf32>
        %get3A_329 = arith.index_cast %add3A_289 : i32 to index
        %get3A_330 = arith.constant 48 : index
        %get3A_331 = tpu.vector_load %arg17[%get3A_329, %get3A_330] {strides = array<i32>} : memref<40x64xi32, #tpu.memory_space<vmem>>, vector<16xi32>,
        %bitcast3A_332 = vector.bitcast %get3A_331 : vector<16xi32> to vector<32xbf16>
        %get3A_333 = arith.index_cast %add3A_289 : i32 to index
        %get3A_334 = arith.constant 48 : index
        %get3A_335 = tpu.vector_load %arg18[%get3A_333, %get3A_334] {strides = array<i32>} : memref<40x64xi32, #tpu.memory_space<vmem>>, vector<16xi32>,
        %bitcast3A_336 = vector.bitcast %get3A_335 : vector<16xi32> to vector<32xbf16>
        %mul3A_337 = arith.mulf %bitcast3A_332, %bitcast3A_336 : vector<32xbf16>
        %unpack3A_338 = tpu.unpack_subelements %mul3A_337, 0 {pack_format = #tpu.pack_format<interleaved>} : vector<32xbf16> -> vector<16xf32>
        %unpack3A_339 = tpu.unpack_subelements %mul3A_337, 1 {pack_format = #tpu.pack_format<interleaved>} : vector<32xbf16> -> vector<16xf32>
        %add3A_340 = arith.addf %add3A_328, %unpack3A_338 : vector<16xf32>
        %add3A_341 = arith.addf %add3A_340, %unpack3A_339 : vector<16xf32>
        %mul3A_342 = arith.constant 40 : i32
        %mul3A_343 = arith.muli %add3A_261, %mul3A_342 : i32
        %add3A_344 = arith.addi %mul3A_343, %add3A_289 : i32
        %broadcast_in_dim3A_345 = vector.broadcast %add3A_344 : i32 to vector<16xi32>
        %gather3A = tpu.vector_load_idx %arg8[%broadcast_in_dim3A_345] : memref<10000xf32, #tpu.memory_space<vmem>>[vector<16xi32>], vector<16xf32>,
        %mul3A_346 = arith.mulf %gather3A, %add3A_341 : vector<16xf32>
        %add3A_347 = arith.addf %scan3A_285, %mul3A_346 : vector<16xf32>
        %add3A_348 = arith.constant 1 : i32
        %add3A_349 = arith.addi %mul3A_287, %add3A_348 : i32
        %broadcast_in_dim3A_350 = arith.constant 0.000000e+00 : f32
        %broadcast_in_dim3A_351 = vector.broadcast %broadcast_in_dim3A_350 : f32 to vector<16xf32>
        %get3A_352 = arith.index_cast %add3A_349 : i32 to index
        %get3A_353 = arith.constant 0 : index
        %get3A_354 = tpu.vector_load %arg17[%get3A_352, %get3A_353] {strides = array<i32>} : memref<40x64xi32, #tpu.memory_space<vmem>>, vector<16xi32>,
        %bitcast3A_355 = vector.bitcast %get3A_354 : vector<16xi32> to vector<32xbf16>
        %get3A_356 = arith.index_cast %add3A_349 : i32 to index
        %get3A_357 = arith.constant 0 : index
        %get3A_358 = tpu.vector_load %arg18[%get3A_356, %get3A_357] {strides = array<i32>} : memref<40x64xi32, #tpu.memory_space<vmem>>, vector<16xi32>,
        %bitcast3A_359 = vector.bitcast %get3A_358 : vector<16xi32> to vector<32xbf16>
        %mul3A_360 = arith.mulf %bitcast3A_355, %bitcast3A_359 : vector<32xbf16>
        %unpack3A_361 = tpu.unpack_subelements %mul3A_360, 0 {pack_format = #tpu.pack_format<interleaved>} : vector<32xbf16> -> vector<16xf32>
        %unpack3A_362 = tpu.unpack_subelements %mul3A_360, 1 {pack_format = #tpu.pack_format<interleaved>} : vector<32xbf16> -> vector<16xf32>
        %add3A_363 = arith.addf %broadcast_in_dim3A_351, %unpack3A_361 : vector<16xf32>
        %add3A_364 = arith.addf %add3A_363, %unpack3A_362 : vector<16xf32>
        %get3A_365 = arith.index_cast %add3A_349 : i32 to index
        %get3A_366 = arith.constant 16 : index
        %get3A_367 = tpu.vector_load %arg17[%get3A_365, %get3A_366] {strides = array<i32>} : memref<40x64xi32, #tpu.memory_space<vmem>>, vector<16xi32>,
        %bitcast3A_368 = vector.bitcast %get3A_367 : vector<16xi32> to vector<32xbf16>
        %get3A_369 = arith.index_cast %add3A_349 : i32 to index
        %get3A_370 = arith.constant 16 : index
        %get3A_371 = tpu.vector_load %arg18[%get3A_369, %get3A_370] {strides = array<i32>} : memref<40x64xi32, #tpu.memory_space<vmem>>, vector<16xi32>,
        %bitcast3A_372 = vector.bitcast %get3A_371 : vector<16xi32> to vector<32xbf16>
        %mul3A_373 = arith.mulf %bitcast3A_368, %bitcast3A_372 : vector<32xbf16>
        %unpack3A_374 = tpu.unpack_subelements %mul3A_373, 0 {pack_format = #tpu.pack_format<interleaved>} : vector<32xbf16> -> vector<16xf32>
        %unpack3A_375 = tpu.unpack_subelements %mul3A_373, 1 {pack_format = #tpu.pack_format<interleaved>} : vector<32xbf16> -> vector<16xf32>
        %add3A_376 = arith.addf %add3A_364, %unpack3A_374 : vector<16xf32>
        %add3A_377 = arith.addf %add3A_376, %unpack3A_375 : vector<16xf32>
        %get3A_378 = arith.index_cast %add3A_349 : i32 to index
        %get3A_379 = arith.constant 32 : index
        %get3A_380 = tpu.vector_load %arg17[%get3A_378, %get3A_379] {strides = array<i32>} : memref<40x64xi32, #tpu.memory_space<vmem>>, vector<16xi32>,
        %bitcast3A_381 = vector.bitcast %get3A_380 : vector<16xi32> to vector<32xbf16>
        %get3A_382 = arith.index_cast %add3A_349 : i32 to index
        %get3A_383 = arith.constant 32 : index
        %get3A_384 = tpu.vector_load %arg18[%get3A_382, %get3A_383] {strides = array<i32>} : memref<40x64xi32, #tpu.memory_space<vmem>>, vector<16xi32>,
        %bitcast3A_385 = vector.bitcast %get3A_384 : vector<16xi32> to vector<32xbf16>
        %mul3A_386 = arith.mulf %bitcast3A_381, %bitcast3A_385 : vector<32xbf16>
        %unpack3A_387 = tpu.unpack_subelements %mul3A_386, 0 {pack_format = #tpu.pack_format<interleaved>} : vector<32xbf16> -> vector<16xf32>
        %unpack3A_388 = tpu.unpack_subelements %mul3A_386, 1 {pack_format = #tpu.pack_format<interleaved>} : vector<32xbf16> -> vector<16xf32>
        %add3A_389 = arith.addf %add3A_377, %unpack3A_387 : vector<16xf32>
        %add3A_390 = arith.addf %add3A_389, %unpack3A_388 : vector<16xf32>
        %get3A_391 = arith.index_cast %add3A_349 : i32 to index
        %get3A_392 = arith.constant 48 : index
        %get3A_393 = tpu.vector_load %arg17[%get3A_391, %get3A_392] {strides = array<i32>} : memref<40x64xi32, #tpu.memory_space<vmem>>, vector<16xi32>,
        %bitcast3A_394 = vector.bitcast %get3A_393 : vector<16xi32> to vector<32xbf16>
        %get3A_395 = arith.index_cast %add3A_349 : i32 to index
        %get3A_396 = arith.constant 48 : index
        %get3A_397 = tpu.vector_load %arg18[%get3A_395, %get3A_396] {strides = array<i32>} : memref<40x64xi32, #tpu.memory_space<vmem>>, vector<16xi32>,
        %bitcast3A_398 = vector.bitcast %get3A_397 : vector<16xi32> to vector<32xbf16>
        %mul3A_399 = arith.mulf %bitcast3A_394, %bitcast3A_398 : vector<32xbf16>
        %unpack3A_400 = tpu.unpack_subelements %mul3A_399, 0 {pack_format = #tpu.pack_format<interleaved>} : vector<32xbf16> -> vector<16xf32>
        %unpack3A_401 = tpu.unpack_subelements %mul3A_399, 1 {pack_format = #tpu.pack_format<interleaved>} : vector<32xbf16> -> vector<16xf32>
        %add3A_402 = arith.addf %add3A_390, %unpack3A_400 : vector<16xf32>
        %add3A_403 = arith.addf %add3A_402, %unpack3A_401 : vector<16xf32>
        %mul3A_404 = arith.constant 40 : i32
        %mul3A_405 = arith.muli %add3A_261, %mul3A_404 : i32
        %add3A_406 = arith.addi %mul3A_405, %add3A_349 : i32
        %broadcast_in_dim3A_407 = vector.broadcast %add3A_406 : i32 to vector<16xi32>
        %gather3A_408 = tpu.vector_load_idx %arg8[%broadcast_in_dim3A_407] : memref<10000xf32, #tpu.memory_space<vmem>>[vector<16xi32>], vector<16xf32>,
        %mul3A_409 = arith.mulf %gather3A_408, %add3A_403 : vector<16xf32>
        %add3A_410 = arith.addf %add3A_347, %mul3A_409 : vector<16xf32>
        %add3A_411 = arith.constant 2 : i32
        %add3A_412 = arith.addi %mul3A_287, %add3A_411 : i32
        %broadcast_in_dim3A_413 = arith.constant 0.000000e+00 : f32
        %broadcast_in_dim3A_414 = vector.broadcast %broadcast_in_dim3A_413 : f32 to vector<16xf32>
        %get3A_415 = arith.index_cast %add3A_412 : i32 to index
        %get3A_416 = arith.constant 0 : index
        %get3A_417 = tpu.vector_load %arg17[%get3A_415, %get3A_416] {strides = array<i32>} : memref<40x64xi32, #tpu.memory_space<vmem>>, vector<16xi32>,
        %bitcast3A_418 = vector.bitcast %get3A_417 : vector<16xi32> to vector<32xbf16>
        %get3A_419 = arith.index_cast %add3A_412 : i32 to index
        %get3A_420 = arith.constant 0 : index
        %get3A_421 = tpu.vector_load %arg18[%get3A_419, %get3A_420] {strides = array<i32>} : memref<40x64xi32, #tpu.memory_space<vmem>>, vector<16xi32>,
        %bitcast3A_422 = vector.bitcast %get3A_421 : vector<16xi32> to vector<32xbf16>
        %mul3A_423 = arith.mulf %bitcast3A_418, %bitcast3A_422 : vector<32xbf16>
        %unpack3A_424 = tpu.unpack_subelements %mul3A_423, 0 {pack_format = #tpu.pack_format<interleaved>} : vector<32xbf16> -> vector<16xf32>
        %unpack3A_425 = tpu.unpack_subelements %mul3A_423, 1 {pack_format = #tpu.pack_format<interleaved>} : vector<32xbf16> -> vector<16xf32>
        %add3A_426 = arith.addf %broadcast_in_dim3A_414, %unpack3A_424 : vector<16xf32>
        %add3A_427 = arith.addf %add3A_426, %unpack3A_425 : vector<16xf32>
        %get3A_428 = arith.index_cast %add3A_412 : i32 to index
        %get3A_429 = arith.constant 16 : index
        %get3A_430 = tpu.vector_load %arg17[%get3A_428, %get3A_429] {strides = array<i32>} : memref<40x64xi32, #tpu.memory_space<vmem>>, vector<16xi32>,
        %bitcast3A_431 = vector.bitcast %get3A_430 : vector<16xi32> to vector<32xbf16>
        %get3A_432 = arith.index_cast %add3A_412 : i32 to index
        %get3A_433 = arith.constant 16 : index
        %get3A_434 = tpu.vector_load %arg18[%get3A_432, %get3A_433] {strides = array<i32>} : memref<40x64xi32, #tpu.memory_space<vmem>>, vector<16xi32>,
        %bitcast3A_435 = vector.bitcast %get3A_434 : vector<16xi32> to vector<32xbf16>
        %mul3A_436 = arith.mulf %bitcast3A_431, %bitcast3A_435 : vector<32xbf16>
        %unpack3A_437 = tpu.unpack_subelements %mul3A_436, 0 {pack_format = #tpu.pack_format<interleaved>} : vector<32xbf16> -> vector<16xf32>
        %unpack3A_438 = tpu.unpack_subelements %mul3A_436, 1 {pack_format = #tpu.pack_format<interleaved>} : vector<32xbf16> -> vector<16xf32>
        %add3A_439 = arith.addf %add3A_427, %unpack3A_437 : vector<16xf32>
        %add3A_440 = arith.addf %add3A_439, %unpack3A_438 : vector<16xf32>
        %get3A_441 = arith.index_cast %add3A_412 : i32 to index
        %get3A_442 = arith.constant 32 : index
        %get3A_443 = tpu.vector_load %arg17[%get3A_441, %get3A_442] {strides = array<i32>} : memref<40x64xi32, #tpu.memory_space<vmem>>, vector<16xi32>,
        %bitcast3A_444 = vector.bitcast %get3A_443 : vector<16xi32> to vector<32xbf16>
        %get3A_445 = arith.index_cast %add3A_412 : i32 to index
        %get3A_446 = arith.constant 32 : index
        %get3A_447 = tpu.vector_load %arg18[%get3A_445, %get3A_446] {strides = array<i32>} : memref<40x64xi32, #tpu.memory_space<vmem>>, vector<16xi32>,
        %bitcast3A_448 = vector.bitcast %get3A_447 : vector<16xi32> to vector<32xbf16>
        %mul3A_449 = arith.mulf %bitcast3A_444, %bitcast3A_448 : vector<32xbf16>
        %unpack3A_450 = tpu.unpack_subelements %mul3A_449, 0 {pack_format = #tpu.pack_format<interleaved>} : vector<32xbf16> -> vector<16xf32>
        %unpack3A_451 = tpu.unpack_subelements %mul3A_449, 1 {pack_format = #tpu.pack_format<interleaved>} : vector<32xbf16> -> vector<16xf32>
        %add3A_452 = arith.addf %add3A_440, %unpack3A_450 : vector<16xf32>
        %add3A_453 = arith.addf %add3A_452, %unpack3A_451 : vector<16xf32>
        %get3A_454 = arith.index_cast %add3A_412 : i32 to index
        %get3A_455 = arith.constant 48 : index
        %get3A_456 = tpu.vector_load %arg17[%get3A_454, %get3A_455] {strides = array<i32>} : memref<40x64xi32, #tpu.memory_space<vmem>>, vector<16xi32>,
        %bitcast3A_457 = vector.bitcast %get3A_456 : vector<16xi32> to vector<32xbf16>
        %get3A_458 = arith.index_cast %add3A_412 : i32 to index
        %get3A_459 = arith.constant 48 : index
        %get3A_460 = tpu.vector_load %arg18[%get3A_458, %get3A_459] {strides = array<i32>} : memref<40x64xi32, #tpu.memory_space<vmem>>, vector<16xi32>,
        %bitcast3A_461 = vector.bitcast %get3A_460 : vector<16xi32> to vector<32xbf16>
        %mul3A_462 = arith.mulf %bitcast3A_457, %bitcast3A_461 : vector<32xbf16>
        %unpack3A_463 = tpu.unpack_subelements %mul3A_462, 0 {pack_format = #tpu.pack_format<interleaved>} : vector<32xbf16> -> vector<16xf32>
        %unpack3A_464 = tpu.unpack_subelements %mul3A_462, 1 {pack_format = #tpu.pack_format<interleaved>} : vector<32xbf16> -> vector<16xf32>
        %add3A_465 = arith.addf %add3A_453, %unpack3A_463 : vector<16xf32>
        %add3A_466 = arith.addf %add3A_465, %unpack3A_464 : vector<16xf32>
        %mul3A_467 = arith.constant 40 : i32
        %mul3A_468 = arith.muli %add3A_261, %mul3A_467 : i32
        %add3A_469 = arith.addi %mul3A_468, %add3A_412 : i32
        %broadcast_in_dim3A_470 = vector.broadcast %add3A_469 : i32 to vector<16xi32>
        %gather3A_471 = tpu.vector_load_idx %arg8[%broadcast_in_dim3A_470] : memref<10000xf32, #tpu.memory_space<vmem>>[vector<16xi32>], vector<16xf32>,
        %mul3A_472 = arith.mulf %gather3A_471, %add3A_466 : vector<16xf32>
        %add3A_473 = arith.addf %add3A_410, %mul3A_472 : vector<16xf32>
        %add3A_474 = arith.constant 3 : i32
        %add3A_475 = arith.addi %mul3A_287, %add3A_474 : i32
        %broadcast_in_dim3A_476 = arith.constant 0.000000e+00 : f32
        %broadcast_in_dim3A_477 = vector.broadcast %broadcast_in_dim3A_476 : f32 to vector<16xf32>
        %get3A_478 = arith.index_cast %add3A_475 : i32 to index
        %get3A_479 = arith.constant 0 : index
        %get3A_480 = tpu.vector_load %arg17[%get3A_478, %get3A_479] {strides = array<i32>} : memref<40x64xi32, #tpu.memory_space<vmem>>, vector<16xi32>,
        %bitcast3A_481 = vector.bitcast %get3A_480 : vector<16xi32> to vector<32xbf16>
        %get3A_482 = arith.index_cast %add3A_475 : i32 to index
        %get3A_483 = arith.constant 0 : index
        %get3A_484 = tpu.vector_load %arg18[%get3A_482, %get3A_483] {strides = array<i32>} : memref<40x64xi32, #tpu.memory_space<vmem>>, vector<16xi32>,
        %bitcast3A_485 = vector.bitcast %get3A_484 : vector<16xi32> to vector<32xbf16>
        %mul3A_486 = arith.mulf %bitcast3A_481, %bitcast3A_485 : vector<32xbf16>
        %unpack3A_487 = tpu.unpack_subelements %mul3A_486, 0 {pack_format = #tpu.pack_format<interleaved>} : vector<32xbf16> -> vector<16xf32>
        %unpack3A_488 = tpu.unpack_subelements %mul3A_486, 1 {pack_format = #tpu.pack_format<interleaved>} : vector<32xbf16> -> vector<16xf32>
        %add3A_489 = arith.addf %broadcast_in_dim3A_477, %unpack3A_487 : vector<16xf32>
        %add3A_490 = arith.addf %add3A_489, %unpack3A_488 : vector<16xf32>
        %get3A_491 = arith.index_cast %add3A_475 : i32 to index
        %get3A_492 = arith.constant 16 : index
        %get3A_493 = tpu.vector_load %arg17[%get3A_491, %get3A_492] {strides = array<i32>} : memref<40x64xi32, #tpu.memory_space<vmem>>, vector<16xi32>,
        %bitcast3A_494 = vector.bitcast %get3A_493 : vector<16xi32> to vector<32xbf16>
        %get3A_495 = arith.index_cast %add3A_475 : i32 to index
        %get3A_496 = arith.constant 16 : index
        %get3A_497 = tpu.vector_load %arg18[%get3A_495, %get3A_496] {strides = array<i32>} : memref<40x64xi32, #tpu.memory_space<vmem>>, vector<16xi32>,
        %bitcast3A_498 = vector.bitcast %get3A_497 : vector<16xi32> to vector<32xbf16>
        %mul3A_499 = arith.mulf %bitcast3A_494, %bitcast3A_498 : vector<32xbf16>
        %unpack3A_500 = tpu.unpack_subelements %mul3A_499, 0 {pack_format = #tpu.pack_format<interleaved>} : vector<32xbf16> -> vector<16xf32>
        %unpack3A_501 = tpu.unpack_subelements %mul3A_499, 1 {pack_format = #tpu.pack_format<interleaved>} : vector<32xbf16> -> vector<16xf32>
        %add3A_502 = arith.addf %add3A_490, %unpack3A_500 : vector<16xf32>
        %add3A_503 = arith.addf %add3A_502, %unpack3A_501 : vector<16xf32>
        %get3A_504 = arith.index_cast %add3A_475 : i32 to index
        %get3A_505 = arith.constant 32 : index
        %get3A_506 = tpu.vector_load %arg17[%get3A_504, %get3A_505] {strides = array<i32>} : memref<40x64xi32, #tpu.memory_space<vmem>>, vector<16xi32>,
        %bitcast3A_507 = vector.bitcast %get3A_506 : vector<16xi32> to vector<32xbf16>
        %get3A_508 = arith.index_cast %add3A_475 : i32 to index
        %get3A_509 = arith.constant 32 : index
        %get3A_510 = tpu.vector_load %arg18[%get3A_508, %get3A_509] {strides = array<i32>} : memref<40x64xi32, #tpu.memory_space<vmem>>, vector<16xi32>,
        %bitcast3A_511 = vector.bitcast %get3A_510 : vector<16xi32> to vector<32xbf16>
        %mul3A_512 = arith.mulf %bitcast3A_507, %bitcast3A_511 : vector<32xbf16>
        %unpack3A_513 = tpu.unpack_subelements %mul3A_512, 0 {pack_format = #tpu.pack_format<interleaved>} : vector<32xbf16> -> vector<16xf32>
        %unpack3A_514 = tpu.unpack_subelements %mul3A_512, 1 {pack_format = #tpu.pack_format<interleaved>} : vector<32xbf16> -> vector<16xf32>
        %add3A_515 = arith.addf %add3A_503, %unpack3A_513 : vector<16xf32>
        %add3A_516 = arith.addf %add3A_515, %unpack3A_514 : vector<16xf32>
        %get3A_517 = arith.index_cast %add3A_475 : i32 to index
        %get3A_518 = arith.constant 48 : index
        %get3A_519 = tpu.vector_load %arg17[%get3A_517, %get3A_518] {strides = array<i32>} : memref<40x64xi32, #tpu.memory_space<vmem>>, vector<16xi32>,
        %bitcast3A_520 = vector.bitcast %get3A_519 : vector<16xi32> to vector<32xbf16>
        %get3A_521 = arith.index_cast %add3A_475 : i32 to index
        %get3A_522 = arith.constant 48 : index
        %get3A_523 = tpu.vector_load %arg18[%get3A_521, %get3A_522] {strides = array<i32>} : memref<40x64xi32, #tpu.memory_space<vmem>>, vector<16xi32>,
        %bitcast3A_524 = vector.bitcast %get3A_523 : vector<16xi32> to vector<32xbf16>
        %mul3A_525 = arith.mulf %bitcast3A_520, %bitcast3A_524 : vector<32xbf16>
        %unpack3A_526 = tpu.unpack_subelements %mul3A_525, 0 {pack_format = #tpu.pack_format<interleaved>} : vector<32xbf16> -> vector<16xf32>
        %unpack3A_527 = tpu.unpack_subelements %mul3A_525, 1 {pack_format = #tpu.pack_format<interleaved>} : vector<32xbf16> -> vector<16xf32>
        %add3A_528 = arith.addf %add3A_516, %unpack3A_526 : vector<16xf32>
        %add3A_529 = arith.addf %add3A_528, %unpack3A_527 : vector<16xf32>
        %mul3A_530 = arith.constant 40 : i32
        %mul3A_531 = arith.muli %add3A_261, %mul3A_530 : i32
        %add3A_532 = arith.addi %mul3A_531, %add3A_475 : i32
        %broadcast_in_dim3A_533 = vector.broadcast %add3A_532 : i32 to vector<16xi32>
        %gather3A_534 = tpu.vector_load_idx %arg8[%broadcast_in_dim3A_533] : memref<10000xf32, #tpu.memory_space<vmem>>[vector<16xi32>], vector<16xf32>,
        %mul3A_535 = arith.mulf %gather3A_534, %add3A_529 : vector<16xf32>
        %add3A_536 = arith.addf %add3A_473, %mul3A_535 : vector<16xf32>
        %add3A_537 = arith.constant 4 : i32
        %add3A_538 = arith.addi %mul3A_287, %add3A_537 : i32
        %broadcast_in_dim3A_539 = arith.constant 0.000000e+00 : f32
        %broadcast_in_dim3A_540 = vector.broadcast %broadcast_in_dim3A_539 : f32 to vector<16xf32>
        %get3A_541 = arith.index_cast %add3A_538 : i32 to index
        %get3A_542 = arith.constant 0 : index
        %get3A_543 = tpu.vector_load %arg17[%get3A_541, %get3A_542] {strides = array<i32>} : memref<40x64xi32, #tpu.memory_space<vmem>>, vector<16xi32>,
        %bitcast3A_544 = vector.bitcast %get3A_543 : vector<16xi32> to vector<32xbf16>
        %get3A_545 = arith.index_cast %add3A_538 : i32 to index
        %get3A_546 = arith.constant 0 : index
        %get3A_547 = tpu.vector_load %arg18[%get3A_545, %get3A_546] {strides = array<i32>} : memref<40x64xi32, #tpu.memory_space<vmem>>, vector<16xi32>,
        %bitcast3A_548 = vector.bitcast %get3A_547 : vector<16xi32> to vector<32xbf16>
        %mul3A_549 = arith.mulf %bitcast3A_544, %bitcast3A_548 : vector<32xbf16>
        %unpack3A_550 = tpu.unpack_subelements %mul3A_549, 0 {pack_format = #tpu.pack_format<interleaved>} : vector<32xbf16> -> vector<16xf32>
        %unpack3A_551 = tpu.unpack_subelements %mul3A_549, 1 {pack_format = #tpu.pack_format<interleaved>} : vector<32xbf16> -> vector<16xf32>
        %add3A_552 = arith.addf %broadcast_in_dim3A_540, %unpack3A_550 : vector<16xf32>
        %add3A_553 = arith.addf %add3A_552, %unpack3A_551 : vector<16xf32>
        %get3A_554 = arith.index_cast %add3A_538 : i32 to index
        %get3A_555 = arith.constant 16 : index
        %get3A_556 = tpu.vector_load %arg17[%get3A_554, %get3A_555] {strides = array<i32>} : memref<40x64xi32, #tpu.memory_space<vmem>>, vector<16xi32>,
        %bitcast3A_557 = vector.bitcast %get3A_556 : vector<16xi32> to vector<32xbf16>
        %get3A_558 = arith.index_cast %add3A_538 : i32 to index
        %get3A_559 = arith.constant 16 : index
        %get3A_560 = tpu.vector_load %arg18[%get3A_558, %get3A_559] {strides = array<i32>} : memref<40x64xi32, #tpu.memory_space<vmem>>, vector<16xi32>,
        %bitcast3A_561 = vector.bitcast %get3A_560 : vector<16xi32> to vector<32xbf16>
        %mul3A_562 = arith.mulf %bitcast3A_557, %bitcast3A_561 : vector<32xbf16>
        %unpack3A_563 = tpu.unpack_subelements %mul3A_562, 0 {pack_format = #tpu.pack_format<interleaved>} : vector<32xbf16> -> vector<16xf32>
        %unpack3A_564 = tpu.unpack_subelements %mul3A_562, 1 {pack_format = #tpu.pack_format<interleaved>} : vector<32xbf16> -> vector<16xf32>
        %add3A_565 = arith.addf %add3A_553, %unpack3A_563 : vector<16xf32>
        %add3A_566 = arith.addf %add3A_565, %unpack3A_564 : vector<16xf32>
        %get3A_567 = arith.index_cast %add3A_538 : i32 to index
        %get3A_568 = arith.constant 32 : index
        %get3A_569 = tpu.vector_load %arg17[%get3A_567, %get3A_568] {strides = array<i32>} : memref<40x64xi32, #tpu.memory_space<vmem>>, vector<16xi32>,
        %bitcast3A_570 = vector.bitcast %get3A_569 : vector<16xi32> to vector<32xbf16>
        %get3A_571 = arith.index_cast %add3A_538 : i32 to index
        %get3A_572 = arith.constant 32 : index
        %get3A_573 = tpu.vector_load %arg18[%get3A_571, %get3A_572] {strides = array<i32>} : memref<40x64xi32, #tpu.memory_space<vmem>>, vector<16xi32>,
        %bitcast3A_574 = vector.bitcast %get3A_573 : vector<16xi32> to vector<32xbf16>
        %mul3A_575 = arith.mulf %bitcast3A_570, %bitcast3A_574 : vector<32xbf16>
        %unpack3A_576 = tpu.unpack_subelements %mul3A_575, 0 {pack_format = #tpu.pack_format<interleaved>} : vector<32xbf16> -> vector<16xf32>
        %unpack3A_577 = tpu.unpack_subelements %mul3A_575, 1 {pack_format = #tpu.pack_format<interleaved>} : vector<32xbf16> -> vector<16xf32>
        %add3A_578 = arith.addf %add3A_566, %unpack3A_576 : vector<16xf32>
        %add3A_579 = arith.addf %add3A_578, %unpack3A_577 : vector<16xf32>
        %get3A_580 = arith.index_cast %add3A_538 : i32 to index
        %get3A_581 = arith.constant 48 : index
        %get3A_582 = tpu.vector_load %arg17[%get3A_580, %get3A_581] {strides = array<i32>} : memref<40x64xi32, #tpu.memory_space<vmem>>, vector<16xi32>,
        %bitcast3A_583 = vector.bitcast %get3A_582 : vector<16xi32> to vector<32xbf16>
        %get3A_584 = arith.index_cast %add3A_538 : i32 to index
        %get3A_585 = arith.constant 48 : index
        %get3A_586 = tpu.vector_load %arg18[%get3A_584, %get3A_585] {strides = array<i32>} : memref<40x64xi32, #tpu.memory_space<vmem>>, vector<16xi32>,
        %bitcast3A_587 = vector.bitcast %get3A_586 : vector<16xi32> to vector<32xbf16>
        %mul3A_588 = arith.mulf %bitcast3A_583, %bitcast3A_587 : vector<32xbf16>
        %unpack3A_589 = tpu.unpack_subelements %mul3A_588, 0 {pack_format = #tpu.pack_format<interleaved>} : vector<32xbf16> -> vector<16xf32>
        %unpack3A_590 = tpu.unpack_subelements %mul3A_588, 1 {pack_format = #tpu.pack_format<interleaved>} : vector<32xbf16> -> vector<16xf32>
        %add3A_591 = arith.addf %add3A_579, %unpack3A_589 : vector<16xf32>
        %add3A_592 = arith.addf %add3A_591, %unpack3A_590 : vector<16xf32>
        %mul3A_593 = arith.constant 40 : i32
        %mul3A_594 = arith.muli %add3A_261, %mul3A_593 : i32
        %add3A_595 = arith.addi %mul3A_594, %add3A_538 : i32
        %broadcast_in_dim3A_596 = vector.broadcast %add3A_595 : i32 to vector<16xi32>
        %gather3A_597 = tpu.vector_load_idx %arg8[%broadcast_in_dim3A_596] : memref<10000xf32, #tpu.memory_space<vmem>>[vector<16xi32>], vector<16xf32>,
        %mul3A_598 = arith.mulf %gather3A_597, %add3A_592 : vector<16xf32>
        %add3A_599 = arith.addf %add3A_536, %mul3A_598 : vector<16xf32>
        scf.yield %add3A_599 : vector<16xf32>
      }
      %scan3A_269 = arith.constant 8 : i32
      %get3A_270 = arith.constant 0 : index
      %get3A_271 = tpu.vector_load %arg19[%get3A_270] {strides = array<i32>} : memref<16xf32, #tpu.memory_space<vmem>>, vector<16xf32>,
      %add3A_272 = arith.addf %get3A_271, %scan3A_268 : vector<16xf32>
      %swap3A_273 = arith.constant 0 : index
      %swap3A_274 = tpu.vector_load %arg19[%swap3A_273] {strides = array<i32>} : memref<16xf32, #tpu.memory_space<vmem>>, vector<16xf32>,
      tpu.vector_store %arg19[%swap3A_273], %add3A_272 {strides = array<i32>} : memref<16xf32, #tpu.memory_space<vmem>>, vector<16xf32>,
      %add3A_275 = arith.constant 4 : i32
      %add3A_276 = arith.addi %add3A_97, %add3A_275 : i32
      %add3A_277 = arith.constant 5 : i32
      %add3A_278 = arith.addi %add3A_276, %add3A_277 : i32
      %lt3A_279 = arith.constant 250 : i32
      %lt3A_280 = arith.cmpi slt, %add3A_278, %lt3A_279 : i32
      %convert_element_type3A_281 = arith.extui %lt3A_280 : i1 to i32
      %cond3A_282 = arith.constant 0 : i32
      %cond3A_283 = arith.cmpi ne, %convert_element_type3A_281, %cond3A_282 : i32
      scf.if %cond3A_283 {
        %add3A_284 = arith.constant 4 : i32
        %add3A_285 = arith.addi %add3A_97, %add3A_284 : i32
        %add3A_286 = arith.constant 5 : i32
        %add3A_287 = arith.addi %add3A_285, %add3A_286 : i32
        %mul3A_288 = arith.constant 40 : i32
        %mul3A_289 = arith.muli %add3A_287, %mul3A_288 : i32
        %dma_start3A_290 = tpu.memref_slice %arg6[%mul3A_289] : memref<10000xi32, #tpu.memory_space<vmem>> -> memref<40xi32, #tpu.memory_space<vmem>>
        %dma_start3A_291 = arith.constant 0 : i32
        %dma_start3A_292 = arith.constant 0 : i32
        %dma_start3A_293 = tpu.memref_slice %arg20[%dma_start3A_291, %dma_start3A_292] : memref<10000x64xi32, #tpu.memory_space<vmem_shared>> -> memref<10000x64xi32, #tpu.memory_space<vmem_shared>>
        tpu.enqueue_indirect_dma source(%dma_start3A_293 : memref<10000x64xi32, #tpu.memory_space<vmem_shared>>) target(%arg17 : memref<40x64xi32, #tpu.memory_space<vmem>>) offsets(%dma_start3A_290 : memref<40xi32, #tpu.memory_space<vmem>>) semaphore(%arg29 : memref<!tpu.dma_semaphore, #tpu.memory_space<semaphore_mem>>)
        %mul3A_294 = arith.constant 40 : i32
        %mul3A_295 = arith.muli %add3A_287, %mul3A_294 : i32
        %dma_start3A_296 = tpu.memref_slice %arg7[%mul3A_295] : memref<10000xi32, #tpu.memory_space<vmem>> -> memref<40xi32, #tpu.memory_space<vmem>>
        %dma_start3A_297 = arith.constant 0 : i32
        %dma_start3A_298 = arith.constant 0 : i32
        %dma_start3A_299 = tpu.memref_slice %arg20[%dma_start3A_297, %dma_start3A_298] : memref<10000x64xi32, #tpu.memory_space<vmem_shared>> -> memref<10000x64xi32, #tpu.memory_space<vmem_shared>>
        tpu.enqueue_indirect_dma source(%dma_start3A_299 : memref<10000x64xi32, #tpu.memory_space<vmem_shared>>) target(%arg18 : memref<40x64xi32, #tpu.memory_space<vmem>>) offsets(%dma_start3A_296 : memref<40xi32, #tpu.memory_space<vmem>>) semaphore(%arg30 : memref<!tpu.dma_semaphore, #tpu.memory_space<semaphore_mem>>)
      } else {
      }
    }
    %scan3A_60 = arith.constant 50 : i32
    %jit3A = arith.constant 8 : i32
    %eq3A = arith.constant 0 : i32
    %eq3A_61 = arith.cmpi eq, %jit3A, %eq3A : i32
    %jit3A_62 = arith.constant 1 : i32
    %select_n3A = arith.select %eq3A_61, %jit3A_62, %jit3A : i32
    %rem3A = arith.remsi %add3A, %select_n3A : i32
    %ne3A = arith.constant 0 : i32
    %ne3A_63 = arith.cmpi ne, %rem3A, %ne3A : i32
    %lt3A = arith.constant 0 : i32
    %lt3A_64 = arith.cmpi slt, %rem3A, %lt3A : i32
    %lt3A_65 = arith.constant 0 : i32
    %lt3A_66 = arith.cmpi slt, %select_n3A, %lt3A_65 : i32
    %ne3A_67 = arith.xori %lt3A_64, %lt3A_66 : i1
    %and3A = arith.andi %ne3A_67, %ne3A_63 : i1
    %add3A_68 = arith.addi %rem3A, %select_n3A : i32
    %select_n3A_69 = arith.select %and3A, %add3A_68, %rem3A : i32
    %jit3A_70 = arith.constant 8 : i32
    %div3A = arith.divsi %add3A, %jit3A_70 : i32
    %sign3A = arith.constant 0 : i32
    %sign3A_71 = arith.cmpi sgt, %add3A, %sign3A : i32
    %sign3A_72 = arith.extui %sign3A_71 : i1 to i32
    %sign3A_73 = arith.constant 0 : i32
    %sign3A_74 = arith.cmpi slt, %add3A, %sign3A_73 : i32
    %sign3A_75 = arith.extui %sign3A_74 : i1 to i32
    %sign3A_76 = arith.subi %sign3A_72, %sign3A_75 : i32
    %sign3A_77 = arith.constant 0 : i32
    %sign3A_78 = arith.cmpi sgt, %jit3A_70, %sign3A_77 : i32
    %sign3A_79 = arith.extui %sign3A_78 : i1 to i32
    %sign3A_80 = arith.constant 0 : i32
    %sign3A_81 = arith.cmpi slt, %jit3A_70, %sign3A_80 : i32
    %sign3A_82 = arith.extui %sign3A_81 : i1 to i32
    %sign3A_83 = arith.subi %sign3A_79, %sign3A_82 : i32
    %ne3A_84 = arith.cmpi ne, %sign3A_76, %sign3A_83 : i32
    %rem3A_85 = arith.remsi %add3A, %jit3A_70 : i32
    %ne3A_86 = arith.constant 0 : i32
    %ne3A_87 = arith.cmpi ne, %rem3A_85, %ne3A_86 : i32
    %and3A_88 = arith.andi %ne3A_84, %ne3A_87 : i1
    %sub3A = arith.constant 1 : i32
    %sub3A_89 = arith.subi %div3A, %sub3A : i32
    %select_n3A_90 = arith.select %and3A_88, %sub3A_89, %div3A : i32
    %mul3A_91 = arith.constant 16 : i32
    %mul3A_92 = arith.muli %select_n3A_90, %mul3A_91 : i32
    "tpu.region"() ({
      %run_scoped3A_93 = tpu.sem_alloc : memref<!tpu.dma_semaphore, #tpu.memory_space<semaphore_mem>>
      %dma_start3A_94 = tpu.memref_slice %arg5[%select_n3A_69, %mul3A_92] : memref<8x128xf32, #tpu.memory_space<hbm>> -> memref<1x16xf32, #tpu.memory_space<hbm>>
      %dma_start3A_95 = tpu.memref_squeeze %dma_start3A_94 : memref<1x16xf32, #tpu.memory_space<hbm>> -> memref<16xf32, #tpu.memory_space<hbm>>
      %dma_start3A_96 = tpu.memref_slice %arg5[%select_n3A_69, %mul3A_92] : memref<8x128xf32, #tpu.memory_space<hbm>> -> memref<1x16xf32, #tpu.memory_space<hbm>>
      %dma_start3A_97 = tpu.memref_squeeze %dma_start3A_96 : memref<1x16xf32, #tpu.memory_space<hbm>> -> memref<16xf32, #tpu.memory_space<hbm>>
      tpu.enqueue_dma source(%arg19 : memref<16xf32, #tpu.memory_space<vmem>>) target(%dma_start3A_97 : memref<16xf32, #tpu.memory_space<hbm>>) target_semaphore(%run_scoped3A_93 : memref<!tpu.dma_semaphore, #tpu.memory_space<semaphore_mem>>)
      %dma_wait3A = tpu.memref_slice %arg5[%select_n3A_69, %mul3A_92] : memref<8x128xf32, #tpu.memory_space<hbm>> -> memref<1x16xf32, #tpu.memory_space<hbm>>
      %dma_wait3A_98 = tpu.memref_squeeze %dma_wait3A : memref<1x16xf32, #tpu.memory_space<hbm>> -> memref<16xf32, #tpu.memory_space<hbm>>
      %dma_wait3A_99 = tpu.memref_slice %arg5[%select_n3A_69, %mul3A_92] : memref<8x128xf32, #tpu.memory_space<hbm>> -> memref<1x16xf32, #tpu.memory_space<hbm>>
      %dma_wait3A_100 = tpu.memref_squeeze %dma_wait3A_99 : memref<1x16xf32, #tpu.memory_space<hbm>> -> memref<16xf32, #tpu.memory_space<hbm>>
      tpu.wait_dma2 semaphore(%run_scoped3A_93 : memref<!tpu.dma_semaphore, #tpu.memory_space<semaphore_mem>>) src(%arg19 : memref<16xf32, #tpu.memory_space<vmem>>) dst(%dma_wait3A_100 : memref<16xf32, #tpu.memory_space<hbm>>)
      tpu.yield
    }) : () -> ()
    return
  }
}

module attributes {stable_mosaic.version = 14 : i64} {
  func.func @_gram_body(%arg0: i32, %arg1: memref<1000x128xf32, #tpu.memory_space<vmem>>, %arg2: memref<10x1000xf32, #tpu.memory_space<vmem>>, %arg3: memref<128x128xf32, #tpu.memory_space<vmem>>, %arg4: memref<1x1xf32, #tpu.memory_space<smem>>) attributes {dimension_semantics = [#tpu.dimension_semantics<arbitrary>], iteration_bounds = array<i64: 10>, scalar_prefetch = 0 : i64, scratch_operands = 0 : i64, tpu.core_type = #tpu.core_type<tc>, window_params = [{transform_indices = @transform_0, window_bounds = array<i64: 1000, 128>}, {pipeline_mode = #tpu.pipeline_mode<synchronous>, transform_indices = @transform_1, window_bounds = array<i64: 10, 1000>}, {pipeline_mode = #tpu.pipeline_mode<synchronous>, transform_indices = @transform_2, window_bounds = array<i64: 128, 128>}, {transform_indices = @transform_3, window_bounds = array<i64: 1, 1>}]} {
    %eq3A = arith.constant 0 : i32
    %eq3A_0 = arith.cmpi eq, %arg0, %eq3A : i32
    %convert_element_type3A = arith.extui %eq3A_0 : i1 to i32
    %cond3A = arith.constant 0 : i32
    %cond3A_1 = arith.cmpi ne, %convert_element_type3A, %cond3A : i32
    scf.if %cond3A_1 {
      %broadcast_in_dim3A = arith.constant 0.000000e+00 : f32
      %broadcast_in_dim3A_27 = vector.broadcast %broadcast_in_dim3A : f32 to vector<128x128xf32>
      %swap3A_28 = arith.constant 0 : index
      %swap3A_29 = arith.constant 0 : index
      %swap3A_30 = vector.load %arg3[%swap3A_28, %swap3A_29] : memref<128x128xf32, #tpu.memory_space<vmem>>, vector<128x128xf32>
      tpu.vector_store %arg3[%swap3A_28, %swap3A_29], %broadcast_in_dim3A_27 {strides = array<i32>} : memref<128x128xf32, #tpu.memory_space<vmem>>, vector<128x128xf32>,
      %swap3A_31 = arith.constant 0.000000e+00 : f32
      %swap3A_32 = arith.constant 0 : index
      %swap3A_33 = arith.constant 0 : index
      %swap3A_34 = memref.load %arg4[%swap3A_32, %swap3A_33] : memref<1x1xf32, #tpu.memory_space<smem>>
      memref.store %swap3A_31, %arg4[%swap3A_32, %swap3A_33] : memref<1x1xf32, #tpu.memory_space<smem>>
    } else {
    }
    %get3A = arith.constant 0 : index
    %get3A_2 = arith.constant 0 : index
    %get3A_3 = vector.load %arg1[%get3A, %get3A_2] : memref<1000x128xf32, #tpu.memory_space<vmem>>, vector<1000x128xf32>
    %get3A_4 = arith.constant 0 : index
    %get3A_5 = arith.constant 0 : index
    %get3A_6 = vector.load %arg3[%get3A_4, %get3A_5] : memref<128x128xf32, #tpu.memory_space<vmem>>, vector<128x128xf32>
    %dot_general3A = arith.constant dense<0.000000e+00> : vector<128x128xf32>
    %dot_general3A_7 = tpu.matmul %get3A_3, %get3A_3, %dot_general3A {dimension_numbers = #tpu.dot_dimension_numbers<[0], [0], [1], [1], [0, 1, 1, 1], [], []>, transpose_lhs_hint = false} : vector<1000x128xf32>, vector<1000x128xf32>, vector<128x128xf32> -> vector<128x128xf32>
    %add3A = arith.addf %get3A_6, %dot_general3A_7 : vector<128x128xf32>
    %swap3A = arith.constant 0 : index
    %swap3A_8 = arith.constant 0 : index
    %swap3A_9 = vector.load %arg3[%swap3A, %swap3A_8] : memref<128x128xf32, #tpu.memory_space<vmem>>, vector<128x128xf32>
    tpu.vector_store %arg3[%swap3A, %swap3A_8], %add3A {strides = array<i32>} : memref<128x128xf32, #tpu.memory_space<vmem>>, vector<128x128xf32>,
    %mul3A = arith.mulf %get3A_3, %get3A_3 : vector<1000x128xf32>
    %reduce_sum3A = arith.constant dense<0.000000e+00> : vector<1000xf32>
    %reduce_sum3A_10 = vector.multi_reduction <add>, %mul3A, %reduce_sum3A [1] : vector<1000x128xf32> to vector<1000xf32>
    %get3A_11 = arith.index_cast %arg0 : i32 to index
    %get3A_12 = arith.constant 0 : index
    %get3A_13 = vector.load %arg2[%get3A_11, %get3A_12] : memref<10x1000xf32, #tpu.memory_space<vmem>>, vector<1x1000xf32>
    %get3A_14 = arith.constant 0 : index
    %get3A_15 = arith.constant 0 : index
    %get3A_16 = memref.load %arg4[%get3A_14, %get3A_15] : memref<1x1xf32, #tpu.memory_space<smem>>
    %squeeze3A = vector.shape_cast %get3A_13 : vector<1x1000xf32> to vector<1000xf32>
    %mul3A_17 = arith.mulf %squeeze3A, %reduce_sum3A_10 : vector<1000xf32>
    %reduce_sum3A_18 = vector.shape_cast %mul3A_17 : vector<1000xf32> to vector<1x1000xf32>
    %reduce_sum3A_19 = arith.constant dense<0.000000e+00> : vector<1xf32>
    %reduce_sum3A_20 = vector.multi_reduction <add>, %reduce_sum3A_18, %reduce_sum3A_19 [1] : vector<1x1000xf32> to vector<1xf32>
    %reduce_sum3A_21 = vector.shape_cast %reduce_sum3A_20 : vector<1xf32> to vector<1x1xf32>
    %reduce_sum3A_22 = vector.extract %reduce_sum3A_21[0, 0] : f32 from vector<1x1xf32>
    %add3A_23 = arith.addf %get3A_16, %reduce_sum3A_22 : f32
    %swap3A_24 = arith.constant 0 : index
    %swap3A_25 = arith.constant 0 : index
    %swap3A_26 = memref.load %arg4[%swap3A_24, %swap3A_25] : memref<1x1xf32, #tpu.memory_space<smem>>
    memref.store %add3A_23, %arg4[%swap3A_24, %swap3A_25] : memref<1x1xf32, #tpu.memory_space<smem>>
    return
  }
  func.func @transform_0(%arg0: i32) -> (i32, i32) {
    %c0_i32 = arith.constant 0 : i32
    %c0_i32_0 = arith.constant 0 : i32
    return %arg0, %c0_i32 : i32, i32
  }
  func.func @transform_1(%arg0: i32) -> (i32, i32) {
    %c0_i32 = arith.constant 0 : i32
    %c0_i32_0 = arith.constant 0 : i32
    %c0_i32_1 = arith.constant 0 : i32
    return %c0_i32, %c0_i32_0 : i32, i32
  }
  func.func @transform_2(%arg0: i32) -> (i32, i32) {
    %c0_i32 = arith.constant 0 : i32
    %c0_i32_0 = arith.constant 0 : i32
    %c0_i32_1 = arith.constant 0 : i32
    return %c0_i32, %c0_i32_0 : i32, i32
  }
  func.func @transform_3(%arg0: i32) -> (i32, i32) {
    %c0_i32 = arith.constant 0 : i32
    %c0_i32_0 = arith.constant 0 : i32
    %c0_i32_1 = arith.constant 0 : i32
    return %c0_i32, %c0_i32_0 : i32, i32
  }
}

module attributes {stable_mosaic.version = 14 : i64} {
  func.func @_pack_body(%arg0: i32, %arg1: memref<1000x128xf32, #tpu.memory_space<vmem>>, %arg2: memref<1000x128xi32, #tpu.memory_space<vmem>>) attributes {dimension_semantics = [#tpu.dimension_semantics<arbitrary>], iteration_bounds = array<i64: 10>, scalar_prefetch = 0 : i64, scratch_operands = 0 : i64, tpu.core_type = #tpu.core_type<tc>, window_params = [{transform_indices = @transform_0, window_bounds = array<i64: 1000, 128>}, {transform_indices = @transform_1, window_bounds = array<i64: 1000, 128>}]} {
    %get3A = arith.constant 0 : index
    %get3A_0 = arith.constant 0 : index
    %get3A_1 = vector.load %arg1[%get3A, %get3A_0] : memref<1000x128xf32, #tpu.memory_space<vmem>>, vector<1000x128xf32>
    %bitcast_convert_type3A = tpu.bitcast %get3A_1 : vector<1000x128xf32> -> vector<1000x128xi32>
    %shift_right_logical3A = arith.constant 16 : i32
    %shift_right_logical3A_2 = vector.broadcast %shift_right_logical3A : i32 to vector<1000x128xi32>
    %shift_right_logical3A_3 = arith.shrui %bitcast_convert_type3A, %shift_right_logical3A_2 : vector<1000x128xi32>
    %and3A = arith.constant 1 : i32
    %and3A_4 = vector.broadcast %and3A : i32 to vector<1000x128xi32>
    %and3A_5 = arith.andi %shift_right_logical3A_3, %and3A_4 : vector<1000x128xi32>
    %add3A = arith.constant 32767 : i32
    %add3A_6 = vector.broadcast %add3A : i32 to vector<1000x128xi32>
    %add3A_7 = arith.addi %bitcast_convert_type3A, %add3A_6 : vector<1000x128xi32>
    %add3A_8 = arith.addi %add3A_7, %and3A_5 : vector<1000x128xi32>
    %shift_right_logical3A_9 = arith.constant 16 : i32
    %shift_right_logical3A_10 = vector.broadcast %shift_right_logical3A_9 : i32 to vector<1000x128xi32>
    %shift_right_logical3A_11 = arith.shrui %add3A_8, %shift_right_logical3A_10 : vector<1000x128xi32>
    %slice3A = vector.extract_strided_slice %shift_right_logical3A_11 {offsets = [0, 64], sizes = [1000, 64], strides = [1, 1]} : vector<1000x128xi32> to vector<1000x64xi32>
    %shift_left3A = arith.constant 16 : i32
    %shift_left3A_12 = vector.broadcast %shift_left3A : i32 to vector<1000x64xi32>
    %shift_left3A_13 = arith.shli %slice3A, %shift_left3A_12 : vector<1000x64xi32>
    %slice3A_14 = vector.extract_strided_slice %shift_right_logical3A_11 {offsets = [0, 0], sizes = [1000, 64], strides = [1, 1]} : vector<1000x128xi32> to vector<1000x64xi32>
    %or3A = arith.ori %shift_left3A_13, %slice3A_14 : vector<1000x64xi32>
    %swap3A = arith.constant 0 : index
    %swap3A_15 = arith.constant 0 : index
    %swap3A_16 = vector.load %arg2[%swap3A, %swap3A_15] : memref<1000x128xi32, #tpu.memory_space<vmem>>, vector<1000x64xi32>
    tpu.vector_store %arg2[%swap3A, %swap3A_15], %or3A {strides = array<i32>} : memref<1000x128xi32, #tpu.memory_space<vmem>>, vector<1000x64xi32>,
    return
  }
  func.func @transform_0(%arg0: i32) -> (i32, i32) {
    %c0_i32 = arith.constant 0 : i32
    %c0_i32_0 = arith.constant 0 : i32
    return %arg0, %c0_i32 : i32, i32
  }
  func.func @transform_1(%arg0: i32) -> (i32, i32) {
    %c0_i32 = arith.constant 0 : i32
    %c0_i32_0 = arith.constant 0 : i32
    return %arg0, %c0_i32 : i32, i32
  }
}

module attributes {stable_mosaic.version = 14 : i64} {
  func.func @_combine_body(%arg0: memref<128x128xf32, #tpu.memory_space<vmem>>, %arg1: memref<8x128xf32, #tpu.memory_space<vmem>>, %arg2: memref<1x1xf32, #tpu.memory_space<smem>>, %arg3: memref<1x1xf32, #tpu.memory_space<smem>>) attributes {dimension_semantics = [], scalar_prefetch = 0 : i64, scratch_operands = 0 : i64, tpu.core_type = #tpu.core_type<tc>} {
    %get3A = arith.constant 0 : index
    %get3A_0 = arith.constant 0 : index
    %get3A_1 = vector.load %arg0[%get3A, %get3A_0] : memref<128x128xf32, #tpu.memory_space<vmem>>, vector<128x128xf32>
    %get3A_2 = arith.constant 0 : index
    %get3A_3 = arith.constant 0 : index
    %get3A_4 = vector.load %arg1[%get3A_2, %get3A_3] : memref<8x128xf32, #tpu.memory_space<vmem>>, vector<8x128xf32>
    %slice3A = vector.extract_strided_slice %get3A_4 {offsets = [0, 0], sizes = [8, 64], strides = [1, 1]} : vector<8x128xf32> to vector<8x64xf32>
    %reduce_sum3A = vector.shape_cast %slice3A : vector<8x64xf32> to vector<1x8x64xf32>
    %reduce_sum3A_5 = arith.constant dense<0.000000e+00> : vector<1xf32>
    %reduce_sum3A_6 = vector.multi_reduction <add>, %reduce_sum3A, %reduce_sum3A_5 [1, 2] : vector<1x8x64xf32> to vector<1xf32>
    %reduce_sum3A_7 = vector.shape_cast %reduce_sum3A_6 : vector<1xf32> to vector<1x1x1xf32>
    %reduce_sum3A_8 = vector.extract %reduce_sum3A_7[0, 0, 0] : f32 from vector<1x1x1xf32>
    %get3A_9 = arith.constant 0 : index
    %get3A_10 = arith.constant 0 : index
    %get3A_11 = memref.load %arg2[%get3A_9, %get3A_10] : memref<1x1xf32, #tpu.memory_space<smem>>
    %mul3A = arith.mulf %get3A_1, %get3A_1 : vector<128x128xf32>
    %reduce_sum3A_12 = vector.shape_cast %mul3A : vector<128x128xf32> to vector<1x128x128xf32>
    %reduce_sum3A_13 = arith.constant dense<0.000000e+00> : vector<1xf32>
    %reduce_sum3A_14 = vector.multi_reduction <add>, %reduce_sum3A_12, %reduce_sum3A_13 [1, 2] : vector<1x128x128xf32> to vector<1xf32>
    %reduce_sum3A_15 = vector.shape_cast %reduce_sum3A_14 : vector<1xf32> to vector<1x1x1xf32>
    %reduce_sum3A_16 = vector.extract %reduce_sum3A_15[0, 0, 0] : f32 from vector<1x1x1xf32>
    %sqrt3A = math.sqrt %reduce_sum3A_16 : f32
    %iota3A = tpu.iota {dimensions = array<i32: 0>} : vector<128x128xi32>
    %iota3A_17 = tpu.iota {dimensions = array<i32: 1>} : vector<128x128xi32>
    %eq3A = arith.cmpi eq, %iota3A, %iota3A_17 : vector<128x128xi32>
    %jit3A = arith.constant 1.000000e+00 : f32
    %jit3A_18 = arith.constant 0.000000e+00 : f32
    %broadcast_in_dim3A = vector.broadcast %jit3A : f32 to vector<128x128xf32>
    %broadcast_in_dim3A_19 = vector.broadcast %jit3A_18 : f32 to vector<128x128xf32>
    %select_n3A = arith.select %eq3A, %broadcast_in_dim3A, %broadcast_in_dim3A_19 : vector<128x128xi1>, vector<128x128xf32>
    %div3A = vector.broadcast %sqrt3A : f32 to vector<128x128xf32>
    %div3A_20 = arith.divf %get3A_1, %div3A : vector<128x128xf32>
    %sqrt3A_21 = arith.constant 1.280000e+02 : f32
    %sqrt3A_22 = math.sqrt %sqrt3A_21 : f32
    %div3A_23 = vector.broadcast %sqrt3A_22 : f32 to vector<128x128xf32>
    %div3A_24 = arith.divf %select_n3A, %div3A_23 : vector<128x128xf32>
    %sub3A = arith.subf %div3A_20, %div3A_24 : vector<128x128xf32>
    %mul3A_25 = arith.mulf %sub3A, %sub3A : vector<128x128xf32>
    %reduce_sum3A_26 = vector.shape_cast %mul3A_25 : vector<128x128xf32> to vector<1x128x128xf32>
    %reduce_sum3A_27 = arith.constant dense<0.000000e+00> : vector<1xf32>
    %reduce_sum3A_28 = vector.multi_reduction <add>, %reduce_sum3A_26, %reduce_sum3A_27 [1, 2] : vector<1x128x128xf32> to vector<1xf32>
    %reduce_sum3A_29 = vector.shape_cast %reduce_sum3A_28 : vector<1xf32> to vector<1x1x1xf32>
    %reduce_sum3A_30 = vector.extract %reduce_sum3A_29[0, 0, 0] : f32 from vector<1x1x1xf32>
    %sqrt3A_31 = math.sqrt %reduce_sum3A_30 : f32
    %div3A_32 = arith.divf %reduce_sum3A_8, %get3A_11 : f32
    %neg3A = arith.constant 0.000000e+00 : f32
    %neg3A_33 = arith.subf %neg3A, %div3A_32 : f32
    %add3A = arith.addf %neg3A_33, %sqrt3A_31 : f32
    %swap3A = arith.constant 0 : index
    %swap3A_34 = arith.constant 0 : index
    %swap3A_35 = memref.load %arg3[%swap3A, %swap3A_34] : memref<1x1xf32, #tpu.memory_space<smem>>
    memref.store %add3A, %arg3[%swap3A, %swap3A_34] : memref<1x1xf32, #tpu.memory_space<smem>>
    return
  }
}

</mosaic_0001>

<sc_bundles>
// kernel: kernel.6.cloned.1.call-start
scs
__scs_entry_jumppad:
0x0: {  	(pc) =	sbr.rel $0x88, $3  }
0x1: {  	(tag) =	ssettag $0x0;
	lr =	simm.s32 $0x1  }
0x2: {  	[smem:$0x3F9D] =	sst lr;
	_ =	strace $0xD0000000  }
0x3: {  	_ = 	snop  }
0x4: {  	_ = 	snop  }
0x5: {  	_ = 	snop  }
0x6: {  	_ = 	snop  }
0x7: {  	_ = 	snop  }
__scs_overlays_trampoline_lowered:
0x8: {  	[smem:$0x3FAC] =	sst s0  }
0x9: {  	[smem:$0x3FAD] =	sst s1  }
0xa: {  	[smem:$0x3FAE] =	sst s2  }
0xb: {  	[smem:$0x3FAF] =	sst s3  }
0xc: {  	[smem:$0x3FB0] =	sst s4  }
0xd: {  	[smem:$0x3FB1] =	sst s5  }
0xe: {  	[smem:$0x3FB2] =	sst s6  }
0xf: {  	[smem:$0x3FB3] =	sst s7  }
0x10: {  	[smem:$0x3FB4] =	sst s8  }
0x11: {  	[smem:$0x3FB5] =	sst s9;
	s0 =	simm.s32 @!p0 $0x0  }
0x12: {  	s1 =	sld [smem:$0x3F9B];
	s0 =	simm.s32 @p0 $0x1  }
0x13: {  	[smem:$0x3FB6] =	sst s0;
	s0 =	simm.s32 @!p1 $0x0  }
0x14: {  	s2 =	sld [smem:$0x3F9A];
	s0 =	simm.s32 @p1 $0x1  }
0x15: {  	[smem:$0x3FB7] =	sst s0;
	s0 =	simm.s32 @!p2 $0x0  }
0x16: {  	s3 =	sld [smem:$0x3FDB];
	s0 =	simm.s32 @p2 $0x1  }
0x17: {  	s4 =	simm.s32 $0x1BF5;
	[smem:$0x3FB9] =	sst s0  }
0x18: {  	s0 =	sld [smem:$0x3F9C];
	_ =	swait.ge [sflag:s4], $0x0  }
0x19: {  	s7 =	sld [smem:$0x3F9D]  }
0x1a: {  	s8 =	sadd.s32 $0xFFFFE003, lr  }
0x1b: {  	s9 =	sadd.s32 $0xFFFFFEF7, lr;
	s5 =	simm.s32 $0xFFFFFFFF;
	p2 =	slt.u32 s8, $0xFFFFF086  }
0x1c: {  	p1 =	slt.u32 s9, $0xF7A;
	s5 =	simm.s32 @!p2 $0x0  }
0x1d: {  	s5 =	simm.s32 @p1 $0x1;
	p0 =	seq.s32 s7, s2  }
0x1e: {  	s7 =	smul.u32 @!p0 $0xF7A, s2;
	p2 =	seq.s32 @!p0 s5, $0x0  }
0x1f: {  	s9 =	smul.u32 $0xF7A, s1;
	s8 =	simm.s32 @!p0 $0x1BF5;
	p2 =	por !p2, p0  }
0x20: {  	[sflag:s8] =	ssyncset.s32 @!p0 $0xFFFFF086;
	s6 =	sadd.s32 @!p0 s3, s7;
	s7 =	simm.s32 @!p0 $0x108  }
0x21: {  	s3 =	sadd.s32 s3, s9;
	s6 =	sadd.s32 @!p0 $0x88, s6;
	s7 =	simm.s32 @p2 $0x1082  }
0x22: {  	[simem:s7], [sflag:s8] =	dma.local @!p0 [hbm:s6], $0xF7A  }
0x23: {  	s9 =	sor.u32 $0xD0000000, s2;
	s6 =	simm.s32 $0x108;
	_ =	swait.ge @!p0 [sflag:s8], $0x0  }
0x24: {  	s3 =	sadd.s32 $0x88, s3;
	s6 =	simm.s32 @!p1 $0x1082;
	[sflag:s4] =	ssyncset.s32 $0xFFFFF086  }
0x25: {  	[simem:s6], [sflag:s4] =	dma.local [hbm:s3], $0xF7A  }
0x26: {  	[smem:$0x3F9D] =	sst s1;
	(tag) =	ssettag s2;
	_ =	strace s9  }
0x27: {  	s1 =	sld [smem:$0x3FAD]  }
0x28: {  	s2 =	sld [smem:$0x3FAE]  }
0x29: {  	s4 =	sld [smem:$0x3FB0]  }
0x2a: {  	p0 =	seq.s32 s5, $0x0;
	s5 =	sld [smem:$0x3FB1]  }
0x2b: {  	s6 =	sld [smem:$0x3FB2]  }
0x2c: {  	s7 =	sld [smem:$0x3FB3]  }
0x2d: {  	s3 =	simm.s32 $0x108;
	s8 =	sld [smem:$0x3FB4]  }
0x2e: {  	s3 =	simm.s32 @!p0 $0x1082;
	s9 =	sld [smem:$0x3FB5]  }
0x2f: {  	lr =	sadd.s32 s0, s3;
	s0 =	sld [smem:$0x3FAC]  }
0x30: {  	s3 =	sld [smem:$0x3FAF]  }
0x31: {  	[smem:$0x3FB8] =	sst s10  }
0x32: {  	s10 =	sld [smem:$0x3FB6];
	_ =	sdelay $0x3  }
0x33: {  	p0 =	seq.s32 s10, $0x1;
	s10 =	sld [smem:$0x3FB8];
	_ =	sdelay $0x3  }
0x34: {  	[smem:$0x3FB8] =	sst s10  }
0x35: {  	s10 =	sld [smem:$0x3FB7];
	_ =	sdelay $0x3  }
0x36: {  	p1 =	seq.s32 s10, $0x1;
	s10 =	sld [smem:$0x3FB8];
	_ =	sdelay $0x3  }
0x37: {  	[smem:$0x3FB8] =	sst s10  }
0x38: {  	s10 =	sld [smem:$0x3FB9]  }
0x39: {  	_ = 	snop;
	(pc) =	sbr.ind lr, $3  }
0x3a: {  	_ = 	snop  }
0x3b: {  	_ = 	snop  }
0x3c: {  	p2 =	seq.s32 s10, $0x1;
	s10 =	sld [smem:$0x3FB8]  }
0x3d: {  	_ =	shalt  }
0x3e: {  	_ =	shalt  }
0x3f: {  	_ =	shalt  }
0x40: {  	_ =	shalt  }
0x41: {  	_ =	shalt  }
0x42: {  	_ =	shalt  }
0x43: {  	_ =	shalt  }
0x44: {  	_ =	shalt  }
0x45: {  	_ =	shalt  }
0x46: {  	_ =	shalt  }
0x47: {  	_ =	shalt  }
0x48: {  	_ =	shalt  }
0x49: {  	_ =	shalt  }
0x4a: {  	_ =	shalt  }
0x4b: {  	_ =	shalt  }
0x4c: {  	_ =	shalt  }
0x4d: {  	_ =	shalt  }
0x4e: {  	_ =	shalt  }
0x4f: {  	_ =	shalt  }
0x50: {  	_ =	shalt  }
0x51: {  	_ =	shalt  }
0x52: {  	_ =	shalt  }
0x53: {  	_ =	shalt  }
0x54: {  	_ =	shalt  }
0x55: {  	_ =	shalt  }
0x56: {  	_ =	shalt  }
0x57: {  	_ =	shalt  }
0x58: {  	_ =	shalt  }
0x59: {  	_ =	shalt  }
0x5a: {  	_ =	shalt  }
0x5b: {  	_ =	shalt  }
0x5c: {  	_ =	shalt  }
0x5d: {  	_ =	shalt  }
0x5e: {  	_ =	shalt  }
0x5f: {  	_ =	shalt  }
0x60: {  	_ =	shalt  }
0x61: {  	_ =	shalt  }
0x62: {  	_ =	shalt  }
0x63: {  	_ =	shalt  }
0x64: {  	_ =	shalt  }
0x65: {  	_ =	shalt  }
0x66: {  	_ =	shalt  }
0x67: {  	_ =	shalt  }
0x68: {  	_ =	shalt  }
0x69: {  	_ =	shalt  }
0x6a: {  	_ =	shalt  }
0x6b: {  	_ =	shalt  }
0x6c: {  	_ =	shalt  }
0x6d: {  	_ =	shalt  }
0x6e: {  	_ =	shalt  }
0x6f: {  	_ =	shalt  }
0x70: {  	_ =	shalt  }
0x71: {  	_ =	shalt  }
0x72: {  	_ =	shalt  }
0x73: {  	_ =	shalt  }
0x74: {  	_ =	shalt  }
0x75: {  	_ =	shalt  }
0x76: {  	_ =	shalt  }
0x77: {  	_ =	shalt  }
0x78: {  	_ =	shalt  }
0x79: {  	_ =	shalt  }
0x7a: {  	_ =	shalt  }
0x7b: {  	_ =	shalt  }
0x7c: {  	_ =	shalt  }
0x7d: {  	_ =	shalt  }
0x7e: {  	_ =	shalt  }
0x7f: {  	_ =	shalt  }
0x80: {  	_ =	shalt  }
0x81: {  	_ =	shalt  }
0x82: {  	_ =	shalt  }
0x83: {  	_ =	shalt  }
0x84: {  	_ =	shalt  }
0x85: {  	_ =	shalt  }
0x86: {  	_ =	shalt  }
0x87: {  	_ =	shalt  }
.Lfunc_end0:
.L_simem_size_0:
called_computation_lowered:
.L_overlay_start_0:
0x88: {  	s2 =	sld [smem:$0x3FD9]  }
0x89: {  	s3 =	sld [smem:$0x3FFE];
	_ =	sdelay $0x1  }
0x8a: {  	s1 =	srdreg.scid  }
0x8b: {  	s0 =	sand.u32 $0x1, s1  }
0x8c: {  	s17 =	sshll.u32 s0, $0xA;
	s2 =	sadd.s32 s3, s2  }
0x8d: {  	s2 =	sadd.s32 s2, s17  }
0x8e: {  	[smem:$0x3FC4] =	sst s2  }
0x8f: {  	_ = 	snop  }
0x90: {  	s2 =	sld [smem:$0x3FC7];
	(tm) =	ssettm $0x1  }
0x91: {  	s18 =	sld [smem:$0x3FFB];
	_ =	sdelay $0x3  }
0x92: {  	_ =	strace s18  }
0x93: {  	s3 =	sld [smem:$0x3FFC];
	_ =	sdelay $0x3  }
0x94: {  	_ =	strace s3  }
0x95: {  	s3 =	sld [smem:$0x3FFD];
	_ =	sdelay $0x3  }
0x96: {  	_ =	strace s3  }
0x97: {  	_ =	strace $0x8FFFFFFF  }
0x98: {  	s19 =	sld [smem:$0x3FDB];
	_ =	sdelay $0x1  }
0x99: {  	s4 =	simm.s32 $_scs_section_size  }
0x9a: {  	s5 =	simm.s32 $_size__tile_overlayer_lowered;
	s6 =	simm.s32 $_tile_overlayer_lowered  }
0x9b: {  	s22 =	simm.s32 $0x1BFF;
	s21 =	sshll.u32 s6, $0x1;
	s3 =	sadd.s32 s4, s19  }
0x9c: {  	s7 =	simm.s32 $0x0;
	s20 =	sshll.u32 s5, $0x1;
	s5 =	sadd.s32 s21, s3  }
0x9d: {  	[timem:s7], [sflag:s22] =	dma.local [hbm:s5], s20  }
0x9e: {  	_ =	swait.ge [sflag:s22], s20  }
0x9f: {  	s4 =	ssub.s32 $0x0, s20;
	[sflag:s22] =	ssyncset.done $0x0  }
0xa0: {  	[sflag:s22] =	ssyncadd.s32 s4;
	_ =	sdelay $0x1  }
0xa1: {  	s23 =	simm.s32 $0x1B8B  }
0xa2: {  	_ =	swait.ge [sflag:s23], $0x1  }
0xa3: {  	[sflag:s23] =	ssyncset.done $0x0  }
0xa4: {  	s25 =	simm.s32 $0x1B8E;
	s24 =	sld [smem:$0x3FFE];
	[sflag:s23] =	ssyncadd.s32 $0xFFFFFFFF  }
0xa5: {  	s26 =	simm.s32 $execute0_lowered;
	[smem:$0x3FD2] =	sst s25  }
0xa6: {  	s5 =	sshll.u32 s26, $0x1;
	_ =	strace $0x80000046;
	[dreg:$0x1] =	wrdreg $0xFFFFFFFF  }
0xa7: {  	s28 =	simm.s32 $_size_execute0_lowered;
	s3 =	sadd.s32 s3, s5;
	[dreg:$0x0] =	wrdreg $0x0  }
0xa8: {  	s5 =	sshll.u32 s28, $0x1;
	[dreg:$0x2] =	wrdreg s3  }
0xa9: {  	[dreg:$0x3] =	wrdreg s5  }
0xaa: {  	[dreg:$0x4] =	wrdreg $0xC0  }
0xab: {  	_ =	task [dreg:s7], $0x5FFFF  }
0xac: {  	[dreg:$0x1] =	wrdreg $0xFFFFFFFF  }
0xad: {  	[dreg:$0x0] =	wrdreg $0x60  }
0xae: {  	[dreg:$0x2] =	wrdreg s24  }
0xaf: {  	[dreg:$0x3] =	wrdreg s2  }
0xb0: {  	[dreg:$0x4] =	wrdreg $0xD9400  }
0xb1: {  	[dreg:$0x5] =	wrdreg $0x9  }
0xb2: {  	_ =	task.clear_ibuf [dreg:s7], $0x6FFFF;
	_ =	strace $0x90000046  }
0xb3: {  	s29 =	simm.s32 $0x9;
	_ =	strace $0x80000048  }
0xb4: {  	_ =	swait.ge [sflag:s29], $0x1  }
0xb5: {  	[sflag:s29] =	ssyncadd.s32 $0xFFFFFFFF  }
0xb6: {  	_ =	strace $0x90000048  }
0xb7: {  	_ =	sfence  }
0xb8: {  	s30 =	sld [smem:$0x0];
	_ =	sdelay $0x2  }
0xb9: {  	s31 =	sshll.u32 s1, $0xD;
	s1 =	sshrl.u32 s1, $0x2  }
0xba: {  	s3 =	sand.u32 $0x4000, s31;
	s1 =	sadd.s32 s1, s30  }
0xbb: {  	s0 =	sor.u32 s3, s0;
	s1 =	sshll.u32 s1, $0x11  }
0xbc: {  	s0 =	sor.u32 s1, s0  }
0xbd: {  	s0 =	sadd.s32 $0x8F2B, s0  }
0xbe: {  	[sflag:s0] =	ssyncadd.remote.s32 $0x1  }
0xbf: {  	_ =	sfence.sel $0xFFFF  }
0xc0: {  	[dreg:$0x0] =	wrdreg $0xFFFFFFFF;
	(pc) =	sbr.abs _section_cstart, $3  }
0xc1: {  	[dreg:$0x1] =	wrdreg $0xFFFFFFFF  }
0xc2: {  	_ =	task.clear_ibuf [dreg:s7], $0x2FFFF;
	_ =	strace $0x9FFFFFFF  }
0xc3: {  	(tm) =	ssettm $0x7FFFFFFF  }
tec
execute0_lowered:
.L_overlay_start_1:
0x0: {  	(tag) =	ssettag $0x1  }
0x1: {  	s0 =	rddreg [dreg:$0x0]  }
0x2: {  	s1 =	rddreg [dreg:$0x1];
	s3 =	srdreg.scid  }
0x3: {  	s10 =	stileid.u32;
	s2 =	rddreg [dreg:$0x2]  }
0x4: {  	s12 =	simm.s32 $0x1;
	s13 =	simm.s32 $0x8;
	s15 =	simm.s32 $0xB  }
0x5: {  	s17 =	simm.s32 $0x4E20;
	s18 =	simm.s32 $0x28;
	s14 =	simm.s32 $0xC530  }
0x6: {  	s20 =	simm.s32 $0xCF30;
	s21 =	simm.s32 $0x2;
	s28 =	simm.s32 $0x9  }
0x7: {  	s29 =	simm.s32 $0xA;
	s31 =	simm.s32 $0x0;
	s4 =	sand.u32 $0x1, s3  }
0x8: {  	s5 =	sshll.u32 s10, $0x1;
	s3 =	simm.s32 $0x0;
	s8 =	smul.u32 $0x2710, s10  }
0x9: {  	s7 =	sshll.u32 s10, $0x2;
	s9 =	smul.u32 $0x27100, s10;
	s25 =	sshll.u32 s10, $0x6  }
0xa: {  	s5 =	sor.u32 s4, s5;
	[smem:$0x7FF] =	sst s3;
	s4 =	ssub.s32 $0x2, s4  }
0xb: {  	s26 =	sor.u32 $0x1C0B, s25;
	s25 =	simm.s32 $0x6;
	s6 =	smul.u32 $0x2710, s5  }
0xc: {  	_ =	strace $0x80000047;
	s5 =	sshll.u32 s5, $0x7;
	s8 =	sadd.s32 s8, s0  }
0xd: {  	s23 =	sshrl.u32 s4, $0x1;
	s9 =	sshrl.u32 s9, $0x2;
	[dreg:$0x5] =	wrdreg s26  }
0xe: {  	s26 =	simm.s32 $0x7;
	s5 =	sor.u32 s7, s5;
	s4 =	ssub.s32 s4, s23  }
0xf: {  	s24 =	sadd.s32 s9, s2;
	s8 =	sadd.s32 $0x14800, s8;
	s23 =	simm.s32 $0x4  }
0x10: {  	s6 =	sshrl.u32 s6, $0x3;
	s5 =	sand.u32 $0x3B0, s5;
	[dreg:$0x4] =	wrdreg s8  }
.Ltmp0:
0x11: {  	s10 =	smax.u32 s4, $0x1;
	s11 =	sshrl.u32 s24, $0x3;
	(pc) =	sbr.rel .LBB2_1-.Ltmp0, $4  }
0x12: {  	s24 =	simm.s32 $0x5;
	s22 =	sadd.s32 s6, s0;
	s1 =	sadd.s32 s1, s6  }
0x13: {  	s5 =	sshrl.u32 s5, $0x3;
	s30 =	sadd.s32 $0xE00, s22;
	[dreg:$0x8] =	wrdreg s1  }
0x14: {  	s0 =	sadd.s32 s5, s0;
	s7 =	sadd.s32 $0xAA40, s22;
	[dreg:$0x6] =	wrdreg s30  }
0x15: {  	v0 =	vimm.f32 $0.0e+00;
	s22 =	simm.s32 $0x3;
	[dreg:$0x7] =	wrdreg s7;
	s9 =	sadd.s32 $0x3BA00, s0  }
.LBB2_14:
0x16: {  	s31 =	sadd.s32 $0x1, s31  }
0x17: {  	p0 =	sne.s32 s31, s10  }
.Ltmp1:
0x18: {  	s0 =	simm.s32 $0xD930;
	(pc) =	sbr.rel @!p0 .LBB2_15-.Ltmp1, $4  }
0x19: {  	[hbm4b:s9+s3] =	stream.linear.scatter [tilespmem:s0], [sflag:$0xB], $0x10, $0x38;
	[tilespmem:$0x17580] =	vst v63  }
0x1a: {  	_ =	swait.ge [sflag:s15], $0x10  }
0x1b: {  	[sflag:s15] =	ssyncset.done $0x0  }
0x1c: {  	[sflag:s15] =	ssyncadd.s32 $0xFFFFFFF0  }
.LBB2_1:
0x1d: {  	s0 =	rddreg [dreg:$0x4]  }
0x1e: {  	s1 =	rddreg [dreg:$0x5];
	s4 =	simm.s32 $0x10  }
0x1f: {  	[spmem:s11@s13], [sflag:s1] =	dma.strided [hbm:s0@s4], $0x1388, s12, $0x8   }
0x20: {  	_ =	swait.ge [sflag:s15], $0x1388  }
0x21: {  	[sflag:s15] =	ssyncset.done $0x0  }
0x22: {  	s16 =	rddreg [dreg:$0x6];
	[sflag:s15] =	ssyncadd.s32 $0xFFFFEC78  }
0x23: {  	[tilespmem:s3], [sflag:$0xB] =	stream.linear.gather [hbm4b:s16+s3], $0x2710, $0x38;
	[tilespmem:$0x17580] =	vst v63  }
0x24: {  	_ =	swait.ge [sflag:s15], $0x2710  }
0x25: {  	[sflag:s15] =	ssyncset.done $0x0  }
0x26: {  	s30 =	simm.s32 $0x2710;
	s19 =	rddreg [dreg:$0x7];
	[sflag:s15] =	ssyncadd.s32 $0xFFFFD8F0  }
0x27: {  	[tilespmem:s30], [sflag:$0xB] =	stream.linear.gather [hbm4b:s19+s3], $0x2710, $0x38;
	[tilespmem:$0x17580] =	vst v63  }
0x28: {  	_ =	swait.ge [sflag:s15], $0x2710  }
0x29: {  	[sflag:s15] =	ssyncset.done $0x0  }
0x2a: {  	s4 =	rddreg [dreg:$0x8];
	[sflag:s15] =	ssyncadd.s32 $0xFFFFD8F0  }
0x2b: {  	[tilespmem:s17], [sflag:$0xB] =	stream.linear.gather [hbm4b:s4+s3], $0x2710, $0x38;
	[tilespmem:$0x17580] =	vst v63  }
0x2c: {  	_ =	swait.ge [sflag:s15], $0x2710  }
0x2d: {  	[sflag:s15] =	ssyncset.done $0x0  }
0x2e: {  	[sflag:s15] =	ssyncadd.s32 $0xFFFFD8F0  }
0x2f: {  	[tilespmem:$0xD930] =	vst v0  }
0x30: {  	s5 =	simm.s32 $0x7530;
	[bflag:$0x0] =	sbarrier.arrive $0xFFFF  }
0x31: {  	[tilespmem:s5], [sflag:$0x1] =	stream.indirect.gather [spmem:s2], $0x40, s3, s18, $0xb8;
	[tilespmem:$0x17580] =	vst v63  }
0x32: {  	s6 =	simm.s32 $0x7F30  }
0x33: {  	[tilespmem:s6], [sflag:$0x2] =	stream.indirect.gather [spmem:s2], $0x40, s30, s18, $0xb8;
	[tilespmem:$0x17580] =	vst v63  }
0x34: {  	s7 =	simm.s32 $0x8930  }
0x35: {  	[tilespmem:s7], [sflag:$0x3] =	stream.indirect.gather [spmem:s2], $0x40, s18, s18, $0xb8;
	[tilespmem:$0x17580] =	vst v63  }
0x36: {  	s8 =	simm.s32 $0x2738;
	s16 =	simm.s32 $0x9330  }
0x37: {  	[tilespmem:s16], [sflag:$0x4] =	stream.indirect.gather [spmem:s2], $0x40, s8, s18, $0xb8;
	[tilespmem:$0x17580] =	vst v63  }
0x38: {  	s19 =	simm.s32 $0x50;
	s30 =	simm.s32 $0x9D30  }
0x39: {  	[tilespmem:s30], [sflag:$0x5] =	stream.indirect.gather [spmem:s2], $0x40, s19, s18, $0xb8;
	[tilespmem:$0x17580] =	vst v63  }
0x3a: {  	s4 =	simm.s32 $0x2760;
	s5 =	simm.s32 $0xA730  }
0x3b: {  	[tilespmem:s5], [sflag:$0x6] =	stream.indirect.gather [spmem:s2], $0x40, s4, s18, $0xb8;
	[tilespmem:$0x17580] =	vst v63  }
0x3c: {  	s6 =	simm.s32 $0x78;
	s7 =	simm.s32 $0xB130  }
0x3d: {  	[tilespmem:s7], [sflag:$0x7] =	stream.indirect.gather [spmem:s2], $0x40, s6, s18, $0xb8;
	[tilespmem:$0x17580] =	vst v63  }
0x3e: {  	s8 =	simm.s32 $0x2788;
	s16 =	simm.s32 $0xBB30  }
0x3f: {  	[tilespmem:s16], [sflag:$0x8] =	stream.indirect.gather [spmem:s2], $0x40, s8, s18, $0xb8;
	[tilespmem:$0x17580] =	vst v63  }
0x40: {  	s19 =	simm.s32 $0xA0  }
0x41: {  	[tilespmem:s14], [sflag:$0x9] =	stream.indirect.gather [spmem:s2], $0x40, s19, s18, $0xb8;
	[tilespmem:$0x17580] =	vst v63  }
0x42: {  	s1 =	simm.s32 $0x0;
	s0 =	simm.s32 $0x0;
	s30 =	simm.s32 $0x27B0  }
0x43: {  	[tilespmem:s20], [sflag:$0xA] =	stream.indirect.gather [spmem:s2], $0x40, s30, s18, $0xb8;
	[tilespmem:$0x17580] =	vst v63  }
.LBB2_2:
0x44: {  	_ =	swait.ge [sflag:s12], $0xA00  }
0x45: {  	[sflag:s12] =	ssyncset.done $0x0  }
0x46: {  	[sflag:s12] =	ssyncadd.s32 $0xFFFFF600  }
0x47: {  	_ =	swait.ge [sflag:s21], $0xA00  }
0x48: {  	[sflag:s21] =	ssyncset.done $0x0  }
0x49: {  	s4 =	simm.s32 $0x7FD0;
	[sflag:s21] =	ssyncadd.s32 $0xFFFFF600  }
0x4a: {  	v2 =	vld [tilespmem:s4+$0x60]  }
0x4b: {  	s30 =	simm.s32 $0x75D0;
	v3 =	vld [tilespmem:s4+$0xFFFFFF80]  }
0x4c: {  	v4 =	vld [tilespmem:s30+$0xFFFFFFB0]  }
0x4d: {  	v5 =	vld [tilespmem:s4+$0xFFFFFFB0]  }
0x4e: {  	v6 =	vld [tilespmem:s30+$0xFFFFFF70]  }
0x4f: {  	v10 =	vld [tilespmem:s4+$0x40]  }
0x50: {  	v7 =	vld [tilespmem:s4+$0xFFFFFF70]  }
0x51: {  	v8 =	vld [tilespmem:s30+$0xFFFFFFA0]  }
0x52: {  	v9 =	vld [tilespmem:s4+$0xFFFFFFA0]  }
0x53: {  	v1 =	vld [tilespmem:s4+$0xFFFFFF60]  }
0x54: {  	v11 =	vld [tilespmem:s30+$0xFFFFFF60]  }
0x55: {  	v12 =	vld [tilespmem:s30+$0xFFFFFFE0]  }
0x56: {  	v13 =	vld [tilespmem:s30+$0x0]  }
0x57: {  	v14 =	vld [tilespmem:s4+$0x0]  }
0x58: {  	v15 =	vld [tilespmem:s4+$0xFFFFFFE0]  }
0x59: {  	v17 =	vld [tilespmem:s30+$0xFFFFFFF0]  }
0x5a: {  	s5 =	sadd.s32 $0x0, s1;
	v18 =	vld [tilespmem:s4+$0xFFFFFFF0]  }
0x5b: {  	s16 =	sadd.s32 $0x4, s5;
	v20 =	vld [tilespmem:s30+$0xFFFFFF80]  }
0x5c: {  	v28 =	vmov s5;
	s19 =	sadd.s32 $0x3, s5;
	v26 =	vmov s16;
	v16 =	vld [tilespmem:s4+$0x20];
	v11 =	vmul.bf16 v1, v11  }
0x5d: {  	v35 =	vmov s19;
	v25 =	vld [tilespmem:s4+$0x30];
	v13 =	vmul.bf16 v14, v13;
	v12 =	vmul.bf16 v15, v12  }
0x5e: {  	v30 =	vld [tilespmem:s4+$0x90];
	v1 =	vimm.f32 $0.0e+00;
	v8 =	vmul.bf16 v9, v8;
	v6 =	vmul.bf16 v7, v6  }
0x5f: {  	s6 =	sadd.s32 $0x1, s5;
	v14 =	vld [tilespmem:s30+$0x60];
	v4 =	vmul.bf16 v5, v4;
	v5 =	vmul.bf16 v18, v17;
	v19 =	vunpack.i.l.bf16.f32 v11  }
0x60: {  	v7 =	vld [tilespmem:s4+$0xFFFFFFC0];
	v18 =	vmov s6;
	v3 =	vmul.bf16 v3, v20;
	v9 =	vadd.f32 $0.0e+00, v19  }
0x61: {  	v15 =	vld [tilespmem:s30+$0xFFFFFFC0];
	v11 =	vunpack.i.u.bf16.f32 v11;
	v21 =	vunpack.i.u.bf16.f32 v13;
	v13 =	vunpack.i.l.bf16.f32 v13  }
0x62: {  	v17 =	vld [tilespmem:s30+$0x20];
	v22 =	vunpack.i.l.bf16.f32 v6;
	v6 =	vunpack.i.u.bf16.f32 v6;
	v9 =	vadd.f32 v9, v11  }
0x63: {  	v33 =	vld [tilespmem:s30+$0x10];
	v23 =	vunpack.i.l.bf16.f32 v4;
	v24 =	vunpack.i.u.bf16.f32 v5;
	v27 =	vunpack.i.l.bf16.f32 v3  }
0x64: {  	v20 =	vld [tilespmem:s30+$0xFFFFFF90];
	v29 =	vunpack.i.u.bf16.f32 v4;
	v3 =	vunpack.i.u.bf16.f32 v3;
	v9 =	vadd.f32 v22, v9  }
0x65: {  	v5 =	vunpack.i.l.bf16.f32 v5;
	v19 =	vunpack.i.l.bf16.f32 v12;
	v12 =	vunpack.i.u.bf16.f32 v12;
	v11 =	vld [tilespmem:s4+$0xFFFFFF90]  }
0x66: {  	v28 =	vld.idx.msk [tilespmem:v28+s17+$0x0], $0xffff;
	v19 =	vadd.f32 $0.0e+00, v19;
	v7 =	vmul.bf16 v7, v15;
	v6 =	vadd.f32 v9, v6  }
0x67: {  	v4 =	vld [tilespmem:s30+$0x30];
	v16 =	vmul.bf16 v16, v17;
	v2 =	vmul.bf16 v2, v14;
	v22 =	vunpack.i.l.bf16.f32 v8  }
0x68: {  	v15 =	vld [tilespmem:s30+$0xFFFFFFD0];
	v8 =	vunpack.i.u.bf16.f32 v8;
	v31 =	vunpack.i.u.bf16.f32 v7;
	v6 =	vadd.f32 v27, v6  }
0x69: {  	v32 =	vunpack.i.u.bf16.f32 v16;
	v34 =	vunpack.i.u.bf16.f32 v2;
	v2 =	vunpack.i.l.bf16.f32 v2;
	v9 =	vld [tilespmem:s4+$0xFFFFFFD0]  }
0x6a: {  	v17 =	vld [tilespmem:s30+$0x90];
	v11 =	vmul.bf16 v11, v20;
	v3 =	vadd.f32 v6, v3;
	v6 =	vadd.f32 v19, v12  }
0x6b: {  	v2 =	vadd.f32 $0.0e+00, v2;
	v20 =	vadd.f32 $0.0e+00, v22;
	v22 =	vld [tilespmem:s30+$0x70];
	v27 =	vunpack.i.l.bf16.f32 v7  }
0x6c: {  	v7 =	vunpack.i.l.bf16.f32 v11;
	v12 =	vmul.bf16 v25, v4;
	v5 =	vadd.f32 v5, v6;
	v6 =	vld [tilespmem:s30+$0x40]  }
0x6d: {  	v19 =	vld [tilespmem:s4+$0x70];
	v4 =	vunpack.i.u.bf16.f32 v11;
	v3 =	vadd.f32 v7, v3;
	v7 =	vadd.f32 v20, v8  }
0x6e: {  	v25 =	vmul.bf16 v9, v15;
	v8 =	vunpack.i.l.bf16.f32 v12;
	v9 =	vunpack.i.u.bf16.f32 v12;
	v12 =	vld [tilespmem:s30+$0x50]  }
0x6f: {  	v11 =	vunpack.i.l.bf16.f32 v16;
	v20 =	vld [tilespmem:s30+$0x80];
	v14 =	vadd.f32 v3, v4;
	v3 =	vadd.f32 v23, v7  }
0x70: {  	s5 =	sadd.s32 $0x2, s5;
	v17 =	vmul.bf16 v30, v17;
	v4 =	vld.idx.msk [tilespmem:v18+s17+$0x0], $0xffff;
	v5 =	vadd.f32 v5, v24;
	v23 =	vadd.f32 $0.0e+00, v11  }
0x71: {  	v24 =	vld [tilespmem:s4+$0x10];
	v16 =	vadd.f32 v3, v29;
	v6 =	vmul.bf16 v10, v6;
	v10 =	vmov s5  }
0x72: {  	v7 =	vunpack.i.l.bf16.f32 v25;
	v3 =	vld [tilespmem:s4+$0x50];
	v5 =	vadd.f32 v13, v5;
	v13 =	vmul.bf16 v19, v22  }
0x73: {  	v19 =	vld [tilespmem:s4+$0x80];
	v23 =	vadd.f32 v23, v32;
	v14 =	vmul.f32 v14, v28;
	v27 =	vadd.f32 v27, v16  }
0x74: {  	v18 =	vunpack.i.u.bf16.f32 v13;
	v22 =	vunpack.i.l.bf16.f32 v13;
	v11 =	vadd.f32 v5, v21;
	v5 =	vld.idx.msk [tilespmem:v26+s17+$0x0], $0xffff  }
0x75: {  	v21 =	vunpack.i.u.bf16.f32 v25;
	v15 =	vunpack.i.l.bf16.f32 v6;
	v16 =	vunpack.i.u.bf16.f32 v6;
	v6 =	vld.idx.msk [tilespmem:v35+s17+$0x0], $0xffff  }
0x76: {  	s19 =	smul.u32 $0xC8, s0;
	s16 =	simm.s32 $0x5;
	s4 =	simm.s32 $0x8110;
	v13 =	vmul.bf16 v24, v33;
	v24 =	vadd.f32 v2, v34;
	v25 =	vadd.f32 v27, v31;
	v10 =	vld.idx.msk [tilespmem:v10+s17+$0x0], $0xffff  }
.LBB2_3:
0x77: {  	p0 =	sne.s32 s16, $0x23  }
0x78: {  	v2 =	vld [tilespmem:s4+$0x60];
	v8 =	vadd.f32 v8, v23;
	v22 =	vadd.f32 v22, v24;
	s30 =	sadd.s32 $0x140, s30;
	s5 =	smov.u32 s16;
	s16 =	sadd.s32 $0x5, s16  }
0x79: {  	v23 =	vld [tilespmem:s4+$0xFFFFFF80];
	v7 =	vadd.f32 v7, v25;
	v19 =	vmul.bf16 v19, v20  }
0x7a: {  	v20 =	vld [tilespmem:s30+$0xFFFFFFB0];
	v8 =	vadd.f32 v8, v9;
	v9 =	vadd.f32 v22, v18  }
0x7b: {  	v12 =	vmul.bf16 v3, v12;
	v18 =	vld [tilespmem:s4+$0xFFFFFFB0];
	v7 =	vadd.f32 v7, v21;
	v3 =	vunpack.i.l.bf16.f32 v19  }
0x7c: {  	v21 =	vld [tilespmem:s30+$0xFFFFFF70];
	v8 =	vadd.f32 v15, v8;
	v9 =	vadd.f32 v3, v9  }
0x7d: {  	v15 =	vunpack.i.u.bf16.f32 v19;
	v3 =	vld [tilespmem:s4+$0x40];
	v4 =	vmul.f32 v7, v4;
	v7 =	vunpack.i.l.bf16.f32 v12  }
0x7e: {  	v22 =	vunpack.i.l.bf16.f32 v13;
	v19 =	vld [tilespmem:s4+$0xFFFFFF70];
	v8 =	vadd.f32 v8, v16;
	v9 =	vadd.f32 v9, v15  }
0x7f: {  	v11 =	vadd.f32 v22, v11;
	v16 =	vunpack.i.u.bf16.f32 v17;
	v17 =	vunpack.i.l.bf16.f32 v17;
	v15 =	vld [tilespmem:s30+$0xFFFFFFA0]  }
0x80: {  	v13 =	vunpack.i.u.bf16.f32 v13;
	v22 =	vld [tilespmem:s4+$0xFFFFFFA0];
	v7 =	vadd.f32 v7, v8;
	v8 =	vadd.f32 v17, v9  }
0x81: {  	v1 =	vadd.f32 v14, v1;
	v11 =	vadd.f32 v11, v13;
	v12 =	vunpack.i.u.bf16.f32 v12;
	v9 =	vld [tilespmem:s4+$0xFFFFFF60]  }
0x82: {  	v13 =	vld [tilespmem:s30+$0xFFFFFF60];
	v8 =	vadd.f32 v8, v16  }
0x83: {  	v1 =	vadd.f32 v4, v1;
	v4 =	vmul.f32 v11, v10;
	v7 =	vadd.f32 v7, v12;
	v14 =	vld [tilespmem:s30+$0xFFFFFFE0]  }
0x84: {  	v10 =	vld [tilespmem:s30+$0x0];
	v5 =	vmul.f32 v8, v5  }
0x85: {  	v1 =	vadd.f32 v4, v1;
	v4 =	vmul.f32 v7, v6;
	v8 =	vld [tilespmem:s4+$0x0]  }
0x86: {  	v6 =	vld [tilespmem:s4+$0xFFFFFFE0]  }
0x87: {  	v1 =	vadd.f32 v4, v1;
	v7 =	vld [tilespmem:s4+$0x20]  }
0x88: {  	v4 =	vmul.bf16 v9, v13;
	v9 =	vld [tilespmem:s30+$0xFFFFFFF0]  }
0x89: {  	v1 =	vadd.f32 v5, v1;
	v11 =	vld [tilespmem:s4+$0xFFFFFFF0]  }
0x8a: {  	v5 =	vunpack.i.l.bf16.f32 v4;
	v8 =	vmul.bf16 v8, v10;
	v10 =	vld [tilespmem:s30+$0x60]  }
0x8b: {  	v13 =	vmul.bf16 v22, v15;
	v4 =	vunpack.i.u.bf16.f32 v4;
	v12 =	vld [tilespmem:s30+$0xFFFFFF80];
	v6 =	vmul.bf16 v6, v14  }
0x8c: {  	v14 =	vmul.bf16 v19, v21;
	v15 =	vld [tilespmem:s4+$0xFFFFFFC0];
	v16 =	vunpack.i.u.bf16.f32 v8  }
0x8d: {  	s7 =	sadd.s32 s5, s1;
	v5 =	vadd.f32 $0.0e+00, v5;
	v21 =	vunpack.i.l.bf16.f32 v8;
	v17 =	vld [tilespmem:s30+$0xFFFFFFC0];
	v19 =	vunpack.i.l.bf16.f32 v6  }
0x8e: {  	s8 =	sadd.s32 $0x1, s7;
	s5 =	sadd.s32 $0x2, s7;
	s6 =	sadd.s32 $0x3, s7;
	v18 =	vmul.bf16 v18, v20;
	v8 =	vunpack.i.l.bf16.f32 v14;
	v9 =	vmul.bf16 v11, v9;
	v11 =	vld [tilespmem:s30+$0x20]  }
0x8f: {  	v20 =	vmov s8;
	s8 =	sadd.s32 $0x4, s7;
	v4 =	vadd.f32 v5, v4;
	v5 =	vunpack.i.u.bf16.f32 v14;
	v14 =	vld [tilespmem:s4+$0xFFFFFF90]  }
0x90: {  	v12 =	vmul.bf16 v23, v12;
	v22 =	vld [tilespmem:s30+$0xFFFFFF90];
	v23 =	vunpack.i.l.bf16.f32 v18;
	v24 =	vunpack.i.u.bf16.f32 v9  }
0x91: {  	v26 =	vmov s8;
	v4 =	vadd.f32 v8, v4;
	v8 =	vunpack.i.l.bf16.f32 v13;
	v25 =	vld [tilespmem:s4+$0x30]  }
0x92: {  	v28 =	vmov s7;
	v18 =	vunpack.i.u.bf16.f32 v18;
	v27 =	vunpack.i.l.bf16.f32 v12;
	v29 =	vld [tilespmem:s30+$0x30]  }
0x93: {  	v6 =	vunpack.i.u.bf16.f32 v6;
	v4 =	vadd.f32 v4, v5;
	v5 =	vmul.bf16 v15, v17;
	v15 =	vld [tilespmem:s4+$0xFFFFFFD0]  }
0x94: {  	v13 =	vunpack.i.u.bf16.f32 v13;
	v9 =	vunpack.i.l.bf16.f32 v9;
	v12 =	vunpack.i.u.bf16.f32 v12;
	v17 =	vld [tilespmem:s4+$0x90]  }
0x95: {  	v19 =	vadd.f32 $0.0e+00, v19;
	v4 =	vadd.f32 v27, v4;
	v27 =	vunpack.i.l.bf16.f32 v5;
	v30 =	vld [tilespmem:s30+$0xFFFFFFD0]  }
0x96: {  	v8 =	vadd.f32 $0.0e+00, v8;
	v11 =	vmul.bf16 v7, v11;
	v14 =	vmul.bf16 v14, v22;
	v31 =	vld [tilespmem:s30+$0x90]  }
0x97: {  	v32 =	vunpack.i.u.bf16.f32 v5;
	v5 =	vadd.f32 v19, v6;
	v4 =	vadd.f32 v4, v12;
	v6 =	vld [tilespmem:s4+$0x70]  }
0x98: {  	v33 =	vunpack.i.u.bf16.f32 v11;
	v7 =	vunpack.i.l.bf16.f32 v14;
	v12 =	vmul.bf16 v25, v29;
	v19 =	vld [tilespmem:s30+$0x70]  }
0x99: {  	v5 =	vadd.f32 v9, v5;
	v14 =	vunpack.i.u.bf16.f32 v14;
	v4 =	vadd.f32 v7, v4;
	v22 =	vld [tilespmem:s30+$0x40]  }
0x9a: {  	v2 =	vmul.bf16 v2, v10;
	v7 =	vadd.f32 v8, v13;
	v13 =	vmul.bf16 v15, v30;
	v25 =	vld [tilespmem:s30+$0x10]  }
0x9b: {  	v5 =	vadd.f32 v5, v24;
	v8 =	vunpack.i.l.bf16.f32 v12;
	v10 =	vadd.f32 v4, v14;
	v4 =	vld.idx.msk [tilespmem:v20+s17+$0x0], $0xffff  }
0x9c: {  	v29 =	vunpack.i.u.bf16.f32 v2;
	v14 =	vadd.f32 v23, v7;
	v7 =	vunpack.i.l.bf16.f32 v13;
	v24 =	vld [tilespmem:s4+$0x10]  }
0x9d: {  	v11 =	vunpack.i.l.bf16.f32 v11;
	v9 =	vunpack.i.u.bf16.f32 v12;
	v30 =	vmov s6;
	v28 =	vld.idx.msk [tilespmem:v28+s17+$0x0], $0xffff  }
0x9e: {  	v2 =	vunpack.i.l.bf16.f32 v2;
	v14 =	vadd.f32 v14, v18;
	v34 =	vmul.bf16 v3, v22;
	v3 =	vld [tilespmem:s4+$0x50]  }
0x9f: {  	v35 =	vmov s5;
	v5 =	vadd.f32 v21, v5;
	v6 =	vmul.bf16 v6, v19;
	v12 =	vld [tilespmem:s30+$0x50]  }
.Ltmp2:
0xa0: {  	v2 =	vadd.f32 $0.0e+00, v2;
	v21 =	vadd.f32 $0.0e+00, v11;
	v15 =	vunpack.i.l.bf16.f32 v34;
	v19 =	vld [tilespmem:s4+$0x80];
	(pc) =	sbr.rel @p0 .LBB2_3-.Ltmp2, $4  }
0xa1: {  	v27 =	vadd.f32 v27, v14;
	v18 =	vunpack.i.u.bf16.f32 v6;
	v22 =	vunpack.i.l.bf16.f32 v6;
	v20 =	vld [tilespmem:s30+$0x80]  }
0xa2: {  	v11 =	vadd.f32 v5, v16;
	v23 =	vadd.f32 v21, v33;
	v16 =	vunpack.i.u.bf16.f32 v34;
	v5 =	vld.idx.msk [tilespmem:v26+s17+$0x0], $0xffff  }
0xa3: {  	v21 =	vunpack.i.u.bf16.f32 v13;
	v13 =	vmul.bf16 v24, v25;
	v24 =	vadd.f32 v2, v29;
	v6 =	vld.idx.msk [tilespmem:v30+s17+$0x0], $0xffff  }
0xa4: {  	v17 =	vmul.bf16 v17, v31;
	s4 =	sadd.s32 $0x140, s4;
	v25 =	vadd.f32 v27, v32;
	v14 =	vmul.f32 v10, v28;
	v10 =	vld.idx.msk [tilespmem:v35+s17+$0x0], $0xffff  }
0xa5: {  	v2 =	vadd.f32 v8, v23  }
0xa6: {  	v8 =	vadd.f32 v22, v24;
	v7 =	vadd.f32 v7, v25  }
0xa7: {  	v19 =	vmul.bf16 v19, v20;
	v2 =	vadd.f32 v2, v9  }
0xa8: {  	v3 =	vmul.bf16 v3, v12;
	v8 =	vadd.f32 v8, v18;
	v7 =	vadd.f32 v7, v21  }
0xa9: {  	v1 =	vadd.f32 v14, v1;
	v9 =	vunpack.i.l.bf16.f32 v19;
	v2 =	vadd.f32 v15, v2  }
0xaa: {  	v8 =	vadd.f32 v9, v8;
	v4 =	vmul.f32 v7, v4;
	v7 =	vunpack.i.l.bf16.f32 v13  }
0xab: {  	v12 =	vunpack.i.u.bf16.f32 v19;
	v2 =	vadd.f32 v2, v16;
	v7 =	vadd.f32 v7, v11  }
0xac: {  	v9 =	vunpack.i.l.bf16.f32 v3;
	v8 =	vadd.f32 v8, v12;
	v11 =	vunpack.i.u.bf16.f32 v13  }
0xad: {  	v2 =	vadd.f32 v9, v2;
	v7 =	vadd.f32 v7, v11  }
0xae: {  	v3 =	vunpack.i.u.bf16.f32 v3;
	v1 =	vadd.f32 v4, v1;
	v9 =	vunpack.i.l.bf16.f32 v17  }
0xaf: {  	v8 =	vadd.f32 v9, v8;
	v4 =	vmul.f32 v7, v10;
	v2 =	vadd.f32 v2, v3  }
0xb0: {  	v3 =	vunpack.i.u.bf16.f32 v17  }
0xb1: {  	v3 =	vadd.f32 v8, v3;
	v1 =	vadd.f32 v4, v1;
	v2 =	vmul.f32 v2, v6  }
0xb2: {  	v4 =	vld [tilespmem:$0xD930]  }
0xb3: {  	v3 =	vmul.f32 v3, v5;
	v1 =	vadd.f32 v2, v1;
	_ =	sdelay $0x1  }
0xb4: {  	v1 =	vadd.f32 v3, v1;
	_ =	sdelay $0x1  }
0xb5: {  	v1 =	vadd.f32 v4, v1  }
0xb6: {  	p0 =	seq.s32 s0, $0x31  }
0xb7: {  	s4 =	sadd.s32 @!p0 $0xC8, s19;
	s5 =	simm.s32 @!p0 $0x28;
	s6 =	simm.s32 @!p0 $0x7530;
	[tilespmem:$0xD930] =	vst v1  }
0xb8: {  	[tilespmem:s6], [sflag:$0x1] =	stream.indirect.gather @!p0 [spmem:s2], $0x40, s4, s5, $0xb8;
	[tilespmem:$0x17580] =	vst v63  }
0xb9: {  	s4 =	sadd.s32 @!p0 $0x27D8, s19;
	s6 =	simm.s32 @!p0 $0x7F30  }
0xba: {  	[tilespmem:s6], [sflag:$0x2] =	stream.indirect.gather @!p0 [spmem:s2], $0x40, s4, s5, $0xb8;
	[tilespmem:$0x17580] =	vst v63  }
0xbb: {  	_ =	swait.ge [sflag:s22], $0xA00  }
0xbc: {  	[sflag:s22] =	ssyncset.done $0x0  }
0xbd: {  	[sflag:s22] =	ssyncadd.s32 $0xFFFFF600  }
0xbe: {  	_ =	swait.ge [sflag:s23], $0xA00  }
0xbf: {  	[sflag:s23] =	ssyncset.done $0x0  }
0xc0: {  	s4 =	simm.s32 $0x93D0;
	[sflag:s23] =	ssyncadd.s32 $0xFFFFF600  }
0xc1: {  	s30 =	simm.s32 $0x89D0;
	v4 =	vld [tilespmem:s4+$0x30]  }
0xc2: {  	v2 =	vld [tilespmem:s30+$0xFFFFFFC0]  }
0xc3: {  	v3 =	vld [tilespmem:s4+$0xFFFFFFC0]  }
0xc4: {  	v6 =	vld [tilespmem:s30+$0xFFFFFF80]  }
0xc5: {  	v7 =	vld [tilespmem:s4+$0xFFFFFF80]  }
0xc6: {  	v8 =	vld [tilespmem:s30+$0xFFFFFFB0]  }
0xc7: {  	v9 =	vld [tilespmem:s4+$0xFFFFFFB0]  }
0xc8: {  	v10 =	vld [tilespmem:s30+$0xFFFFFF70]  }
0xc9: {  	v11 =	vld [tilespmem:s4+$0xFFFFFF70]  }
0xca: {  	v1 =	vld [tilespmem:s30+$0xFFFFFFA0]  }
0xcb: {  	v12 =	vld [tilespmem:s4+$0xFFFFFFA0]  }
0xcc: {  	v13 =	vld [tilespmem:s4+$0xFFFFFF60]  }
0xcd: {  	v14 =	vld [tilespmem:s30+$0xFFFFFF60]  }
0xce: {  	v15 =	vld [tilespmem:s30+$0xFFFFFFE0]  }
0xcf: {  	v16 =	vld [tilespmem:s4+$0xFFFFFFE0]  }
0xd0: {  	v19 =	vld [tilespmem:s30+$0xFFFFFFF0]  }
0xd1: {  	v23 =	vld [tilespmem:s4+$0xFFFFFFF0]  }
0xd2: {  	s5 =	sadd.s32 $0x0, s1;
	v24 =	vld [tilespmem:s4+$0xFFFFFFD0]  }
0xd3: {  	s16 =	sadd.s32 $0x28, s5;
	v27 =	vld [tilespmem:s30+$0xFFFFFFD0]  }
0xd4: {  	s7 =	sadd.s32 $0x2C, s5;
	v28 =	vmov s16;
	v5 =	vld [tilespmem:s4+$0x40];
	v13 =	vmul.bf16 v13, v14  }
0xd5: {  	s8 =	sadd.s32 $0x2A, s5;
	v30 =	vmov s7;
	v17 =	vld [tilespmem:s4+$0x60];
	v12 =	vmul.bf16 v12, v1;
	v15 =	vmul.bf16 v16, v15  }
0xd6: {  	s16 =	sadd.s32 $0x2B, s5;
	v31 =	vmov s8;
	v18 =	vld [tilespmem:s30+$0x20];
	v10 =	vmul.bf16 v11, v10;
	v8 =	vmul.bf16 v9, v8  }
0xd7: {  	v33 =	vmov s16;
	v22 =	vld [tilespmem:s4+$0x0];
	v6 =	vmul.bf16 v7, v6;
	v2 =	vmul.bf16 v3, v2  }
0xd8: {  	s5 =	sadd.s32 $0x29, s5;
	v14 =	vld [tilespmem:s4+$0x20];
	v1 =	vimm.f32 $0.0e+00;
	v19 =	vmul.bf16 v23, v19;
	v35 =	vmul.bf16 v24, v27  }
0xd9: {  	v29 =	vld [tilespmem:s30+$0x40];
	v24 =	vmov s5;
	v20 =	vunpack.i.l.bf16.f32 v13;
	v21 =	vunpack.i.l.bf16.f32 v12  }
0xda: {  	v32 =	vld [tilespmem:s4+$0xFFFFFF90];
	v12 =	vunpack.i.u.bf16.f32 v12;
	v13 =	vunpack.i.u.bf16.f32 v13;
	v21 =	vadd.f32 $0.0e+00, v21  }
0xdb: {  	v16 =	vld [tilespmem:s30+$0x60];
	v26 =	vunpack.i.l.bf16.f32 v6;
	v3 =	vunpack.i.u.bf16.f32 v6;
	v6 =	vunpack.i.l.bf16.f32 v2  }
0xdc: {  	v7 =	vld [tilespmem:s30+$0x30];
	v2 =	vunpack.i.u.bf16.f32 v2;
	v20 =	vadd.f32 $0.0e+00, v20;
	v11 =	vadd.f32 v21, v12  }
0xdd: {  	v9 =	vmul.bf16 v14, v18;
	v12 =	vld [tilespmem:s4+$0x70];
	v14 =	vunpack.i.u.bf16.f32 v10;
	v21 =	vunpack.i.l.bf16.f32 v8  }
0xde: {  	v18 =	vunpack.i.u.bf16.f32 v15;
	v10 =	vunpack.i.l.bf16.f32 v10;
	v11 =	vadd.f32 v21, v11;
	v21 =	vld [tilespmem:s30+$0x70]  }
0xdf: {  	v34 =	vld [tilespmem:s30+$0xFFFFFF90];
	v8 =	vunpack.i.u.bf16.f32 v8;
	v15 =	vunpack.i.l.bf16.f32 v15;
	v13 =	vadd.f32 v20, v13  }
0xe0: {  	v36 =	vld [tilespmem:s4+$0x90];
	v25 =	vunpack.i.u.bf16.f32 v9;
	v9 =	vunpack.i.l.bf16.f32 v9;
	v8 =	vadd.f32 v11, v8  }
0xe1: {  	v37 =	vld [tilespmem:s4+$0x80];
	v4 =	vmul.bf16 v4, v7;
	v27 =	vmul.bf16 v17, v16;
	v9 =	vadd.f32 $0.0e+00, v9  }
0xe2: {  	v23 =	vld [tilespmem:s30+$0x0];
	v16 =	vunpack.i.l.bf16.f32 v35;
	v15 =	vadd.f32 $0.0e+00, v15;
	v6 =	vadd.f32 v6, v8  }
0xe3: {  	v20 =	vadd.f32 v9, v25;
	v25 =	vld [tilespmem:s30+$0x80];
	v12 =	vmul.bf16 v12, v21;
	v21 =	vmul.bf16 v5, v29  }
0xe4: {  	v11 =	vunpack.i.u.bf16.f32 v19;
	v29 =	vunpack.i.l.bf16.f32 v19;
	v5 =	vld.idx.msk [tilespmem:v24+s17+$0x0], $0xffff;
	v6 =	vadd.f32 v6, v2  }
0xe5: {  	v24 =	vmul.bf16 v32, v34;
	v19 =	vld [tilespmem:s4+$0x10];
	v8 =	vunpack.i.l.bf16.f32 v12;
	v7 =	vunpack.i.l.bf16.f32 v21  }
0xe6: {  	v2 =	vld.idx.msk [tilespmem:v30+s17+$0x0], $0xffff;
	v9 =	vunpack.i.u.bf16.f32 v12;
	v12 =	vadd.f32 v10, v13;
	v13 =	vadd.f32 v16, v6  }
0xe7: {  	v30 =	vld [tilespmem:s30+$0x90];
	v6 =	vmul.bf16 v22, v23;
	v22 =	vadd.f32 v15, v18;
	v16 =	vunpack.i.u.bf16.f32 v4  }
0xe8: {  	v10 =	vld.idx.msk [tilespmem:v28+s17+$0x0], $0xffff;
	v15 =	vunpack.i.l.bf16.f32 v27;
	v4 =	vunpack.i.l.bf16.f32 v4;
	v18 =	vunpack.i.u.bf16.f32 v24  }
0xe9: {  	v23 =	vld [tilespmem:s30+$0x10];
	v24 =	vunpack.i.l.bf16.f32 v24;
	v63 =	vadd.f32 $0.0e+00, v15;
	v12 =	vadd.f32 v12, v14  }
0xea: {  	v20 =	vadd.f32 v4, v20;
	v14 =	vunpack.i.u.bf16.f32 v21;
	v4 =	vunpack.i.u.bf16.f32 v27;
	v21 =	vld [tilespmem:s4+$0x50]  }
0xeb: {  	v15 =	vunpack.i.u.bf16.f32 v6;
	v17 =	vunpack.i.l.bf16.f32 v6;
	v6 =	vld.idx.msk [tilespmem:v33+s17+$0x0], $0xffff;
	v29 =	vadd.f32 v29, v22  }
0xec: {  	v22 =	vld [tilespmem:s30+$0x50];
	v27 =	vadd.f32 v26, v12;
	v12 =	vunpack.i.u.bf16.f32 v35;
	v26 =	vmul.bf16 v37, v25  }
0xed: {  	s16 =	simm.s32 $0x5;
	s4 =	simm.s32 $0x9510;
	v25 =	vadd.f32 v63, v4;
	v28 =	vadd.f32 v13, v12;
	v12 =	vld.idx.msk [tilespmem:v31+s17+$0x0], $0xffff;
	v13 =	vmul.bf16 v36, v30  }
.LBB2_5:
0xee: {  	p1 =	sne.s32 s16, $0x23  }
0xef: {  	v4 =	vld [tilespmem:s4+$0x30];
	v3 =	vadd.f32 v27, v3;
	v11 =	vadd.f32 v29, v11;
	v19 =	vmul.bf16 v19, v23;
	s30 =	sadd.s32 $0x140, s30;
	s5 =	smov.u32 s16;
	s16 =	sadd.s32 $0x5, s16  }
0xf0: {  	v23 =	vld [tilespmem:s30+$0xFFFFFFC0];
	v27 =	vmul.f32 v28, v5;
	v28 =	vunpack.i.u.bf16.f32 v26;
	v26 =	vunpack.i.l.bf16.f32 v26  }
0xf1: {  	v16 =	vadd.f32 v20, v16;
	v5 =	vld [tilespmem:s4+$0x40];
	v3 =	vadd.f32 v24, v3;
	v24 =	vunpack.i.l.bf16.f32 v19  }
0xf2: {  	v8 =	vadd.f32 v8, v25;
	v11 =	vadd.f32 v17, v11;
	v20 =	vld [tilespmem:s4+$0xFFFFFFC0];
	v17 =	vmul.bf16 v21, v22  }
0xf3: {  	v7 =	vadd.f32 v7, v16;
	v21 =	vld [tilespmem:s30+$0xFFFFFF80];
	v3 =	vadd.f32 v3, v18;
	v18 =	vunpack.i.u.bf16.f32 v19  }
0xf4: {  	v8 =	vadd.f32 v8, v9;
	v11 =	vadd.f32 v11, v15;
	v16 =	vld [tilespmem:s4+$0xFFFFFF80];
	v15 =	vunpack.i.l.bf16.f32 v17  }
0xf5: {  	v7 =	vadd.f32 v7, v14;
	v9 =	vld [tilespmem:s30+$0xFFFFFFB0];
	v3 =	vmul.f32 v3, v10  }
0xf6: {  	v14 =	vunpack.i.u.bf16.f32 v17;
	v8 =	vadd.f32 v26, v8;
	v11 =	vadd.f32 v24, v11;
	v10 =	vld [tilespmem:s4+$0xFFFFFFB0]  }
0xf7: {  	v17 =	vld [tilespmem:s30+$0xFFFFFF70];
	v1 =	vadd.f32 v3, v1;
	v3 =	vadd.f32 v15, v7;
	v7 =	vunpack.i.l.bf16.f32 v13  }
0xf8: {  	v8 =	vadd.f32 v8, v28;
	v11 =	vadd.f32 v11, v18;
	v15 =	vld [tilespmem:s4+$0xFFFFFF70]  }
0xf9: {  	v13 =	vunpack.i.u.bf16.f32 v13;
	v18 =	vld [tilespmem:s30+$0xFFFFFFA0];
	v1 =	vadd.f32 v27, v1;
	v3 =	vadd.f32 v3, v14  }
0xfa: {  	v7 =	vadd.f32 v7, v8;
	v11 =	vmul.f32 v11, v12;
	v14 =	vld [tilespmem:s4+$0xFFFFFFA0]  }
0xfb: {  	v8 =	vld [tilespmem:s4+$0xFFFFFF60];
	v3 =	vmul.f32 v3, v6  }
0xfc: {  	v7 =	vadd.f32 v7, v13;
	v1 =	vadd.f32 v11, v1;
	v6 =	vld [tilespmem:s30+$0xFFFFFF60]  }
0xfd: {  	v11 =	vld [tilespmem:s30+$0xFFFFFFE0]  }
0xfe: {  	v2 =	vmul.f32 v7, v2;
	v1 =	vadd.f32 v3, v1;
	v12 =	vld [tilespmem:s4+$0xFFFFFFE0]  }
0xff: {  	v13 =	vld [tilespmem:s4+$0x60]  }
0x100: {  	v1 =	vadd.f32 v2, v1;
	v3 =	vld [tilespmem:s30+$0x20]  }
0x101: {  	v2 =	vmul.bf16 v8, v6;
	v6 =	vmul.bf16 v14, v18;
	v7 =	vld [tilespmem:s4+$0x20]  }
0x102: {  	v8 =	vld [tilespmem:s30+$0xFFFFFFF0]  }
0x103: {  	v14 =	vunpack.i.l.bf16.f32 v2;
	v18 =	vunpack.i.u.bf16.f32 v6;
	v6 =	vunpack.i.l.bf16.f32 v6;
	v19 =	vld [tilespmem:s4+$0x0]  }
0x104: {  	v11 =	vmul.bf16 v12, v11;
	v14 =	vadd.f32 $0.0e+00, v14;
	v6 =	vadd.f32 $0.0e+00, v6;
	v12 =	vld [tilespmem:s4+$0xFFFFFFF0]  }
0x105: {  	v15 =	vmul.bf16 v15, v17;
	v2 =	vunpack.i.u.bf16.f32 v2;
	v17 =	vld [tilespmem:s30+$0x60]  }
0x106: {  	v9 =	vmul.bf16 v10, v9;
	v6 =	vadd.f32 v6, v18;
	v3 =	vmul.bf16 v7, v3;
	v7 =	vld [tilespmem:s4+$0x70]  }
0x107: {  	v10 =	vmul.bf16 v16, v21;
	v16 =	vunpack.i.u.bf16.f32 v11;
	v18 =	vunpack.i.u.bf16.f32 v15;
	v21 =	vld [tilespmem:s30+$0x30]  }
0x108: {  	s5 =	sadd.s32 s5, s1;
	v22 =	vunpack.i.l.bf16.f32 v9;
	v15 =	vunpack.i.l.bf16.f32 v15;
	v24 =	vld [tilespmem:s4+$0xFFFFFFD0];
	v25 =	vunpack.i.u.bf16.f32 v3  }
0x109: {  	s6 =	sadd.s32 $0x28, s5;
	s7 =	sadd.s32 $0x29, s5;
	s8 =	sadd.s32 $0x2C, s5;
	v20 =	vmul.bf16 v20, v23;
	v26 =	vunpack.i.l.bf16.f32 v10;
	v27 =	vunpack.i.l.bf16.f32 v3;
	v23 =	vld [tilespmem:s30+$0xFFFFFFD0]  }
0x10a: {  	v28 =	vmov s6;
	s6 =	sadd.s32 $0x2A, s5;
	s5 =	sadd.s32 $0x2B, s5;
	v9 =	vunpack.i.u.bf16.f32 v9;
	v6 =	vadd.f32 v22, v6;
	v22 =	vld [tilespmem:s30+$0x70]  }
0x10b: {  	v30 =	vmov s8;
	v3 =	vunpack.i.u.bf16.f32 v10;
	v10 =	vunpack.i.l.bf16.f32 v20;
	v29 =	vld [tilespmem:s30+$0x40]  }
0x10c: {  	v31 =	vmov s6;
	v6 =	vadd.f32 v6, v9;
	v9 =	vmul.bf16 v12, v8;
	v12 =	vld [tilespmem:s30+$0x0]  }
0x10d: {  	v33 =	vmov s5;
	v8 =	vunpack.i.u.bf16.f32 v20;
	v20 =	vunpack.i.l.bf16.f32 v11;
	v32 =	vld [tilespmem:s4+$0xFFFFFF90]  }
0x10e: {  	v6 =	vadd.f32 v10, v6;
	v10 =	vmov s7;
	v34 =	vld [tilespmem:s30+$0xFFFFFF90];
	v35 =	vmul.bf16 v24, v23  }
0x10f: {  	v14 =	vadd.f32 v14, v2;
	v11 =	vunpack.i.u.bf16.f32 v9;
	v22 =	vmul.bf16 v7, v22;
	v36 =	vld [tilespmem:s4+$0x90]  }
0x110: {  	v6 =	vadd.f32 v6, v8;
	v23 =	vadd.f32 $0.0e+00, v27;
	v24 =	vmul.bf16 v5, v29;
	v2 =	vld.idx.msk [tilespmem:v30+s17+$0x0], $0xffff  }
0x111: {  	v20 =	vadd.f32 $0.0e+00, v20;
	v4 =	vmul.bf16 v4, v21;
	v8 =	vunpack.i.l.bf16.f32 v22;
	v30 =	vld [tilespmem:s30+$0x90]  }
0x112: {  	v13 =	vmul.bf16 v13, v17;
	v29 =	vunpack.i.l.bf16.f32 v9;
	v7 =	vunpack.i.l.bf16.f32 v24;
	v37 =	vld [tilespmem:s4+$0x80]  }
0x113: {  	v17 =	vunpack.i.l.bf16.f32 v35;
	v21 =	vadd.f32 v23, v25;
	v9 =	vunpack.i.u.bf16.f32 v22;
	v5 =	vld.idx.msk [tilespmem:v10+s17+$0x0], $0xffff  }
0x114: {  	v14 =	vadd.f32 v15, v14;
	v25 =	vadd.f32 v17, v6;
	v6 =	vmul.bf16 v19, v12;
	v10 =	vld.idx.msk [tilespmem:v28+s17+$0x0], $0xffff  }
0x115: {  	v15 =	vunpack.i.l.bf16.f32 v13;
	v12 =	vadd.f32 v20, v16;
	v16 =	vunpack.i.u.bf16.f32 v4;
	v28 =	vld [tilespmem:s30+$0x80]  }
0x116: {  	v4 =	vunpack.i.l.bf16.f32 v4;
	v22 =	vmul.bf16 v32, v34;
	v32 =	vadd.f32 $0.0e+00, v15;
	v19 =	vld [tilespmem:s4+$0x10]  }
.Ltmp3:
0x117: {  	v18 =	vadd.f32 v14, v18;
	v15 =	vunpack.i.u.bf16.f32 v6;
	v17 =	vunpack.i.l.bf16.f32 v6;
	v23 =	vld [tilespmem:s30+$0x10];
	(pc) =	sbr.rel @p1 .LBB2_5-.Ltmp3, $4  }
0x118: {  	v20 =	vadd.f32 v4, v21;
	v14 =	vunpack.i.u.bf16.f32 v24;
	v4 =	vunpack.i.u.bf16.f32 v13;
	v6 =	vld.idx.msk [tilespmem:v33+s17+$0x0], $0xffff  }
0x119: {  	v27 =	vadd.f32 v26, v18;
	v18 =	vunpack.i.u.bf16.f32 v22;
	v24 =	vunpack.i.l.bf16.f32 v22;
	v21 =	vld [tilespmem:s4+$0x50]  }
0x11a: {  	v13 =	vunpack.i.u.bf16.f32 v35;
	v29 =	vadd.f32 v29, v12;
	v22 =	vld [tilespmem:s30+$0x50];
	v26 =	vmul.bf16 v37, v28  }
0x11b: {  	s4 =	sadd.s32 $0x140, s4;
	v28 =	vadd.f32 v25, v13;
	v25 =	vadd.f32 v32, v4;
	v13 =	vmul.bf16 v36, v30;
	v12 =	vld.idx.msk [tilespmem:v31+s17+$0x0], $0xffff  }
0x11c: {  	v3 =	vadd.f32 v27, v3  }
0x11d: {  	v4 =	vadd.f32 v29, v11;
	v11 =	vmul.bf16 v19, v23  }
0x11e: {  	v16 =	vadd.f32 v20, v16;
	v19 =	vunpack.i.u.bf16.f32 v26;
	v3 =	vadd.f32 v24, v3  }
0x11f: {  	v5 =	vmul.f32 v28, v5;
	v8 =	vadd.f32 v8, v25;
	v4 =	vadd.f32 v17, v4  }
0x120: {  	v17 =	vunpack.i.l.bf16.f32 v26;
	v7 =	vadd.f32 v7, v16;
	v3 =	vadd.f32 v3, v18  }
0x121: {  	v16 =	vmul.bf16 v21, v22;
	v8 =	vadd.f32 v8, v9;
	v4 =	vadd.f32 v4, v15  }
0x122: {  	v9 =	vunpack.i.l.bf16.f32 v11;
	v7 =	vadd.f32 v7, v14;
	v3 =	vmul.f32 v3, v10  }
0x123: {  	v8 =	vadd.f32 v17, v8;
	v10 =	vunpack.i.l.bf16.f32 v16;
	v4 =	vadd.f32 v9, v4  }
0x124: {  	v9 =	vunpack.i.u.bf16.f32 v11;
	v1 =	vadd.f32 v3, v1;
	v3 =	vadd.f32 v10, v7  }
0x125: {  	v4 =	vadd.f32 v4, v9;
	v7 =	vadd.f32 v8, v19  }
0x126: {  	v8 =	vunpack.i.u.bf16.f32 v16;
	v9 =	vunpack.i.l.bf16.f32 v13;
	v1 =	vadd.f32 v5, v1  }
0x127: {  	v3 =	vadd.f32 v3, v8;
	v4 =	vmul.f32 v4, v12;
	v5 =	vadd.f32 v9, v7  }
0x128: {  	v7 =	vunpack.i.u.bf16.f32 v13  }
0x129: {  	v3 =	vmul.f32 v3, v6;
	v1 =	vadd.f32 v4, v1;
	v4 =	vadd.f32 v5, v7  }
0x12a: {  	v5 =	vld [tilespmem:$0xD930]  }
0x12b: {  	v1 =	vadd.f32 v3, v1;
	v2 =	vmul.f32 v4, v2;
	_ =	sdelay $0x1  }
0x12c: {  	v1 =	vadd.f32 v2, v1;
	_ =	sdelay $0x1  }
0x12d: {  	v1 =	vadd.f32 v5, v1;
	_ =	sdelay $0x1  }
0x12e: {  	s4 =	sadd.s32 @!p0 $0xF0, s19;
	s5 =	simm.s32 @!p0 $0x28;
	s6 =	simm.s32 @!p0 $0x8930;
	[tilespmem:$0xD930] =	vst v1  }
0x12f: {  	[tilespmem:s6], [sflag:$0x3] =	stream.indirect.gather @!p0 [spmem:s2], $0x40, s4, s5, $0xb8;
	[tilespmem:$0x17580] =	vst v63  }
0x130: {  	s4 =	sadd.s32 @!p0 $0x2800, s19;
	s6 =	simm.s32 @!p0 $0x9330  }
0x131: {  	[tilespmem:s6], [sflag:$0x4] =	stream.indirect.gather @!p0 [spmem:s2], $0x40, s4, s5, $0xb8;
	[tilespmem:$0x17580] =	vst v63  }
0x132: {  	_ =	swait.ge [sflag:s24], $0xA00  }
0x133: {  	[sflag:s24] =	ssyncset.done $0x0  }
0x134: {  	[sflag:s24] =	ssyncadd.s32 $0xFFFFF600  }
0x135: {  	_ =	swait.ge [sflag:s25], $0xA00  }
0x136: {  	[sflag:s25] =	ssyncset.done $0x0  }
0x137: {  	s4 =	simm.s32 $0xA7D0;
	[sflag:s25] =	ssyncadd.s32 $0xFFFFF600  }
0x138: {  	s30 =	simm.s32 $0x9DD0;
	v4 =	vld [tilespmem:s4+$0x30]  }
0x139: {  	v2 =	vld [tilespmem:s30+$0xFFFFFFC0]  }
0x13a: {  	v3 =	vld [tilespmem:s4+$0xFFFFFFC0]  }
0x13b: {  	v6 =	vld [tilespmem:s30+$0xFFFFFF80]  }
0x13c: {  	v7 =	vld [tilespmem:s4+$0xFFFFFF80]  }
0x13d: {  	v8 =	vld [tilespmem:s30+$0xFFFFFFB0]  }
0x13e: {  	v9 =	vld [tilespmem:s4+$0xFFFFFFB0]  }
0x13f: {  	v10 =	vld [tilespmem:s30+$0xFFFFFF70]  }
0x140: {  	v11 =	vld [tilespmem:s4+$0xFFFFFF70]  }
0x141: {  	v1 =	vld [tilespmem:s30+$0xFFFFFFA0]  }
0x142: {  	v12 =	vld [tilespmem:s4+$0xFFFFFFA0]  }
0x143: {  	v13 =	vld [tilespmem:s4+$0xFFFFFF60]  }
0x144: {  	v14 =	vld [tilespmem:s30+$0xFFFFFF60]  }
0x145: {  	v15 =	vld [tilespmem:s30+$0xFFFFFFE0]  }
0x146: {  	v16 =	vld [tilespmem:s4+$0xFFFFFFE0]  }
0x147: {  	v19 =	vld [tilespmem:s30+$0xFFFFFFF0]  }
0x148: {  	v23 =	vld [tilespmem:s4+$0xFFFFFFF0]  }
0x149: {  	s5 =	sadd.s32 $0x0, s1;
	v24 =	vld [tilespmem:s4+$0xFFFFFFD0]  }
0x14a: {  	s16 =	sadd.s32 $0x50, s5;
	v27 =	vld [tilespmem:s30+$0xFFFFFFD0]  }
0x14b: {  	s7 =	sadd.s32 $0x54, s5;
	v28 =	vmov s16;
	v5 =	vld [tilespmem:s4+$0x40];
	v13 =	vmul.bf16 v13, v14  }
0x14c: {  	s8 =	sadd.s32 $0x52, s5;
	v30 =	vmov s7;
	v17 =	vld [tilespmem:s4+$0x60];
	v12 =	vmul.bf16 v12, v1;
	v15 =	vmul.bf16 v16, v15  }
0x14d: {  	s16 =	sadd.s32 $0x53, s5;
	v31 =	vmov s8;
	v18 =	vld [tilespmem:s30+$0x20];
	v10 =	vmul.bf16 v11, v10;
	v8 =	vmul.bf16 v9, v8  }
0x14e: {  	v33 =	vmov s16;
	v22 =	vld [tilespmem:s4+$0x0];
	v6 =	vmul.bf16 v7, v6;
	v2 =	vmul.bf16 v3, v2  }
0x14f: {  	s5 =	sadd.s32 $0x51, s5;
	v14 =	vld [tilespmem:s4+$0x20];
	v1 =	vimm.f32 $0.0e+00;
	v19 =	vmul.bf16 v23, v19;
	v35 =	vmul.bf16 v24, v27  }
0x150: {  	v29 =	vld [tilespmem:s30+$0x40];
	v24 =	vmov s5;
	v20 =	vunpack.i.l.bf16.f32 v13;
	v21 =	vunpack.i.l.bf16.f32 v12  }
0x151: {  	v32 =	vld [tilespmem:s4+$0xFFFFFF90];
	v12 =	vunpack.i.u.bf16.f32 v12;
	v13 =	vunpack.i.u.bf16.f32 v13;
	v21 =	vadd.f32 $0.0e+00, v21  }
0x152: {  	v16 =	vld [tilespmem:s30+$0x60];
	v26 =	vunpack.i.l.bf16.f32 v6;
	v3 =	vunpack.i.u.bf16.f32 v6;
	v6 =	vunpack.i.l.bf16.f32 v2  }
0x153: {  	v7 =	vld [tilespmem:s30+$0x30];
	v2 =	vunpack.i.u.bf16.f32 v2;
	v20 =	vadd.f32 $0.0e+00, v20;
	v11 =	vadd.f32 v21, v12  }
0x154: {  	v9 =	vmul.bf16 v14, v18;
	v12 =	vld [tilespmem:s4+$0x70];
	v14 =	vunpack.i.u.bf16.f32 v10;
	v21 =	vunpack.i.l.bf16.f32 v8  }
0x155: {  	v18 =	vunpack.i.u.bf16.f32 v15;
	v10 =	vunpack.i.l.bf16.f32 v10;
	v11 =	vadd.f32 v21, v11;
	v21 =	vld [tilespmem:s30+$0x70]  }
0x156: {  	v34 =	vld [tilespmem:s30+$0xFFFFFF90];
	v8 =	vunpack.i.u.bf16.f32 v8;
	v15 =	vunpack.i.l.bf16.f32 v15;
	v13 =	vadd.f32 v20, v13  }
0x157: {  	v36 =	vld [tilespmem:s4+$0x90];
	v25 =	vunpack.i.u.bf16.f32 v9;
	v9 =	vunpack.i.l.bf16.f32 v9;
	v8 =	vadd.f32 v11, v8  }
0x158: {  	v37 =	vld [tilespmem:s4+$0x80];
	v4 =	vmul.bf16 v4, v7;
	v27 =	vmul.bf16 v17, v16;
	v9 =	vadd.f32 $0.0e+00, v9  }
0x159: {  	v23 =	vld [tilespmem:s30+$0x0];
	v16 =	vunpack.i.l.bf16.f32 v35;
	v15 =	vadd.f32 $0.0e+00, v15;
	v6 =	vadd.f32 v6, v8  }
0x15a: {  	v20 =	vadd.f32 v9, v25;
	v25 =	vld [tilespmem:s30+$0x80];
	v12 =	vmul.bf16 v12, v21;
	v21 =	vmul.bf16 v5, v29  }
0x15b: {  	v11 =	vunpack.i.u.bf16.f32 v19;
	v29 =	vunpack.i.l.bf16.f32 v19;
	v5 =	vld.idx.msk [tilespmem:v24+s17+$0x0], $0xffff;
	v6 =	vadd.f32 v6, v2  }
0x15c: {  	v24 =	vmul.bf16 v32, v34;
	v19 =	vld [tilespmem:s4+$0x10];
	v8 =	vunpack.i.l.bf16.f32 v12;
	v7 =	vunpack.i.l.bf16.f32 v21  }
0x15d: {  	v2 =	vld.idx.msk [tilespmem:v30+s17+$0x0], $0xffff;
	v9 =	vunpack.i.u.bf16.f32 v12;
	v12 =	vadd.f32 v10, v13;
	v13 =	vadd.f32 v16, v6  }
0x15e: {  	v30 =	vld [tilespmem:s30+$0x90];
	v6 =	vmul.bf16 v22, v23;
	v22 =	vadd.f32 v15, v18;
	v16 =	vunpack.i.u.bf16.f32 v4  }
0x15f: {  	v10 =	vld.idx.msk [tilespmem:v28+s17+$0x0], $0xffff;
	v15 =	vunpack.i.l.bf16.f32 v27;
	v4 =	vunpack.i.l.bf16.f32 v4;
	v18 =	vunpack.i.u.bf16.f32 v24  }
0x160: {  	v23 =	vld [tilespmem:s30+$0x10];
	v24 =	vunpack.i.l.bf16.f32 v24;
	v63 =	vadd.f32 $0.0e+00, v15;
	v12 =	vadd.f32 v12, v14  }
0x161: {  	v20 =	vadd.f32 v4, v20;
	v14 =	vunpack.i.u.bf16.f32 v21;
	v4 =	vunpack.i.u.bf16.f32 v27;
	v21 =	vld [tilespmem:s4+$0x50]  }
0x162: {  	v15 =	vunpack.i.u.bf16.f32 v6;
	v17 =	vunpack.i.l.bf16.f32 v6;
	v6 =	vld.idx.msk [tilespmem:v33+s17+$0x0], $0xffff;
	v29 =	vadd.f32 v29, v22  }
0x163: {  	v22 =	vld [tilespmem:s30+$0x50];
	v27 =	vadd.f32 v26, v12;
	v12 =	vunpack.i.u.bf16.f32 v35;
	v26 =	vmul.bf16 v37, v25  }
0x164: {  	s16 =	simm.s32 $0x5;
	s4 =	simm.s32 $0xA910;
	v25 =	vadd.f32 v63, v4;
	v28 =	vadd.f32 v13, v12;
	v12 =	vld.idx.msk [tilespmem:v31+s17+$0x0], $0xffff;
	v13 =	vmul.bf16 v36, v30  }
.LBB2_7:
0x165: {  	p1 =	sne.s32 s16, $0x23  }
0x166: {  	v4 =	vld [tilespmem:s4+$0x30];
	v3 =	vadd.f32 v27, v3;
	v11 =	vadd.f32 v29, v11;
	v19 =	vmul.bf16 v19, v23;
	s30 =	sadd.s32 $0x140, s30;
	s5 =	smov.u32 s16;
	s16 =	sadd.s32 $0x5, s16  }
0x167: {  	v23 =	vld [tilespmem:s30+$0xFFFFFFC0];
	v27 =	vmul.f32 v28, v5;
	v28 =	vunpack.i.u.bf16.f32 v26;
	v26 =	vunpack.i.l.bf16.f32 v26  }
0x168: {  	v16 =	vadd.f32 v20, v16;
	v5 =	vld [tilespmem:s4+$0x40];
	v3 =	vadd.f32 v24, v3;
	v24 =	vunpack.i.l.bf16.f32 v19  }
0x169: {  	v8 =	vadd.f32 v8, v25;
	v11 =	vadd.f32 v17, v11;
	v20 =	vld [tilespmem:s4+$0xFFFFFFC0];
	v17 =	vmul.bf16 v21, v22  }
0x16a: {  	v7 =	vadd.f32 v7, v16;
	v21 =	vld [tilespmem:s30+$0xFFFFFF80];
	v3 =	vadd.f32 v3, v18;
	v18 =	vunpack.i.u.bf16.f32 v19  }
0x16b: {  	v8 =	vadd.f32 v8, v9;
	v11 =	vadd.f32 v11, v15;
	v16 =	vld [tilespmem:s4+$0xFFFFFF80];
	v15 =	vunpack.i.l.bf16.f32 v17  }
0x16c: {  	v7 =	vadd.f32 v7, v14;
	v9 =	vld [tilespmem:s30+$0xFFFFFFB0];
	v3 =	vmul.f32 v3, v10  }
0x16d: {  	v14 =	vunpack.i.u.bf16.f32 v17;
	v8 =	vadd.f32 v26, v8;
	v11 =	vadd.f32 v24, v11;
	v10 =	vld [tilespmem:s4+$0xFFFFFFB0]  }
0x16e: {  	v17 =	vld [tilespmem:s30+$0xFFFFFF70];
	v1 =	vadd.f32 v3, v1;
	v3 =	vadd.f32 v15, v7;
	v7 =	vunpack.i.l.bf16.f32 v13  }
0x16f: {  	v8 =	vadd.f32 v8, v28;
	v11 =	vadd.f32 v11, v18;
	v15 =	vld [tilespmem:s4+$0xFFFFFF70]  }
0x170: {  	v13 =	vunpack.i.u.bf16.f32 v13;
	v18 =	vld [tilespmem:s30+$0xFFFFFFA0];
	v1 =	vadd.f32 v27, v1;
	v3 =	vadd.f32 v3, v14  }
0x171: {  	v7 =	vadd.f32 v7, v8;
	v11 =	vmul.f32 v11, v12;
	v14 =	vld [tilespmem:s4+$0xFFFFFFA0]  }
0x172: {  	v8 =	vld [tilespmem:s4+$0xFFFFFF60];
	v3 =	vmul.f32 v3, v6  }
0x173: {  	v7 =	vadd.f32 v7, v13;
	v1 =	vadd.f32 v11, v1;
	v6 =	vld [tilespmem:s30+$0xFFFFFF60]  }
0x174: {  	v11 =	vld [tilespmem:s30+$0xFFFFFFE0]  }
0x175: {  	v2 =	vmul.f32 v7, v2;
	v1 =	vadd.f32 v3, v1;
	v12 =	vld [tilespmem:s4+$0xFFFFFFE0]  }
0x176: {  	v13 =	vld [tilespmem:s4+$0x60]  }
0x177: {  	v1 =	vadd.f32 v2, v1;
	v3 =	vld [tilespmem:s30+$0x20]  }
0x178: {  	v2 =	vmul.bf16 v8, v6;
	v6 =	vmul.bf16 v14, v18;
	v7 =	vld [tilespmem:s4+$0x20]  }
0x179: {  	v8 =	vld [tilespmem:s30+$0xFFFFFFF0]  }
0x17a: {  	v14 =	vunpack.i.l.bf16.f32 v2;
	v18 =	vunpack.i.u.bf16.f32 v6;
	v6 =	vunpack.i.l.bf16.f32 v6;
	v19 =	vld [tilespmem:s4+$0x0]  }
0x17b: {  	v11 =	vmul.bf16 v12, v11;
	v14 =	vadd.f32 $0.0e+00, v14;
	v6 =	vadd.f32 $0.0e+00, v6;
	v12 =	vld [tilespmem:s4+$0xFFFFFFF0]  }
0x17c: {  	v15 =	vmul.bf16 v15, v17;
	v2 =	vunpack.i.u.bf16.f32 v2;
	v17 =	vld [tilespmem:s30+$0x60]  }
0x17d: {  	v9 =	vmul.bf16 v10, v9;
	v6 =	vadd.f32 v6, v18;
	v3 =	vmul.bf16 v7, v3;
	v7 =	vld [tilespmem:s4+$0x70]  }
0x17e: {  	v10 =	vmul.bf16 v16, v21;
	v16 =	vunpack.i.u.bf16.f32 v11;
	v18 =	vunpack.i.u.bf16.f32 v15;
	v21 =	vld [tilespmem:s30+$0x30]  }
0x17f: {  	s5 =	sadd.s32 s5, s1;
	v22 =	vunpack.i.l.bf16.f32 v9;
	v15 =	vunpack.i.l.bf16.f32 v15;
	v24 =	vld [tilespmem:s4+$0xFFFFFFD0];
	v25 =	vunpack.i.u.bf16.f32 v3  }
0x180: {  	s6 =	sadd.s32 $0x50, s5;
	s7 =	sadd.s32 $0x51, s5;
	s8 =	sadd.s32 $0x54, s5;
	v20 =	vmul.bf16 v20, v23;
	v26 =	vunpack.i.l.bf16.f32 v10;
	v27 =	vunpack.i.l.bf16.f32 v3;
	v23 =	vld [tilespmem:s30+$0xFFFFFFD0]  }
0x181: {  	v28 =	vmov s6;
	s6 =	sadd.s32 $0x52, s5;
	s5 =	sadd.s32 $0x53, s5;
	v9 =	vunpack.i.u.bf16.f32 v9;
	v6 =	vadd.f32 v22, v6;
	v22 =	vld [tilespmem:s30+$0x70]  }
0x182: {  	v30 =	vmov s8;
	v3 =	vunpack.i.u.bf16.f32 v10;
	v10 =	vunpack.i.l.bf16.f32 v20;
	v29 =	vld [tilespmem:s30+$0x40]  }
0x183: {  	v31 =	vmov s6;
	v6 =	vadd.f32 v6, v9;
	v9 =	vmul.bf16 v12, v8;
	v12 =	vld [tilespmem:s30+$0x0]  }
0x184: {  	v33 =	vmov s5;
	v8 =	vunpack.i.u.bf16.f32 v20;
	v20 =	vunpack.i.l.bf16.f32 v11;
	v32 =	vld [tilespmem:s4+$0xFFFFFF90]  }
0x185: {  	v6 =	vadd.f32 v10, v6;
	v10 =	vmov s7;
	v34 =	vld [tilespmem:s30+$0xFFFFFF90];
	v35 =	vmul.bf16 v24, v23  }
0x186: {  	v14 =	vadd.f32 v14, v2;
	v11 =	vunpack.i.u.bf16.f32 v9;
	v22 =	vmul.bf16 v7, v22;
	v36 =	vld [tilespmem:s4+$0x90]  }
0x187: {  	v6 =	vadd.f32 v6, v8;
	v23 =	vadd.f32 $0.0e+00, v27;
	v24 =	vmul.bf16 v5, v29;
	v2 =	vld.idx.msk [tilespmem:v30+s17+$0x0], $0xffff  }
0x188: {  	v20 =	vadd.f32 $0.0e+00, v20;
	v4 =	vmul.bf16 v4, v21;
	v8 =	vunpack.i.l.bf16.f32 v22;
	v30 =	vld [tilespmem:s30+$0x90]  }
0x189: {  	v13 =	vmul.bf16 v13, v17;
	v29 =	vunpack.i.l.bf16.f32 v9;
	v7 =	vunpack.i.l.bf16.f32 v24;
	v37 =	vld [tilespmem:s4+$0x80]  }
0x18a: {  	v17 =	vunpack.i.l.bf16.f32 v35;
	v21 =	vadd.f32 v23, v25;
	v9 =	vunpack.i.u.bf16.f32 v22;
	v5 =	vld.idx.msk [tilespmem:v10+s17+$0x0], $0xffff  }
0x18b: {  	v14 =	vadd.f32 v15, v14;
	v25 =	vadd.f32 v17, v6;
	v6 =	vmul.bf16 v19, v12;
	v10 =	vld.idx.msk [tilespmem:v28+s17+$0x0], $0xffff  }
0x18c: {  	v15 =	vunpack.i.l.bf16.f32 v13;
	v12 =	vadd.f32 v20, v16;
	v16 =	vunpack.i.u.bf16.f32 v4;
	v28 =	vld [tilespmem:s30+$0x80]  }
0x18d: {  	v4 =	vunpack.i.l.bf16.f32 v4;
	v22 =	vmul.bf16 v32, v34;
	v32 =	vadd.f32 $0.0e+00, v15;
	v19 =	vld [tilespmem:s4+$0x10]  }
.Ltmp4:
0x18e: {  	v18 =	vadd.f32 v14, v18;
	v15 =	vunpack.i.u.bf16.f32 v6;
	v17 =	vunpack.i.l.bf16.f32 v6;
	v23 =	vld [tilespmem:s30+$0x10];
	(pc) =	sbr.rel @p1 .LBB2_7-.Ltmp4, $4  }
0x18f: {  	v20 =	vadd.f32 v4, v21;
	v14 =	vunpack.i.u.bf16.f32 v24;
	v4 =	vunpack.i.u.bf16.f32 v13;
	v6 =	vld.idx.msk [tilespmem:v33+s17+$0x0], $0xffff  }
0x190: {  	v27 =	vadd.f32 v26, v18;
	v18 =	vunpack.i.u.bf16.f32 v22;
	v24 =	vunpack.i.l.bf16.f32 v22;
	v21 =	vld [tilespmem:s4+$0x50]  }
0x191: {  	v13 =	vunpack.i.u.bf16.f32 v35;
	v29 =	vadd.f32 v29, v12;
	v22 =	vld [tilespmem:s30+$0x50];
	v26 =	vmul.bf16 v37, v28  }
0x192: {  	s4 =	sadd.s32 $0x140, s4;
	v28 =	vadd.f32 v25, v13;
	v25 =	vadd.f32 v32, v4;
	v13 =	vmul.bf16 v36, v30;
	v12 =	vld.idx.msk [tilespmem:v31+s17+$0x0], $0xffff  }
0x193: {  	v3 =	vadd.f32 v27, v3  }
0x194: {  	v4 =	vadd.f32 v29, v11;
	v11 =	vmul.bf16 v19, v23  }
0x195: {  	v16 =	vadd.f32 v20, v16;
	v19 =	vunpack.i.u.bf16.f32 v26;
	v3 =	vadd.f32 v24, v3  }
0x196: {  	v5 =	vmul.f32 v28, v5;
	v8 =	vadd.f32 v8, v25;
	v4 =	vadd.f32 v17, v4  }
0x197: {  	v17 =	vunpack.i.l.bf16.f32 v26;
	v7 =	vadd.f32 v7, v16;
	v3 =	vadd.f32 v3, v18  }
0x198: {  	v16 =	vmul.bf16 v21, v22;
	v8 =	vadd.f32 v8, v9;
	v4 =	vadd.f32 v4, v15  }
0x199: {  	v9 =	vunpack.i.l.bf16.f32 v11;
	v7 =	vadd.f32 v7, v14;
	v3 =	vmul.f32 v3, v10  }
0x19a: {  	v8 =	vadd.f32 v17, v8;
	v10 =	vunpack.i.l.bf16.f32 v16;
	v4 =	vadd.f32 v9, v4  }
0x19b: {  	v9 =	vunpack.i.u.bf16.f32 v11;
	v1 =	vadd.f32 v3, v1;
	v3 =	vadd.f32 v10, v7  }
0x19c: {  	v4 =	vadd.f32 v4, v9;
	v7 =	vadd.f32 v8, v19  }
0x19d: {  	v8 =	vunpack.i.u.bf16.f32 v16;
	v9 =	vunpack.i.l.bf16.f32 v13;
	v1 =	vadd.f32 v5, v1  }
0x19e: {  	v3 =	vadd.f32 v3, v8;
	v4 =	vmul.f32 v4, v12;
	v5 =	vadd.f32 v9, v7  }
0x19f: {  	v7 =	vunpack.i.u.bf16.f32 v13  }
0x1a0: {  	v3 =	vmul.f32 v3, v6;
	v1 =	vadd.f32 v4, v1;
	v4 =	vadd.f32 v5, v7  }
0x1a1: {  	v5 =	vld [tilespmem:$0xD930]  }
0x1a2: {  	v1 =	vadd.f32 v3, v1;
	v2 =	vmul.f32 v4, v2;
	_ =	sdelay $0x1  }
0x1a3: {  	v1 =	vadd.f32 v2, v1;
	_ =	sdelay $0x1  }
0x1a4: {  	v1 =	vadd.f32 v5, v1;
	_ =	sdelay $0x1  }
0x1a5: {  	s4 =	sadd.s32 @!p0 $0x118, s19;
	s5 =	simm.s32 @!p0 $0x28;
	s6 =	simm.s32 @!p0 $0x9D30;
	[tilespmem:$0xD930] =	vst v1  }
0x1a6: {  	[tilespmem:s6], [sflag:$0x5] =	stream.indirect.gather @!p0 [spmem:s2], $0x40, s4, s5, $0xb8;
	[tilespmem:$0x17580] =	vst v63  }
0x1a7: {  	s4 =	sadd.s32 @!p0 $0x2828, s19;
	s6 =	simm.s32 @!p0 $0xA730  }
0x1a8: {  	[tilespmem:s6], [sflag:$0x6] =	stream.indirect.gather @!p0 [spmem:s2], $0x40, s4, s5, $0xb8;
	[tilespmem:$0x17580] =	vst v63  }
0x1a9: {  	_ =	swait.ge [sflag:s26], $0xA00  }
0x1aa: {  	[sflag:s26] =	ssyncset.done $0x0  }
0x1ab: {  	[sflag:s26] =	ssyncadd.s32 $0xFFFFF600  }
0x1ac: {  	_ =	swait.ge [sflag:s13], $0xA00  }
0x1ad: {  	[sflag:s13] =	ssyncset.done $0x0  }
0x1ae: {  	s4 =	simm.s32 $0xBBD0;
	[sflag:s13] =	ssyncadd.s32 $0xFFFFF600  }
0x1af: {  	s30 =	simm.s32 $0xB1D0;
	v4 =	vld [tilespmem:s4+$0x30]  }
0x1b0: {  	v2 =	vld [tilespmem:s30+$0xFFFFFFC0]  }
0x1b1: {  	v3 =	vld [tilespmem:s4+$0xFFFFFFC0]  }
0x1b2: {  	v6 =	vld [tilespmem:s30+$0xFFFFFF80]  }
0x1b3: {  	v7 =	vld [tilespmem:s4+$0xFFFFFF80]  }
0x1b4: {  	v8 =	vld [tilespmem:s30+$0xFFFFFFB0]  }
0x1b5: {  	v9 =	vld [tilespmem:s4+$0xFFFFFFB0]  }
0x1b6: {  	v10 =	vld [tilespmem:s30+$0xFFFFFF70]  }
0x1b7: {  	v11 =	vld [tilespmem:s4+$0xFFFFFF70]  }
0x1b8: {  	v1 =	vld [tilespmem:s30+$0xFFFFFFA0]  }
0x1b9: {  	v12 =	vld [tilespmem:s4+$0xFFFFFFA0]  }
0x1ba: {  	v13 =	vld [tilespmem:s4+$0xFFFFFF60]  }
0x1bb: {  	v14 =	vld [tilespmem:s30+$0xFFFFFF60]  }
0x1bc: {  	v15 =	vld [tilespmem:s30+$0xFFFFFFE0]  }
0x1bd: {  	v16 =	vld [tilespmem:s4+$0xFFFFFFE0]  }
0x1be: {  	v19 =	vld [tilespmem:s30+$0xFFFFFFF0]  }
0x1bf: {  	v23 =	vld [tilespmem:s4+$0xFFFFFFF0]  }
0x1c0: {  	s5 =	sadd.s32 $0x0, s1;
	v24 =	vld [tilespmem:s4+$0xFFFFFFD0]  }
0x1c1: {  	s16 =	sadd.s32 $0x78, s5;
	v27 =	vld [tilespmem:s30+$0xFFFFFFD0]  }
0x1c2: {  	s7 =	sadd.s32 $0x7C, s5;
	v28 =	vmov s16;
	v5 =	vld [tilespmem:s4+$0x40];
	v13 =	vmul.bf16 v13, v14  }
0x1c3: {  	s8 =	sadd.s32 $0x7A, s5;
	v30 =	vmov s7;
	v17 =	vld [tilespmem:s4+$0x60];
	v12 =	vmul.bf16 v12, v1;
	v15 =	vmul.bf16 v16, v15  }
0x1c4: {  	s16 =	sadd.s32 $0x7B, s5;
	v31 =	vmov s8;
	v18 =	vld [tilespmem:s30+$0x20];
	v10 =	vmul.bf16 v11, v10;
	v8 =	vmul.bf16 v9, v8  }
0x1c5: {  	v33 =	vmov s16;
	v22 =	vld [tilespmem:s4+$0x0];
	v6 =	vmul.bf16 v7, v6;
	v2 =	vmul.bf16 v3, v2  }
0x1c6: {  	s5 =	sadd.s32 $0x79, s5;
	v14 =	vld [tilespmem:s4+$0x20];
	v1 =	vimm.f32 $0.0e+00;
	v19 =	vmul.bf16 v23, v19;
	v35 =	vmul.bf16 v24, v27  }
0x1c7: {  	v29 =	vld [tilespmem:s30+$0x40];
	v24 =	vmov s5;
	v20 =	vunpack.i.l.bf16.f32 v13;
	v21 =	vunpack.i.l.bf16.f32 v12  }
0x1c8: {  	v32 =	vld [tilespmem:s4+$0xFFFFFF90];
	v12 =	vunpack.i.u.bf16.f32 v12;
	v13 =	vunpack.i.u.bf16.f32 v13;
	v21 =	vadd.f32 $0.0e+00, v21  }
0x1c9: {  	v16 =	vld [tilespmem:s30+$0x60];
	v26 =	vunpack.i.l.bf16.f32 v6;
	v3 =	vunpack.i.u.bf16.f32 v6;
	v6 =	vunpack.i.l.bf16.f32 v2  }
0x1ca: {  	v7 =	vld [tilespmem:s30+$0x30];
	v2 =	vunpack.i.u.bf16.f32 v2;
	v20 =	vadd.f32 $0.0e+00, v20;
	v11 =	vadd.f32 v21, v12  }
0x1cb: {  	v9 =	vmul.bf16 v14, v18;
	v12 =	vld [tilespmem:s4+$0x70];
	v14 =	vunpack.i.u.bf16.f32 v10;
	v21 =	vunpack.i.l.bf16.f32 v8  }
0x1cc: {  	v18 =	vunpack.i.u.bf16.f32 v15;
	v10 =	vunpack.i.l.bf16.f32 v10;
	v11 =	vadd.f32 v21, v11;
	v21 =	vld [tilespmem:s30+$0x70]  }
0x1cd: {  	v34 =	vld [tilespmem:s30+$0xFFFFFF90];
	v8 =	vunpack.i.u.bf16.f32 v8;
	v15 =	vunpack.i.l.bf16.f32 v15;
	v13 =	vadd.f32 v20, v13  }
0x1ce: {  	v36 =	vld [tilespmem:s4+$0x90];
	v25 =	vunpack.i.u.bf16.f32 v9;
	v9 =	vunpack.i.l.bf16.f32 v9;
	v8 =	vadd.f32 v11, v8  }
0x1cf: {  	v37 =	vld [tilespmem:s4+$0x80];
	v4 =	vmul.bf16 v4, v7;
	v27 =	vmul.bf16 v17, v16;
	v9 =	vadd.f32 $0.0e+00, v9  }
0x1d0: {  	v23 =	vld [tilespmem:s30+$0x0];
	v16 =	vunpack.i.l.bf16.f32 v35;
	v15 =	vadd.f32 $0.0e+00, v15;
	v6 =	vadd.f32 v6, v8  }
0x1d1: {  	v20 =	vadd.f32 v9, v25;
	v25 =	vld [tilespmem:s30+$0x80];
	v12 =	vmul.bf16 v12, v21;
	v21 =	vmul.bf16 v5, v29  }
0x1d2: {  	v11 =	vunpack.i.u.bf16.f32 v19;
	v29 =	vunpack.i.l.bf16.f32 v19;
	v5 =	vld.idx.msk [tilespmem:v24+s17+$0x0], $0xffff;
	v6 =	vadd.f32 v6, v2  }
0x1d3: {  	v24 =	vmul.bf16 v32, v34;
	v19 =	vld [tilespmem:s4+$0x10];
	v8 =	vunpack.i.l.bf16.f32 v12;
	v7 =	vunpack.i.l.bf16.f32 v21  }
0x1d4: {  	v2 =	vld.idx.msk [tilespmem:v30+s17+$0x0], $0xffff;
	v9 =	vunpack.i.u.bf16.f32 v12;
	v12 =	vadd.f32 v10, v13;
	v13 =	vadd.f32 v16, v6  }
0x1d5: {  	v30 =	vld [tilespmem:s30+$0x90];
	v6 =	vmul.bf16 v22, v23;
	v22 =	vadd.f32 v15, v18;
	v16 =	vunpack.i.u.bf16.f32 v4  }
0x1d6: {  	v10 =	vld.idx.msk [tilespmem:v28+s17+$0x0], $0xffff;
	v15 =	vunpack.i.l.bf16.f32 v27;
	v4 =	vunpack.i.l.bf16.f32 v4;
	v18 =	vunpack.i.u.bf16.f32 v24  }
0x1d7: {  	v23 =	vld [tilespmem:s30+$0x10];
	v24 =	vunpack.i.l.bf16.f32 v24;
	v63 =	vadd.f32 $0.0e+00, v15;
	v12 =	vadd.f32 v12, v14  }
0x1d8: {  	v20 =	vadd.f32 v4, v20;
	v14 =	vunpack.i.u.bf16.f32 v21;
	v4 =	vunpack.i.u.bf16.f32 v27;
	v21 =	vld [tilespmem:s4+$0x50]  }
0x1d9: {  	v15 =	vunpack.i.u.bf16.f32 v6;
	v17 =	vunpack.i.l.bf16.f32 v6;
	v6 =	vld.idx.msk [tilespmem:v33+s17+$0x0], $0xffff;
	v29 =	vadd.f32 v29, v22  }
0x1da: {  	v22 =	vld [tilespmem:s30+$0x50];
	v27 =	vadd.f32 v26, v12;
	v12 =	vunpack.i.u.bf16.f32 v35;
	v26 =	vmul.bf16 v37, v25  }
0x1db: {  	s16 =	simm.s32 $0x5;
	s4 =	simm.s32 $0xBD10;
	v25 =	vadd.f32 v63, v4;
	v28 =	vadd.f32 v13, v12;
	v12 =	vld.idx.msk [tilespmem:v31+s17+$0x0], $0xffff;
	v13 =	vmul.bf16 v36, v30  }
.LBB2_9:
0x1dc: {  	p1 =	sne.s32 s16, $0x23  }
0x1dd: {  	v4 =	vld [tilespmem:s4+$0x30];
	v3 =	vadd.f32 v27, v3;
	v11 =	vadd.f32 v29, v11;
	v19 =	vmul.bf16 v19, v23;
	s30 =	sadd.s32 $0x140, s30;
	s5 =	smov.u32 s16;
	s16 =	sadd.s32 $0x5, s16  }
0x1de: {  	v23 =	vld [tilespmem:s30+$0xFFFFFFC0];
	v27 =	vmul.f32 v28, v5;
	v28 =	vunpack.i.u.bf16.f32 v26;
	v26 =	vunpack.i.l.bf16.f32 v26  }
0x1df: {  	v16 =	vadd.f32 v20, v16;
	v5 =	vld [tilespmem:s4+$0x40];
	v3 =	vadd.f32 v24, v3;
	v24 =	vunpack.i.l.bf16.f32 v19  }
0x1e0: {  	v8 =	vadd.f32 v8, v25;
	v11 =	vadd.f32 v17, v11;
	v20 =	vld [tilespmem:s4+$0xFFFFFFC0];
	v17 =	vmul.bf16 v21, v22  }
0x1e1: {  	v7 =	vadd.f32 v7, v16;
	v21 =	vld [tilespmem:s30+$0xFFFFFF80];
	v3 =	vadd.f32 v3, v18;
	v18 =	vunpack.i.u.bf16.f32 v19  }
0x1e2: {  	v8 =	vadd.f32 v8, v9;
	v11 =	vadd.f32 v11, v15;
	v16 =	vld [tilespmem:s4+$0xFFFFFF80];
	v15 =	vunpack.i.l.bf16.f32 v17  }
0x1e3: {  	v7 =	vadd.f32 v7, v14;
	v9 =	vld [tilespmem:s30+$0xFFFFFFB0];
	v3 =	vmul.f32 v3, v10  }
0x1e4: {  	v14 =	vunpack.i.u.bf16.f32 v17;
	v8 =	vadd.f32 v26, v8;
	v11 =	vadd.f32 v24, v11;
	v10 =	vld [tilespmem:s4+$0xFFFFFFB0]  }
0x1e5: {  	v17 =	vld [tilespmem:s30+$0xFFFFFF70];
	v1 =	vadd.f32 v3, v1;
	v3 =	vadd.f32 v15, v7;
	v7 =	vunpack.i.l.bf16.f32 v13  }
0x1e6: {  	v8 =	vadd.f32 v8, v28;
	v11 =	vadd.f32 v11, v18;
	v15 =	vld [tilespmem:s4+$0xFFFFFF70]  }
0x1e7: {  	v13 =	vunpack.i.u.bf16.f32 v13;
	v18 =	vld [tilespmem:s30+$0xFFFFFFA0];
	v1 =	vadd.f32 v27, v1;
	v3 =	vadd.f32 v3, v14  }
0x1e8: {  	v7 =	vadd.f32 v7, v8;
	v11 =	vmul.f32 v11, v12;
	v14 =	vld [tilespmem:s4+$0xFFFFFFA0]  }
0x1e9: {  	v8 =	vld [tilespmem:s4+$0xFFFFFF60];
	v3 =	vmul.f32 v3, v6  }
0x1ea: {  	v7 =	vadd.f32 v7, v13;
	v1 =	vadd.f32 v11, v1;
	v6 =	vld [tilespmem:s30+$0xFFFFFF60]  }
0x1eb: {  	v11 =	vld [tilespmem:s30+$0xFFFFFFE0]  }
0x1ec: {  	v2 =	vmul.f32 v7, v2;
	v1 =	vadd.f32 v3, v1;
	v12 =	vld [tilespmem:s4+$0xFFFFFFE0]  }
0x1ed: {  	v13 =	vld [tilespmem:s4+$0x60]  }
0x1ee: {  	v1 =	vadd.f32 v2, v1;
	v3 =	vld [tilespmem:s30+$0x20]  }
0x1ef: {  	v2 =	vmul.bf16 v8, v6;
	v6 =	vmul.bf16 v14, v18;
	v7 =	vld [tilespmem:s4+$0x20]  }
0x1f0: {  	v8 =	vld [tilespmem:s30+$0xFFFFFFF0]  }
0x1f1: {  	v14 =	vunpack.i.l.bf16.f32 v2;
	v18 =	vunpack.i.u.bf16.f32 v6;
	v6 =	vunpack.i.l.bf16.f32 v6;
	v19 =	vld [tilespmem:s4+$0x0]  }
0x1f2: {  	v11 =	vmul.bf16 v12, v11;
	v14 =	vadd.f32 $0.0e+00, v14;
	v6 =	vadd.f32 $0.0e+00, v6;
	v12 =	vld [tilespmem:s4+$0xFFFFFFF0]  }
0x1f3: {  	v15 =	vmul.bf16 v15, v17;
	v2 =	vunpack.i.u.bf16.f32 v2;
	v17 =	vld [tilespmem:s30+$0x60]  }
0x1f4: {  	v9 =	vmul.bf16 v10, v9;
	v6 =	vadd.f32 v6, v18;
	v3 =	vmul.bf16 v7, v3;
	v7 =	vld [tilespmem:s4+$0x70]  }
0x1f5: {  	v10 =	vmul.bf16 v16, v21;
	v16 =	vunpack.i.u.bf16.f32 v11;
	v18 =	vunpack.i.u.bf16.f32 v15;
	v21 =	vld [tilespmem:s30+$0x30]  }
0x1f6: {  	s5 =	sadd.s32 s5, s1;
	v22 =	vunpack.i.l.bf16.f32 v9;
	v15 =	vunpack.i.l.bf16.f32 v15;
	v24 =	vld [tilespmem:s4+$0xFFFFFFD0];
	v25 =	vunpack.i.u.bf16.f32 v3  }
0x1f7: {  	s6 =	sadd.s32 $0x78, s5;
	s7 =	sadd.s32 $0x79, s5;
	s8 =	sadd.s32 $0x7C, s5;
	v20 =	vmul.bf16 v20, v23;
	v26 =	vunpack.i.l.bf16.f32 v10;
	v27 =	vunpack.i.l.bf16.f32 v3;
	v23 =	vld [tilespmem:s30+$0xFFFFFFD0]  }
0x1f8: {  	v28 =	vmov s6;
	s6 =	sadd.s32 $0x7A, s5;
	s5 =	sadd.s32 $0x7B, s5;
	v9 =	vunpack.i.u.bf16.f32 v9;
	v6 =	vadd.f32 v22, v6;
	v22 =	vld [tilespmem:s30+$0x70]  }
0x1f9: {  	v30 =	vmov s8;
	v3 =	vunpack.i.u.bf16.f32 v10;
	v10 =	vunpack.i.l.bf16.f32 v20;
	v29 =	vld [tilespmem:s30+$0x40]  }
0x1fa: {  	v31 =	vmov s6;
	v6 =	vadd.f32 v6, v9;
	v9 =	vmul.bf16 v12, v8;
	v12 =	vld [tilespmem:s30+$0x0]  }
0x1fb: {  	v33 =	vmov s5;
	v8 =	vunpack.i.u.bf16.f32 v20;
	v20 =	vunpack.i.l.bf16.f32 v11;
	v32 =	vld [tilespmem:s4+$0xFFFFFF90]  }
0x1fc: {  	v6 =	vadd.f32 v10, v6;
	v10 =	vmov s7;
	v34 =	vld [tilespmem:s30+$0xFFFFFF90];
	v35 =	vmul.bf16 v24, v23  }
0x1fd: {  	v14 =	vadd.f32 v14, v2;
	v11 =	vunpack.i.u.bf16.f32 v9;
	v22 =	vmul.bf16 v7, v22;
	v36 =	vld [tilespmem:s4+$0x90]  }
0x1fe: {  	v6 =	vadd.f32 v6, v8;
	v23 =	vadd.f32 $0.0e+00, v27;
	v24 =	vmul.bf16 v5, v29;
	v2 =	vld.idx.msk [tilespmem:v30+s17+$0x0], $0xffff  }
0x1ff: {  	v20 =	vadd.f32 $0.0e+00, v20;
	v4 =	vmul.bf16 v4, v21;
	v8 =	vunpack.i.l.bf16.f32 v22;
	v30 =	vld [tilespmem:s30+$0x90]  }
0x200: {  	v13 =	vmul.bf16 v13, v17;
	v29 =	vunpack.i.l.bf16.f32 v9;
	v7 =	vunpack.i.l.bf16.f32 v24;
	v37 =	vld [tilespmem:s4+$0x80]  }
0x201: {  	v17 =	vunpack.i.l.bf16.f32 v35;
	v21 =	vadd.f32 v23, v25;
	v9 =	vunpack.i.u.bf16.f32 v22;
	v5 =	vld.idx.msk [tilespmem:v10+s17+$0x0], $0xffff  }
0x202: {  	v14 =	vadd.f32 v15, v14;
	v25 =	vadd.f32 v17, v6;
	v6 =	vmul.bf16 v19, v12;
	v10 =	vld.idx.msk [tilespmem:v28+s17+$0x0], $0xffff  }
0x203: {  	v15 =	vunpack.i.l.bf16.f32 v13;
	v12 =	vadd.f32 v20, v16;
	v16 =	vunpack.i.u.bf16.f32 v4;
	v28 =	vld [tilespmem:s30+$0x80]  }
0x204: {  	v4 =	vunpack.i.l.bf16.f32 v4;
	v22 =	vmul.bf16 v32, v34;
	v32 =	vadd.f32 $0.0e+00, v15;
	v19 =	vld [tilespmem:s4+$0x10]  }
.Ltmp5:
0x205: {  	v18 =	vadd.f32 v14, v18;
	v15 =	vunpack.i.u.bf16.f32 v6;
	v17 =	vunpack.i.l.bf16.f32 v6;
	v23 =	vld [tilespmem:s30+$0x10];
	(pc) =	sbr.rel @p1 .LBB2_9-.Ltmp5, $4  }
0x206: {  	v20 =	vadd.f32 v4, v21;
	v14 =	vunpack.i.u.bf16.f32 v24;
	v4 =	vunpack.i.u.bf16.f32 v13;
	v6 =	vld.idx.msk [tilespmem:v33+s17+$0x0], $0xffff  }
0x207: {  	v27 =	vadd.f32 v26, v18;
	v18 =	vunpack.i.u.bf16.f32 v22;
	v24 =	vunpack.i.l.bf16.f32 v22;
	v21 =	vld [tilespmem:s4+$0x50]  }
0x208: {  	v13 =	vunpack.i.u.bf16.f32 v35;
	v29 =	vadd.f32 v29, v12;
	v22 =	vld [tilespmem:s30+$0x50];
	v26 =	vmul.bf16 v37, v28  }
0x209: {  	s4 =	sadd.s32 $0x140, s4;
	v28 =	vadd.f32 v25, v13;
	v25 =	vadd.f32 v32, v4;
	v13 =	vmul.bf16 v36, v30;
	v12 =	vld.idx.msk [tilespmem:v31+s17+$0x0], $0xffff  }
0x20a: {  	v3 =	vadd.f32 v27, v3  }
0x20b: {  	v4 =	vadd.f32 v29, v11;
	v11 =	vmul.bf16 v19, v23  }
0x20c: {  	v16 =	vadd.f32 v20, v16;
	v19 =	vunpack.i.u.bf16.f32 v26;
	v3 =	vadd.f32 v24, v3  }
0x20d: {  	v5 =	vmul.f32 v28, v5;
	v8 =	vadd.f32 v8, v25;
	v4 =	vadd.f32 v17, v4  }
0x20e: {  	v17 =	vunpack.i.l.bf16.f32 v26;
	v7 =	vadd.f32 v7, v16;
	v3 =	vadd.f32 v3, v18  }
0x20f: {  	v16 =	vmul.bf16 v21, v22;
	v8 =	vadd.f32 v8, v9;
	v4 =	vadd.f32 v4, v15  }
0x210: {  	v9 =	vunpack.i.l.bf16.f32 v11;
	v7 =	vadd.f32 v7, v14;
	v3 =	vmul.f32 v3, v10  }
0x211: {  	v8 =	vadd.f32 v17, v8;
	v10 =	vunpack.i.l.bf16.f32 v16;
	v4 =	vadd.f32 v9, v4  }
0x212: {  	v9 =	vunpack.i.u.bf16.f32 v11;
	v1 =	vadd.f32 v3, v1;
	v3 =	vadd.f32 v10, v7  }
0x213: {  	v4 =	vadd.f32 v4, v9;
	v7 =	vadd.f32 v8, v19  }
0x214: {  	v8 =	vunpack.i.u.bf16.f32 v16;
	v9 =	vunpack.i.l.bf16.f32 v13;
	v1 =	vadd.f32 v5, v1  }
0x215: {  	v3 =	vadd.f32 v3, v8;
	v4 =	vmul.f32 v4, v12;
	v5 =	vadd.f32 v9, v7  }
0x216: {  	v7 =	vunpack.i.u.bf16.f32 v13  }
0x217: {  	v3 =	vmul.f32 v3, v6;
	v1 =	vadd.f32 v4, v1;
	v4 =	vadd.f32 v5, v7  }
0x218: {  	v5 =	vld [tilespmem:$0xD930]  }
0x219: {  	v1 =	vadd.f32 v3, v1;
	v2 =	vmul.f32 v4, v2;
	_ =	sdelay $0x1  }
0x21a: {  	v1 =	vadd.f32 v2, v1;
	_ =	sdelay $0x1  }
0x21b: {  	v1 =	vadd.f32 v5, v1;
	_ =	sdelay $0x1  }
0x21c: {  	s4 =	sadd.s32 @!p0 $0x140, s19;
	s5 =	simm.s32 @!p0 $0x28;
	s6 =	simm.s32 @!p0 $0xB130;
	[tilespmem:$0xD930] =	vst v1  }
0x21d: {  	[tilespmem:s6], [sflag:$0x7] =	stream.indirect.gather @!p0 [spmem:s2], $0x40, s4, s5, $0xb8;
	[tilespmem:$0x17580] =	vst v63  }
0x21e: {  	s4 =	sadd.s32 @!p0 $0x2850, s19;
	s6 =	simm.s32 @!p0 $0xBB30  }
0x21f: {  	[tilespmem:s6], [sflag:$0x8] =	stream.indirect.gather @!p0 [spmem:s2], $0x40, s4, s5, $0xb8;
	[tilespmem:$0x17580] =	vst v63  }
0x220: {  	_ =	swait.ge [sflag:s28], $0xA00  }
0x221: {  	[sflag:s28] =	ssyncset.done $0x0  }
0x222: {  	[sflag:s28] =	ssyncadd.s32 $0xFFFFF600  }
0x223: {  	_ =	swait.ge [sflag:s29], $0xA00  }
0x224: {  	[sflag:s29] =	ssyncset.done $0x0  }
0x225: {  	s4 =	simm.s32 $0xCFD0;
	[sflag:s29] =	ssyncadd.s32 $0xFFFFF600  }
0x226: {  	s30 =	simm.s32 $0xC5D0;
	v4 =	vld [tilespmem:s4+$0x30]  }
0x227: {  	v2 =	vld [tilespmem:s30+$0xFFFFFFC0]  }
0x228: {  	v3 =	vld [tilespmem:s4+$0xFFFFFFC0]  }
0x229: {  	v6 =	vld [tilespmem:s30+$0xFFFFFF80]  }
0x22a: {  	v7 =	vld [tilespmem:s4+$0xFFFFFF80]  }
0x22b: {  	v8 =	vld [tilespmem:s30+$0xFFFFFFB0]  }
0x22c: {  	v9 =	vld [tilespmem:s4+$0xFFFFFFB0]  }
0x22d: {  	v10 =	vld [tilespmem:s30+$0xFFFFFF70]  }
0x22e: {  	v11 =	vld [tilespmem:s4+$0xFFFFFF70]  }
0x22f: {  	v1 =	vld [tilespmem:s30+$0xFFFFFFA0]  }
0x230: {  	v12 =	vld [tilespmem:s4+$0xFFFFFFA0]  }
0x231: {  	v13 =	vld [tilespmem:s4+$0xFFFFFF60]  }
0x232: {  	v14 =	vld [tilespmem:s30+$0xFFFFFF60]  }
0x233: {  	v15 =	vld [tilespmem:s30+$0xFFFFFFE0]  }
0x234: {  	v16 =	vld [tilespmem:s4+$0xFFFFFFE0]  }
0x235: {  	v19 =	vld [tilespmem:s30+$0xFFFFFFF0]  }
0x236: {  	v23 =	vld [tilespmem:s4+$0xFFFFFFF0]  }
0x237: {  	s5 =	sadd.s32 $0x0, s1;
	v24 =	vld [tilespmem:s4+$0xFFFFFFD0]  }
0x238: {  	s16 =	sadd.s32 $0xA0, s5;
	v27 =	vld [tilespmem:s30+$0xFFFFFFD0]  }
0x239: {  	s7 =	sadd.s32 $0xA4, s5;
	v28 =	vmov s16;
	v5 =	vld [tilespmem:s4+$0x40];
	v13 =	vmul.bf16 v13, v14  }
0x23a: {  	s8 =	sadd.s32 $0xA2, s5;
	v30 =	vmov s7;
	v17 =	vld [tilespmem:s4+$0x60];
	v12 =	vmul.bf16 v12, v1;
	v15 =	vmul.bf16 v16, v15  }
0x23b: {  	s16 =	sadd.s32 $0xA3, s5;
	v31 =	vmov s8;
	v18 =	vld [tilespmem:s30+$0x20];
	v10 =	vmul.bf16 v11, v10;
	v8 =	vmul.bf16 v9, v8  }
0x23c: {  	v33 =	vmov s16;
	v22 =	vld [tilespmem:s4+$0x0];
	v6 =	vmul.bf16 v7, v6;
	v2 =	vmul.bf16 v3, v2  }
0x23d: {  	s5 =	sadd.s32 $0xA1, s5;
	v14 =	vld [tilespmem:s4+$0x20];
	v1 =	vimm.f32 $0.0e+00;
	v19 =	vmul.bf16 v23, v19;
	v35 =	vmul.bf16 v24, v27  }
0x23e: {  	v29 =	vld [tilespmem:s30+$0x40];
	v24 =	vmov s5;
	v20 =	vunpack.i.l.bf16.f32 v13;
	v21 =	vunpack.i.l.bf16.f32 v12  }
0x23f: {  	v32 =	vld [tilespmem:s4+$0xFFFFFF90];
	v12 =	vunpack.i.u.bf16.f32 v12;
	v13 =	vunpack.i.u.bf16.f32 v13;
	v21 =	vadd.f32 $0.0e+00, v21  }
0x240: {  	v16 =	vld [tilespmem:s30+$0x60];
	v26 =	vunpack.i.l.bf16.f32 v6;
	v3 =	vunpack.i.u.bf16.f32 v6;
	v6 =	vunpack.i.l.bf16.f32 v2  }
0x241: {  	v7 =	vld [tilespmem:s30+$0x30];
	v2 =	vunpack.i.u.bf16.f32 v2;
	v20 =	vadd.f32 $0.0e+00, v20;
	v11 =	vadd.f32 v21, v12  }
0x242: {  	v9 =	vmul.bf16 v14, v18;
	v12 =	vld [tilespmem:s4+$0x70];
	v14 =	vunpack.i.u.bf16.f32 v10;
	v21 =	vunpack.i.l.bf16.f32 v8  }
0x243: {  	v18 =	vunpack.i.u.bf16.f32 v15;
	v10 =	vunpack.i.l.bf16.f32 v10;
	v11 =	vadd.f32 v21, v11;
	v21 =	vld [tilespmem:s30+$0x70]  }
0x244: {  	v34 =	vld [tilespmem:s30+$0xFFFFFF90];
	v8 =	vunpack.i.u.bf16.f32 v8;
	v15 =	vunpack.i.l.bf16.f32 v15;
	v13 =	vadd.f32 v20, v13  }
0x245: {  	v36 =	vld [tilespmem:s4+$0x90];
	v25 =	vunpack.i.u.bf16.f32 v9;
	v9 =	vunpack.i.l.bf16.f32 v9;
	v8 =	vadd.f32 v11, v8  }
0x246: {  	v37 =	vld [tilespmem:s4+$0x80];
	v4 =	vmul.bf16 v4, v7;
	v27 =	vmul.bf16 v17, v16;
	v9 =	vadd.f32 $0.0e+00, v9  }
0x247: {  	v23 =	vld [tilespmem:s30+$0x0];
	v16 =	vunpack.i.l.bf16.f32 v35;
	v15 =	vadd.f32 $0.0e+00, v15;
	v6 =	vadd.f32 v6, v8  }
0x248: {  	v20 =	vadd.f32 v9, v25;
	v25 =	vld [tilespmem:s30+$0x80];
	v12 =	vmul.bf16 v12, v21;
	v21 =	vmul.bf16 v5, v29  }
0x249: {  	v11 =	vunpack.i.u.bf16.f32 v19;
	v29 =	vunpack.i.l.bf16.f32 v19;
	v5 =	vld.idx.msk [tilespmem:v24+s17+$0x0], $0xffff;
	v6 =	vadd.f32 v6, v2  }
0x24a: {  	v24 =	vmul.bf16 v32, v34;
	v19 =	vld [tilespmem:s4+$0x10];
	v8 =	vunpack.i.l.bf16.f32 v12;
	v7 =	vunpack.i.l.bf16.f32 v21  }
0x24b: {  	v2 =	vld.idx.msk [tilespmem:v30+s17+$0x0], $0xffff;
	v9 =	vunpack.i.u.bf16.f32 v12;
	v12 =	vadd.f32 v10, v13;
	v13 =	vadd.f32 v16, v6  }
0x24c: {  	v30 =	vld [tilespmem:s30+$0x90];
	v6 =	vmul.bf16 v22, v23;
	v22 =	vadd.f32 v15, v18;
	v16 =	vunpack.i.u.bf16.f32 v4  }
0x24d: {  	v10 =	vld.idx.msk [tilespmem:v28+s17+$0x0], $0xffff;
	v15 =	vunpack.i.l.bf16.f32 v27;
	v4 =	vunpack.i.l.bf16.f32 v4;
	v18 =	vunpack.i.u.bf16.f32 v24  }
0x24e: {  	v23 =	vld [tilespmem:s30+$0x10];
	v24 =	vunpack.i.l.bf16.f32 v24;
	v63 =	vadd.f32 $0.0e+00, v15;
	v12 =	vadd.f32 v12, v14  }
0x24f: {  	v20 =	vadd.f32 v4, v20;
	v14 =	vunpack.i.u.bf16.f32 v21;
	v4 =	vunpack.i.u.bf16.f32 v27;
	v21 =	vld [tilespmem:s4+$0x50]  }
0x250: {  	v15 =	vunpack.i.u.bf16.f32 v6;
	v17 =	vunpack.i.l.bf16.f32 v6;
	v6 =	vld.idx.msk [tilespmem:v33+s17+$0x0], $0xffff;
	v29 =	vadd.f32 v29, v22  }
0x251: {  	v22 =	vld [tilespmem:s30+$0x50];
	v27 =	vadd.f32 v26, v12;
	v12 =	vunpack.i.u.bf16.f32 v35;
	v26 =	vmul.bf16 v37, v25  }
0x252: {  	s16 =	simm.s32 $0x5;
	s4 =	simm.s32 $0xD110;
	v25 =	vadd.f32 v63, v4;
	v28 =	vadd.f32 v13, v12;
	v12 =	vld.idx.msk [tilespmem:v31+s17+$0x0], $0xffff;
	v13 =	vmul.bf16 v36, v30  }
.LBB2_11:
0x253: {  	p1 =	sne.s32 s16, $0x23  }
0x254: {  	v4 =	vld [tilespmem:s4+$0x30];
	v3 =	vadd.f32 v27, v3;
	v11 =	vadd.f32 v29, v11;
	v19 =	vmul.bf16 v19, v23;
	s30 =	sadd.s32 $0x140, s30;
	s5 =	smov.u32 s16;
	s16 =	sadd.s32 $0x5, s16  }
0x255: {  	v23 =	vld [tilespmem:s30+$0xFFFFFFC0];
	v27 =	vmul.f32 v28, v5;
	v28 =	vunpack.i.u.bf16.f32 v26;
	v26 =	vunpack.i.l.bf16.f32 v26  }
0x256: {  	v16 =	vadd.f32 v20, v16;
	v5 =	vld [tilespmem:s4+$0x40];
	v3 =	vadd.f32 v24, v3;
	v24 =	vunpack.i.l.bf16.f32 v19  }
0x257: {  	v8 =	vadd.f32 v8, v25;
	v11 =	vadd.f32 v17, v11;
	v20 =	vld [tilespmem:s4+$0xFFFFFFC0];
	v17 =	vmul.bf16 v21, v22  }
0x258: {  	v7 =	vadd.f32 v7, v16;
	v21 =	vld [tilespmem:s30+$0xFFFFFF80];
	v3 =	vadd.f32 v3, v18;
	v18 =	vunpack.i.u.bf16.f32 v19  }
0x259: {  	v8 =	vadd.f32 v8, v9;
	v11 =	vadd.f32 v11, v15;
	v16 =	vld [tilespmem:s4+$0xFFFFFF80];
	v15 =	vunpack.i.l.bf16.f32 v17  }
0x25a: {  	v7 =	vadd.f32 v7, v14;
	v9 =	vld [tilespmem:s30+$0xFFFFFFB0];
	v3 =	vmul.f32 v3, v10  }
0x25b: {  	v14 =	vunpack.i.u.bf16.f32 v17;
	v8 =	vadd.f32 v26, v8;
	v11 =	vadd.f32 v24, v11;
	v10 =	vld [tilespmem:s4+$0xFFFFFFB0]  }
0x25c: {  	v17 =	vld [tilespmem:s30+$0xFFFFFF70];
	v1 =	vadd.f32 v3, v1;
	v3 =	vadd.f32 v15, v7;
	v7 =	vunpack.i.l.bf16.f32 v13  }
0x25d: {  	v8 =	vadd.f32 v8, v28;
	v11 =	vadd.f32 v11, v18;
	v15 =	vld [tilespmem:s4+$0xFFFFFF70]  }
0x25e: {  	v13 =	vunpack.i.u.bf16.f32 v13;
	v18 =	vld [tilespmem:s30+$0xFFFFFFA0];
	v1 =	vadd.f32 v27, v1;
	v3 =	vadd.f32 v3, v14  }
0x25f: {  	v7 =	vadd.f32 v7, v8;
	v11 =	vmul.f32 v11, v12;
	v14 =	vld [tilespmem:s4+$0xFFFFFFA0]  }
0x260: {  	v8 =	vld [tilespmem:s4+$0xFFFFFF60];
	v3 =	vmul.f32 v3, v6  }
0x261: {  	v7 =	vadd.f32 v7, v13;
	v1 =	vadd.f32 v11, v1;
	v6 =	vld [tilespmem:s30+$0xFFFFFF60]  }
0x262: {  	v11 =	vld [tilespmem:s30+$0xFFFFFFE0]  }
0x263: {  	v2 =	vmul.f32 v7, v2;
	v1 =	vadd.f32 v3, v1;
	v12 =	vld [tilespmem:s4+$0xFFFFFFE0]  }
0x264: {  	v13 =	vld [tilespmem:s4+$0x60]  }
0x265: {  	v1 =	vadd.f32 v2, v1;
	v3 =	vld [tilespmem:s30+$0x20]  }
0x266: {  	v2 =	vmul.bf16 v8, v6;
	v6 =	vmul.bf16 v14, v18;
	v7 =	vld [tilespmem:s4+$0x20]  }
0x267: {  	v8 =	vld [tilespmem:s30+$0xFFFFFFF0]  }
0x268: {  	v14 =	vunpack.i.l.bf16.f32 v2;
	v18 =	vunpack.i.u.bf16.f32 v6;
	v6 =	vunpack.i.l.bf16.f32 v6;
	v19 =	vld [tilespmem:s4+$0x0]  }
0x269: {  	v11 =	vmul.bf16 v12, v11;
	v14 =	vadd.f32 $0.0e+00, v14;
	v6 =	vadd.f32 $0.0e+00, v6;
	v12 =	vld [tilespmem:s4+$0xFFFFFFF0]  }
0x26a: {  	v15 =	vmul.bf16 v15, v17;
	v2 =	vunpack.i.u.bf16.f32 v2;
	v17 =	vld [tilespmem:s30+$0x60]  }
0x26b: {  	v9 =	vmul.bf16 v10, v9;
	v6 =	vadd.f32 v6, v18;
	v3 =	vmul.bf16 v7, v3;
	v7 =	vld [tilespmem:s4+$0x70]  }
0x26c: {  	v10 =	vmul.bf16 v16, v21;
	v16 =	vunpack.i.u.bf16.f32 v11;
	v18 =	vunpack.i.u.bf16.f32 v15;
	v21 =	vld [tilespmem:s30+$0x30]  }
0x26d: {  	s5 =	sadd.s32 s5, s1;
	v22 =	vunpack.i.l.bf16.f32 v9;
	v15 =	vunpack.i.l.bf16.f32 v15;
	v24 =	vld [tilespmem:s4+$0xFFFFFFD0];
	v25 =	vunpack.i.u.bf16.f32 v3  }
0x26e: {  	s6 =	sadd.s32 $0xA0, s5;
	s7 =	sadd.s32 $0xA1, s5;
	s8 =	sadd.s32 $0xA4, s5;
	v20 =	vmul.bf16 v20, v23;
	v26 =	vunpack.i.l.bf16.f32 v10;
	v27 =	vunpack.i.l.bf16.f32 v3;
	v23 =	vld [tilespmem:s30+$0xFFFFFFD0]  }
0x26f: {  	v28 =	vmov s6;
	s6 =	sadd.s32 $0xA2, s5;
	s5 =	sadd.s32 $0xA3, s5;
	v9 =	vunpack.i.u.bf16.f32 v9;
	v6 =	vadd.f32 v22, v6;
	v22 =	vld [tilespmem:s30+$0x70]  }
0x270: {  	v30 =	vmov s8;
	v3 =	vunpack.i.u.bf16.f32 v10;
	v10 =	vunpack.i.l.bf16.f32 v20;
	v29 =	vld [tilespmem:s30+$0x40]  }
0x271: {  	v31 =	vmov s6;
	v6 =	vadd.f32 v6, v9;
	v9 =	vmul.bf16 v12, v8;
	v12 =	vld [tilespmem:s30+$0x0]  }
0x272: {  	v33 =	vmov s5;
	v8 =	vunpack.i.u.bf16.f32 v20;
	v20 =	vunpack.i.l.bf16.f32 v11;
	v32 =	vld [tilespmem:s4+$0xFFFFFF90]  }
0x273: {  	v6 =	vadd.f32 v10, v6;
	v10 =	vmov s7;
	v34 =	vld [tilespmem:s30+$0xFFFFFF90];
	v35 =	vmul.bf16 v24, v23  }
0x274: {  	v14 =	vadd.f32 v14, v2;
	v11 =	vunpack.i.u.bf16.f32 v9;
	v22 =	vmul.bf16 v7, v22;
	v36 =	vld [tilespmem:s4+$0x90]  }
0x275: {  	v6 =	vadd.f32 v6, v8;
	v23 =	vadd.f32 $0.0e+00, v27;
	v24 =	vmul.bf16 v5, v29;
	v2 =	vld.idx.msk [tilespmem:v30+s17+$0x0], $0xffff  }
0x276: {  	v20 =	vadd.f32 $0.0e+00, v20;
	v4 =	vmul.bf16 v4, v21;
	v8 =	vunpack.i.l.bf16.f32 v22;
	v30 =	vld [tilespmem:s30+$0x90]  }
0x277: {  	v13 =	vmul.bf16 v13, v17;
	v29 =	vunpack.i.l.bf16.f32 v9;
	v7 =	vunpack.i.l.bf16.f32 v24;
	v37 =	vld [tilespmem:s4+$0x80]  }
0x278: {  	v17 =	vunpack.i.l.bf16.f32 v35;
	v21 =	vadd.f32 v23, v25;
	v9 =	vunpack.i.u.bf16.f32 v22;
	v5 =	vld.idx.msk [tilespmem:v10+s17+$0x0], $0xffff  }
0x279: {  	v14 =	vadd.f32 v15, v14;
	v25 =	vadd.f32 v17, v6;
	v6 =	vmul.bf16 v19, v12;
	v10 =	vld.idx.msk [tilespmem:v28+s17+$0x0], $0xffff  }
0x27a: {  	v15 =	vunpack.i.l.bf16.f32 v13;
	v12 =	vadd.f32 v20, v16;
	v16 =	vunpack.i.u.bf16.f32 v4;
	v28 =	vld [tilespmem:s30+$0x80]  }
0x27b: {  	v4 =	vunpack.i.l.bf16.f32 v4;
	v22 =	vmul.bf16 v32, v34;
	v32 =	vadd.f32 $0.0e+00, v15;
	v19 =	vld [tilespmem:s4+$0x10]  }
.Ltmp6:
0x27c: {  	v18 =	vadd.f32 v14, v18;
	v15 =	vunpack.i.u.bf16.f32 v6;
	v17 =	vunpack.i.l.bf16.f32 v6;
	v23 =	vld [tilespmem:s30+$0x10];
	(pc) =	sbr.rel @p1 .LBB2_11-.Ltmp6, $4  }
0x27d: {  	v20 =	vadd.f32 v4, v21;
	v14 =	vunpack.i.u.bf16.f32 v24;
	v4 =	vunpack.i.u.bf16.f32 v13;
	v6 =	vld.idx.msk [tilespmem:v33+s17+$0x0], $0xffff  }
0x27e: {  	v27 =	vadd.f32 v26, v18;
	v18 =	vunpack.i.u.bf16.f32 v22;
	v24 =	vunpack.i.l.bf16.f32 v22;
	v21 =	vld [tilespmem:s4+$0x50]  }
0x27f: {  	v13 =	vunpack.i.u.bf16.f32 v35;
	v29 =	vadd.f32 v29, v12;
	v22 =	vld [tilespmem:s30+$0x50];
	v26 =	vmul.bf16 v37, v28  }
0x280: {  	s4 =	sadd.s32 $0x140, s4;
	v28 =	vadd.f32 v25, v13;
	v25 =	vadd.f32 v32, v4;
	v13 =	vmul.bf16 v36, v30;
	v12 =	vld.idx.msk [tilespmem:v31+s17+$0x0], $0xffff  }
0x281: {  	v3 =	vadd.f32 v27, v3  }
0x282: {  	v4 =	vadd.f32 v29, v11;
	v16 =	vadd.f32 v20, v16  }
0x283: {  	v50 =	vmul.bf16 v19, v23;
	v8 =	vadd.f32 v8, v25;
	v3 =	vadd.f32 v24, v3  }
0x284: {  	v51 =	vunpack.i.u.bf16.f32 v26;
	v52 =	vunpack.i.l.bf16.f32 v26;
	v4 =	vadd.f32 v17, v4  }
0x285: {  	v5 =	vmul.f32 v28, v5;
	v8 =	vadd.f32 v8, v9;
	v3 =	vadd.f32 v3, v18  }
0x286: {  	v7 =	vadd.f32 v7, v16;
	v54 =	vunpack.i.l.bf16.f32 v50;
	v4 =	vadd.f32 v4, v15  }
0x287: {  	v53 =	vmul.bf16 v21, v22;
	v8 =	vadd.f32 v52, v8;
	v3 =	vmul.f32 v3, v10  }
0x288: {  	v56 =	vunpack.i.u.bf16.f32 v50;
	v7 =	vadd.f32 v7, v14;
	v4 =	vadd.f32 v54, v4  }
0x289: {  	v55 =	vunpack.i.l.bf16.f32 v53;
	v57 =	vadd.f32 v8, v51;
	v1 =	vadd.f32 v3, v1  }
0x28a: {  	v59 =	vunpack.i.l.bf16.f32 v13;
	v3 =	vadd.f32 v55, v7;
	v4 =	vadd.f32 v4, v56  }
0x28b: {  	v58 =	vunpack.i.u.bf16.f32 v53;
	v60 =	vadd.f32 v59, v57  }
0x28c: {  	v1 =	vadd.f32 v5, v1;
	v3 =	vadd.f32 v3, v58;
	v4 =	vmul.f32 v4, v12  }
0x28d: {  	v61 =	vunpack.i.u.bf16.f32 v13  }
0x28e: {  	v62 =	vadd.f32 v60, v61;
	v3 =	vmul.f32 v3, v6;
	v1 =	vadd.f32 v4, v1  }
0x28f: {  	v63 =	vld [tilespmem:$0xD930]  }
0x290: {  	v2 =	vmul.f32 v62, v2;
	v1 =	vadd.f32 v3, v1;
	_ =	sdelay $0x1  }
.Ltmp7:
0x291: {  	v1 =	vadd.f32 v2, v1;
	(pc) =	sbr.rel @p0 .LBB2_14-.Ltmp7, $3  }
0x292: {  	_ = 	snop  }
0x293: {  	v1 =	vadd.f32 v63, v1;
	_ =	sdelay $0x1  }
0x294: {  	[tilespmem:$0xD930] =	vst v1  }
.Ltmp8:
0x295: {  	(pc) =	sbr.rel .LBB2_2-.Ltmp8, $4  }
0x296: {  	s4 =	sadd.s32 $0x168, s19  }
0x297: {  	[tilespmem:s14], [sflag:$0x9] =	stream.indirect.gather [spmem:s2], $0x40, s4, s18, $0xb8;
	[tilespmem:$0x17580] =	vst v63  }
0x298: {  	s30 =	sadd.s32 $0x2878, s19;
	s0 =	sadd.s32 $0x1, s0;
	s1 =	sadd.s32 $0xC8, s1  }
0x299: {  	[tilespmem:s20], [sflag:$0xA] =	stream.indirect.gather [spmem:s2], $0x40, s30, s18, $0xb8;
	[tilespmem:$0x17580] =	vst v63  }
.LBB2_15:
0x29a: {  	_ =	sfence.sel $0x180000  }
0x29b: {  	[bflag:$0x0] =	sbarrier.arrive $0xFFFF  }
0x29c: {  	_ =	strace $0x90000047  }
0x29d: {  	s0 =	stileid.u32;
	[bflag:$0x2] =	sbarrier.arrive $0xFFFF  }
0x29e: {  	p0 =	sne.s32 s0, $0x0;
	s0 =	rddreg [dreg:$0x3]  }
0x29f: {  	s0 =	sadd.s32 @!p0 $0x100000, s0  }
0x2a0: {  	[sflag:s0] =	ssyncadd.tile.s32 @!p0 $0x1;
	_ =	shalt  }
.Lfunc_end2:
_tile_overlayer_lowered:
.L_overlay_start_2:
0x2a1: {  	(tag) =	ssettag $0x2  }
0x2a2: {  	s0 =	rddreg [dreg:$0x0];
	s2 =	stileid.u32  }
0x2a3: {  	s1 =	rddreg [dreg:$0x1];
	p0 =	sne.s32 s2, $0x0  }
0x2a4: {  	s3 =	rddreg [dreg:$0x2];
	[bflag:$0x3] =	sbarrier.arrive $0xFFFF;
	s2 =	simm.s32 @!p0 $0x1C0B  }
0x2a5: {  	[timem:s3], [sflag:s2] =	dma.local @!p0 [hbm:s0], s1  }
0x2a6: {  	s0 =	simm.s32 @!p0 $0xB  }
0x2a7: {  	_ =	swait.ge @!p0 [sflag:s0], s1  }
0x2a8: {  	s1 =	ssub.s32 @!p0 $0x0, s1;
	[sflag:s0] =	ssyncset.done @!p0 $0x0  }
0x2a9: {  	[sflag:s0] =	ssyncadd.s32 @!p0 s1  }
0x2aa: {  	[bflag:$0x3] =	sbarrier.arrive $0xFFFF  }
0x2ab: {  	_ =	shalt  }

</sc_bundles>
